<compile_context>
chip_gen: v7x
topology: tpu7x:2x2x1
jax: 0.10.2.dev20260603
libtpu: 0.0.44.dev20260713+nightly
codegen_flags: <defaults>
</compile_context>

<pallas_src>
import functools

import jax
import jax.numpy as jnp
import numpy as np
from jax import lax
from jax.experimental import pallas as pl
from jax.experimental.pallas import tpu as pltpu
from jax.experimental.pallas import tpu_sc as plsc

NC = 2
NS = 16
NW = NC * NS
CHUNK = 128
PHASES = 2


def _make_sc_segment_sum(n_pad, d, pc):
    mesh = plsc.VectorSubcoreMesh(core_axis_name="c", subcore_axis_name="s")
    rows_per_tile = n_pad // NS

    @functools.partial(
        pl.kernel,
        out_type=jax.ShapeDtypeStruct((NC, n_pad, d), jnp.float32),
        mesh=mesh,
        scratch_types=[
            pltpu.VMEM((pc, CHUNK), jnp.int32),
            pltpu.VMEM((pc, CHUNK), jnp.int32),
            pltpu.VMEM((CHUNK, d), jnp.float32),
            pltpu.VMEM((CHUNK, d), jnp.float32),
            pltpu.VMEM_SHARED((n_pad, d), jnp.float32),
            pltpu.SemaphoreType.DMA,
            pltpu.SemaphoreType.DMA,
        ],
    )
    def k(h_hbm, zeros_hbm, edges_hbm, out_hbm,
          src_v, dst_v, buf_a, buf_b, acc, sem_a, sem_b):
        cid = lax.axis_index("c")
        sid = lax.axis_index("s")
        wid = cid * NS + sid
        base = sid * rows_per_tile
        @pl.when(cid == 0)
        def _():
            pltpu.sync_copy(h_hbm.at[pl.ds(base, rows_per_tile)],
                            acc.at[pl.ds(base, rows_per_tile)])

        @pl.when(cid != 0)
        def _():
            pltpu.sync_copy(zeros_hbm.at[pl.ds(base, rows_per_tile)],
                            acc.at[pl.ds(base, rows_per_tile)])

        plsc.subcore_barrier()

        def g_start(j, buf, sem):
            pltpu.async_copy(h_hbm.at[src_v.at[j]], buf, sem)

        def g_wait(j, buf, sem):
            pltpu.make_async_copy(h_hbm.at[src_v.at[j]], buf, sem).wait()

        def scat(j, buf):
            pltpu.sync_copy(buf, acc.at[dst_v.at[j]], add=True)

        for ph in range(PHASES):
            pltpu.sync_copy(edges_hbm.at[0].at[wid].at[ph], src_v)
            pltpu.sync_copy(edges_hbm.at[1].at[wid].at[ph], dst_v)

            g_start(0, buf_a, sem_a)

            def body(jj, carry):
                j0 = 2 * jj
                g_start(j0 + 1, buf_b, sem_b)
                g_wait(j0, buf_a, sem_a)
                scat(j0, buf_a)

                @pl.when(jj < pc // 2 - 1)
                def _():
                    g_start(j0 + 2, buf_a, sem_a)

                g_wait(j0 + 1, buf_b, sem_b)
                scat(j0 + 1, buf_b)
                return carry

            lax.fori_loop(0, pc // 2, body, 0)
        plsc.subcore_barrier()
        pltpu.sync_copy(acc.at[pl.ds(base, rows_per_tile)],
                        out_hbm.at[cid].at[pl.ds(base, rows_per_tile)])

    return k


def _make_mlp(n_pad, d, bm, n_out, final):
    inv_std = float((1.0 + 1e-5) ** -0.5)

    def body(p_ref, w1_ref, b1_ref, w2_ref, b2_ref, g_ref, be_ref, o_ref):
        z = p_ref[0] + p_ref[1]
        y = jnp.dot(z, w1_ref[...], preferred_element_type=jnp.float32)
        y = jnp.maximum(y + b1_ref[...], 0.0)
        y = jnp.dot(y, w2_ref[...], preferred_element_type=jnp.float32)
        y = y + b2_ref[...]
        y = y * (g_ref[...] * inv_std) + be_ref[...]
        if not final:
            y = jnp.maximum(y, 0.0)
        o_ref[...] = y

    grid = -(-n_out // bm)
    full = lambda i: (0, 0)
    return pl.pallas_call(
        body,
        grid=(grid,),
        in_specs=[
            pl.BlockSpec((NC, bm, d), lambda i: (0, i, 0)),
            pl.BlockSpec((d, d), full),
            pl.BlockSpec((d,), lambda i: (0,)),
            pl.BlockSpec((d, d), full),
            pl.BlockSpec((d,), lambda i: (0,)),
            pl.BlockSpec((d,), lambda i: (0,)),
            pl.BlockSpec((d,), lambda i: (0,)),
        ],
        out_specs=pl.BlockSpec((bm, d), lambda i: (i, 0)),
        out_shape=jax.ShapeDtypeStruct((n_out, d), jnp.float32),
    )


def kernel(x, edge_index, params):
    n, d = x.shape
    e = edge_index.shape[1]
    n_pad = ((n + 1 + 127) // 128) * 128
    chunks = -(-e // (NW * CHUNK))
    pc = -(-chunks // PHASES)
    pc = ((pc + 1) // 2) * 2
    chunks = PHASES * pc
    e_pad = NW * chunks * CHUNK

    bm = n_pad
    while bm > 4096 or bm % 8:
        bm //= 2

    pad_np = (n + np.arange(e_pad - e) % (n_pad - n)).astype(np.int32)
    pad_block = jnp.asarray(np.broadcast_to(pad_np, (2, e_pad - e)))
    edges = jnp.concatenate([edge_index, pad_block], axis=1)
    edges = edges.reshape(2, NW, PHASES, pc, CHUNK)

    h = jnp.concatenate([x, jnp.zeros((n_pad - n, d), jnp.float32)])
    zeros = jnp.zeros((n_pad, d), jnp.float32)

    seg = _make_sc_segment_sum(n_pad, d, pc)
    for i, (w1, b1, w2, b2, gamma, beta) in enumerate(params):
        final = i == len(params) - 1
        p = seg(h, zeros, edges)
        mlp = _make_mlp(n_pad, d, bm, n if final else n_pad, final)
        h = mlp(p, w1, b1, w2, b2, gamma, beta)
    return h

# --- scband reference (transcript-rebuilt; emitter-appended) ---
"""Pipeline reference for scband-ginencoder-41515153883619 (READ-ONLY COPY).

The authoritative reference and input builder live on the scoring server;
editing this copy changes nothing except your own understanding.
"""

import jax, jax.numpy as jnp
import numpy as np

N = 10000
E = 320000
D_IN = 128
D_H = 128
NUM_LAYERS = 3
BN_EPS = 1e-5


def setup_inputs(seed: int = 0) -> dict:
    key = jax.random.key(seed)
    ks = jax.random.split(key, 2 + NUM_LAYERS * 4)
    x = jax.random.normal(ks[0], (N, D_IN), dtype=jnp.float32)
    edge_index = jax.random.randint(ks[1], (2, E), 0, N, dtype=jnp.int32)
    params = []
    ki = 2
    for l in range(NUM_LAYERS):
        d_in = D_IN if l == 0 else D_H
        W1 = jax.random.normal(ks[ki], (d_in, D_H), dtype=jnp.float32) * (1.0 / np.sqrt(d_in))
        b1 = jnp.zeros((D_H,), dtype=jnp.float32)
        W2 = jax.random.normal(ks[ki + 1], (D_H, D_H), dtype=jnp.float32) * (1.0 / np.sqrt(D_H))
        b2 = jnp.zeros((D_H,), dtype=jnp.float32)
        gamma = jnp.ones((D_H,), dtype=jnp.float32)
        beta = jnp.zeros((D_H,), dtype=jnp.float32)
        params.append((W1, b1, W2, b2, gamma, beta))
        ki += 2
    return {"x": x, "edge_index": edge_index, "params": tuple(params)}


def reference(x, edge_index, params):
    # GINEncoder forward, eval mode (dropout off, BatchNorm uses running stats
    # mean=0, var=1 as in a freshly-initialized module).
    src = edge_index[0]
    dst = edge_index[1]
    h = x
    n = x.shape[0]
    inv_std = 1.0 / jnp.sqrt(1.0 + BN_EPS)
    for i, (W1, b1, W2, b2, gamma, beta) in enumerate(params):
        # GINConv (eps=0): mlp((1+eps)*x + sum_{j->i} x_j)
        msgs = h[src]
        agg = jax.ops.segment_sum(msgs, dst, num_segments=n)
        z = h + agg
        z = jnp.dot(z, W1) + b1
        z = jax.nn.relu(z)
        z = jnp.dot(z, W2) + b2
        # BatchNorm1d eval: (z - running_mean) / sqrt(running_var + eps) * gamma + beta
        z = z * inv_std * gamma + beta
        if i < len(params) - 1:
            z = jax.nn.relu(z)
            # dropout: identity in eval mode
        h = z
    return h

if __name__ == "__main__":
    import jax
    _d = setup_inputs()
    print(jax.jit(kernel)(*tuple(_d.values())))

</pallas_src>

<mosaic_0001>
#map = affine_map<(d0, d1) -> (0, 0)>
#map1 = affine_map<(d0, d1) -> (0, 0, 0, 0, 0)>
#map2 = affine_map<(d0, d1) -> (0, 0, 0)>
module attributes {stable_mosaic.version = 14 : i64} {
  func.func @k(%arg0: i32, %arg1: i32, %arg2: memref<10112x128xf32, #tpu.memory_space<hbm>>, %arg3: memref<10112x128xf32, #tpu.memory_space<hbm>>, %arg4: memref<2x32x2x40x128xi32, #tpu.memory_space<hbm>>, %arg5: memref<2x10112x128xf32, #tpu.memory_space<hbm>>, %arg6: memref<40x128xi32, #tpu.memory_space<vmem>>, %arg7: memref<40x128xi32, #tpu.memory_space<vmem>>, %arg8: memref<128x128xf32, #tpu.memory_space<vmem>>, %arg9: memref<128x128xf32, #tpu.memory_space<vmem>>, %arg10: memref<10112x128xf32, #tpu.memory_space<vmem_shared>>, %arg11: memref<!tpu.dma_semaphore, #tpu.memory_space<semaphore_mem>>, %arg12: memref<!tpu.dma_semaphore, #tpu.memory_space<semaphore_mem>>) attributes {dimension_semantics = [#tpu.dimension_semantics<core_parallel>, #tpu.dimension_semantics<subcore_parallel>], iteration_bounds = array<i64: 2, 16>, scalar_prefetch = 0 : i64, scratch_operands = 7 : i64, tpu.core_type = #tpu.core_type<sc_vector_subcore>, window_params = [{transform_indices = #map}, {transform_indices = #map}, {transform_indices = #map1}, {transform_indices = #map2}]} {
    %mul3A = arith.constant 16 : i32
    %mul3A_0 = arith.muli %arg0, %mul3A : i32
    %add3A = arith.addi %mul3A_0, %arg1 : i32
    %mul3A_1 = arith.constant 632 : i32
    %mul3A_2 = arith.muli %arg1, %mul3A_1 : i32
    %eq3A = arith.constant 0 : i32
    %eq3A_3 = arith.cmpi eq, %arg0, %eq3A : i32
    %convert_element_type3A = arith.extui %eq3A_3 : i1 to i32
    %cond3A = arith.constant 0 : i32
    %cond3A_4 = arith.cmpi ne, %convert_element_type3A, %cond3A : i32
    scf.if %cond3A_4 {
      "tpu.region"() ({
        %run_scoped3A_41 = tpu.sem_alloc : memref<!tpu.dma_semaphore, #tpu.memory_space<semaphore_mem>>
        %dma_start3A_42 = arith.constant 0 : i32
        %dma_start3A_43 = tpu.memref_slice %arg10[%mul3A_2, %dma_start3A_42] : memref<10112x128xf32, #tpu.memory_space<vmem_shared>> -> memref<632x128xf32, #tpu.memory_space<vmem_shared>>
        %dma_start3A_44 = arith.constant 0 : i32
        %dma_start3A_45 = tpu.memref_slice %arg2[%mul3A_2, %dma_start3A_44] : memref<10112x128xf32, #tpu.memory_space<hbm>> -> memref<632x128xf32, #tpu.memory_space<hbm>>
        tpu.enqueue_dma source(%dma_start3A_45 : memref<632x128xf32, #tpu.memory_space<hbm>>) target(%dma_start3A_43 : memref<632x128xf32, #tpu.memory_space<vmem_shared>>) target_semaphore(%run_scoped3A_41 : memref<!tpu.dma_semaphore, #tpu.memory_space<semaphore_mem>>)
        %dma_wait3A = arith.constant 0 : i32
        %dma_wait3A_46 = tpu.memref_slice %arg10[%mul3A_2, %dma_wait3A] : memref<10112x128xf32, #tpu.memory_space<vmem_shared>> -> memref<632x128xf32, #tpu.memory_space<vmem_shared>>
        %dma_wait3A_47 = arith.constant 0 : i32
        %dma_wait3A_48 = tpu.memref_slice %arg2[%mul3A_2, %dma_wait3A_47] : memref<10112x128xf32, #tpu.memory_space<hbm>> -> memref<632x128xf32, #tpu.memory_space<hbm>>
        tpu.wait_dma2 semaphore(%run_scoped3A_41 : memref<!tpu.dma_semaphore, #tpu.memory_space<semaphore_mem>>) src(%dma_wait3A_48 : memref<632x128xf32, #tpu.memory_space<hbm>>) dst(%dma_wait3A_46 : memref<632x128xf32, #tpu.memory_space<vmem_shared>>)
        tpu.yield
      }) : () -> ()
    } else {
    }
    %ne3A = arith.constant 0 : i32
    %ne3A_5 = arith.cmpi ne, %arg0, %ne3A : i32
    %convert_element_type3A_6 = arith.extui %ne3A_5 : i1 to i32
    %cond3A_7 = arith.constant 0 : i32
    %cond3A_8 = arith.cmpi ne, %convert_element_type3A_6, %cond3A_7 : i32
    scf.if %cond3A_8 {
      "tpu.region"() ({
        %run_scoped3A_41 = tpu.sem_alloc : memref<!tpu.dma_semaphore, #tpu.memory_space<semaphore_mem>>
        %dma_start3A_42 = arith.constant 0 : i32
        %dma_start3A_43 = tpu.memref_slice %arg10[%mul3A_2, %dma_start3A_42] : memref<10112x128xf32, #tpu.memory_space<vmem_shared>> -> memref<632x128xf32, #tpu.memory_space<vmem_shared>>
        %dma_start3A_44 = arith.constant 0 : i32
        %dma_start3A_45 = tpu.memref_slice %arg3[%mul3A_2, %dma_start3A_44] : memref<10112x128xf32, #tpu.memory_space<hbm>> -> memref<632x128xf32, #tpu.memory_space<hbm>>
        tpu.enqueue_dma source(%dma_start3A_45 : memref<632x128xf32, #tpu.memory_space<hbm>>) target(%dma_start3A_43 : memref<632x128xf32, #tpu.memory_space<vmem_shared>>) target_semaphore(%run_scoped3A_41 : memref<!tpu.dma_semaphore, #tpu.memory_space<semaphore_mem>>)
        %dma_wait3A = arith.constant 0 : i32
        %dma_wait3A_46 = tpu.memref_slice %arg10[%mul3A_2, %dma_wait3A] : memref<10112x128xf32, #tpu.memory_space<vmem_shared>> -> memref<632x128xf32, #tpu.memory_space<vmem_shared>>
        %dma_wait3A_47 = arith.constant 0 : i32
        %dma_wait3A_48 = tpu.memref_slice %arg3[%mul3A_2, %dma_wait3A_47] : memref<10112x128xf32, #tpu.memory_space<hbm>> -> memref<632x128xf32, #tpu.memory_space<hbm>>
        tpu.wait_dma2 semaphore(%run_scoped3A_41 : memref<!tpu.dma_semaphore, #tpu.memory_space<semaphore_mem>>) src(%dma_wait3A_48 : memref<632x128xf32, #tpu.memory_space<hbm>>) dst(%dma_wait3A_46 : memref<632x128xf32, #tpu.memory_space<vmem_shared>>)
        tpu.yield
      }) : () -> ()
    } else {
    }
    %barrier3A = arith.constant 0 : index
    tpu.barrier barrier_id(%barrier3A)
    %run_scoped3A = arith.constant 0 : i32
    %run_scoped3A_9 = arith.constant 0 : i32
    "tpu.region"() ({
      %run_scoped3A_41 = tpu.sem_alloc : memref<!tpu.dma_semaphore, #tpu.memory_space<semaphore_mem>>
      %dma_start3A_42 = arith.constant 0 : i32
      %dma_start3A_43 = arith.constant 0 : i32
      %dma_start3A_44 = arith.constant 0 : i32
      %dma_start3A_45 = arith.constant 0 : i32
      %dma_start3A_46 = tpu.memref_slice %arg4[%run_scoped3A, %dma_start3A_42, %dma_start3A_43, %dma_start3A_44, %dma_start3A_45] : memref<2x32x2x40x128xi32, #tpu.memory_space<hbm>> -> memref<1x32x2x40x128xi32, #tpu.memory_space<hbm>>
      %dma_start3A_47 = tpu.memref_squeeze %dma_start3A_46 : memref<1x32x2x40x128xi32, #tpu.memory_space<hbm>> -> memref<32x2x40x128xi32, #tpu.memory_space<hbm>>
      %dma_start3A_48 = arith.constant 0 : i32
      %dma_start3A_49 = arith.constant 0 : i32
      %dma_start3A_50 = arith.constant 0 : i32
      %dma_start3A_51 = tpu.memref_slice %dma_start3A_47[%add3A, %dma_start3A_48, %dma_start3A_49, %dma_start3A_50] : memref<32x2x40x128xi32, #tpu.memory_space<hbm>> -> memref<1x2x40x128xi32, #tpu.memory_space<hbm>>
      %dma_start3A_52 = tpu.memref_squeeze %dma_start3A_51 : memref<1x2x40x128xi32, #tpu.memory_space<hbm>> -> memref<2x40x128xi32, #tpu.memory_space<hbm>>
      %dma_start3A_53 = arith.constant 0 : i32
      %dma_start3A_54 = arith.constant 0 : i32
      %dma_start3A_55 = tpu.memref_slice %dma_start3A_52[%run_scoped3A_9, %dma_start3A_53, %dma_start3A_54] : memref<2x40x128xi32, #tpu.memory_space<hbm>> -> memref<1x40x128xi32, #tpu.memory_space<hbm>>
      %dma_start3A_56 = tpu.memref_squeeze %dma_start3A_55 : memref<1x40x128xi32, #tpu.memory_space<hbm>> -> memref<40x128xi32, #tpu.memory_space<hbm>>
      %dma_start3A_57 = arith.constant 0 : i32
      %dma_start3A_58 = arith.constant 0 : i32
      %dma_start3A_59 = arith.constant 0 : i32
      %dma_start3A_60 = arith.constant 0 : i32
      %dma_start3A_61 = tpu.memref_slice %arg4[%run_scoped3A, %dma_start3A_57, %dma_start3A_58, %dma_start3A_59, %dma_start3A_60] : memref<2x32x2x40x128xi32, #tpu.memory_space<hbm>> -> memref<1x32x2x40x128xi32, #tpu.memory_space<hbm>>
      %dma_start3A_62 = tpu.memref_squeeze %dma_start3A_61 : memref<1x32x2x40x128xi32, #tpu.memory_space<hbm>> -> memref<32x2x40x128xi32, #tpu.memory_space<hbm>>
      %dma_start3A_63 = arith.constant 0 : i32
      %dma_start3A_64 = arith.constant 0 : i32
      %dma_start3A_65 = arith.constant 0 : i32
      %dma_start3A_66 = tpu.memref_slice %dma_start3A_62[%add3A, %dma_start3A_63, %dma_start3A_64, %dma_start3A_65] : memref<32x2x40x128xi32, #tpu.memory_space<hbm>> -> memref<1x2x40x128xi32, #tpu.memory_space<hbm>>
      %dma_start3A_67 = tpu.memref_squeeze %dma_start3A_66 : memref<1x2x40x128xi32, #tpu.memory_space<hbm>> -> memref<2x40x128xi32, #tpu.memory_space<hbm>>
      %dma_start3A_68 = arith.constant 0 : i32
      %dma_start3A_69 = arith.constant 0 : i32
      %dma_start3A_70 = tpu.memref_slice %dma_start3A_67[%run_scoped3A_9, %dma_start3A_68, %dma_start3A_69] : memref<2x40x128xi32, #tpu.memory_space<hbm>> -> memref<1x40x128xi32, #tpu.memory_space<hbm>>
      %dma_start3A_71 = tpu.memref_squeeze %dma_start3A_70 : memref<1x40x128xi32, #tpu.memory_space<hbm>> -> memref<40x128xi32, #tpu.memory_space<hbm>>
      tpu.enqueue_dma source(%dma_start3A_71 : memref<40x128xi32, #tpu.memory_space<hbm>>) target(%arg6 : memref<40x128xi32, #tpu.memory_space<vmem>>) target_semaphore(%run_scoped3A_41 : memref<!tpu.dma_semaphore, #tpu.memory_space<semaphore_mem>>)
      %dma_wait3A = arith.constant 0 : i32
      %dma_wait3A_72 = arith.constant 0 : i32
      %dma_wait3A_73 = arith.constant 0 : i32
      %dma_wait3A_74 = arith.constant 0 : i32
      %dma_wait3A_75 = tpu.memref_slice %arg4[%run_scoped3A, %dma_wait3A, %dma_wait3A_72, %dma_wait3A_73, %dma_wait3A_74] : memref<2x32x2x40x128xi32, #tpu.memory_space<hbm>> -> memref<1x32x2x40x128xi32, #tpu.memory_space<hbm>>
      %dma_wait3A_76 = tpu.memref_squeeze %dma_wait3A_75 : memref<1x32x2x40x128xi32, #tpu.memory_space<hbm>> -> memref<32x2x40x128xi32, #tpu.memory_space<hbm>>
      %dma_wait3A_77 = arith.constant 0 : i32
      %dma_wait3A_78 = arith.constant 0 : i32
      %dma_wait3A_79 = arith.constant 0 : i32
      %dma_wait3A_80 = tpu.memref_slice %dma_wait3A_76[%add3A, %dma_wait3A_77, %dma_wait3A_78, %dma_wait3A_79] : memref<32x2x40x128xi32, #tpu.memory_space<hbm>> -> memref<1x2x40x128xi32, #tpu.memory_space<hbm>>
      %dma_wait3A_81 = tpu.memref_squeeze %dma_wait3A_80 : memref<1x2x40x128xi32, #tpu.memory_space<hbm>> -> memref<2x40x128xi32, #tpu.memory_space<hbm>>
      %dma_wait3A_82 = arith.constant 0 : i32
      %dma_wait3A_83 = arith.constant 0 : i32
      %dma_wait3A_84 = tpu.memref_slice %dma_wait3A_81[%run_scoped3A_9, %dma_wait3A_82, %dma_wait3A_83] : memref<2x40x128xi32, #tpu.memory_space<hbm>> -> memref<1x40x128xi32, #tpu.memory_space<hbm>>
      %dma_wait3A_85 = tpu.memref_squeeze %dma_wait3A_84 : memref<1x40x128xi32, #tpu.memory_space<hbm>> -> memref<40x128xi32, #tpu.memory_space<hbm>>
      %dma_wait3A_86 = arith.constant 0 : i32
      %dma_wait3A_87 = arith.constant 0 : i32
      %dma_wait3A_88 = arith.constant 0 : i32
      %dma_wait3A_89 = arith.constant 0 : i32
      %dma_wait3A_90 = tpu.memref_slice %arg4[%run_scoped3A, %dma_wait3A_86, %dma_wait3A_87, %dma_wait3A_88, %dma_wait3A_89] : memref<2x32x2x40x128xi32, #tpu.memory_space<hbm>> -> memref<1x32x2x40x128xi32, #tpu.memory_space<hbm>>
      %dma_wait3A_91 = tpu.memref_squeeze %dma_wait3A_90 : memref<1x32x2x40x128xi32, #tpu.memory_space<hbm>> -> memref<32x2x40x128xi32, #tpu.memory_space<hbm>>
      %dma_wait3A_92 = arith.constant 0 : i32
      %dma_wait3A_93 = arith.constant 0 : i32
      %dma_wait3A_94 = arith.constant 0 : i32
      %dma_wait3A_95 = tpu.memref_slice %dma_wait3A_91[%add3A, %dma_wait3A_92, %dma_wait3A_93, %dma_wait3A_94] : memref<32x2x40x128xi32, #tpu.memory_space<hbm>> -> memref<1x2x40x128xi32, #tpu.memory_space<hbm>>
      %dma_wait3A_96 = tpu.memref_squeeze %dma_wait3A_95 : memref<1x2x40x128xi32, #tpu.memory_space<hbm>> -> memref<2x40x128xi32, #tpu.memory_space<hbm>>
      %dma_wait3A_97 = arith.constant 0 : i32
      %dma_wait3A_98 = arith.constant 0 : i32
      %dma_wait3A_99 = tpu.memref_slice %dma_wait3A_96[%run_scoped3A_9, %dma_wait3A_97, %dma_wait3A_98] : memref<2x40x128xi32, #tpu.memory_space<hbm>> -> memref<1x40x128xi32, #tpu.memory_space<hbm>>
      %dma_wait3A_100 = tpu.memref_squeeze %dma_wait3A_99 : memref<1x40x128xi32, #tpu.memory_space<hbm>> -> memref<40x128xi32, #tpu.memory_space<hbm>>
      tpu.wait_dma2 semaphore(%run_scoped3A_41 : memref<!tpu.dma_semaphore, #tpu.memory_space<semaphore_mem>>) src(%dma_wait3A_100 : memref<40x128xi32, #tpu.memory_space<hbm>>) dst(%arg6 : memref<40x128xi32, #tpu.memory_space<vmem>>)
      tpu.yield
    }) : () -> ()
    %run_scoped3A_10 = arith.constant 1 : i32
    %run_scoped3A_11 = arith.constant 0 : i32
    "tpu.region"() ({
      %run_scoped3A_41 = tpu.sem_alloc : memref<!tpu.dma_semaphore, #tpu.memory_space<semaphore_mem>>
      %dma_start3A_42 = arith.constant 0 : i32
      %dma_start3A_43 = arith.constant 0 : i32
      %dma_start3A_44 = arith.constant 0 : i32
      %dma_start3A_45 = arith.constant 0 : i32
      %dma_start3A_46 = tpu.memref_slice %arg4[%run_scoped3A_10, %dma_start3A_42, %dma_start3A_43, %dma_start3A_44, %dma_start3A_45] : memref<2x32x2x40x128xi32, #tpu.memory_space<hbm>> -> memref<1x32x2x40x128xi32, #tpu.memory_space<hbm>>
      %dma_start3A_47 = tpu.memref_squeeze %dma_start3A_46 : memref<1x32x2x40x128xi32, #tpu.memory_space<hbm>> -> memref<32x2x40x128xi32, #tpu.memory_space<hbm>>
      %dma_start3A_48 = arith.constant 0 : i32
      %dma_start3A_49 = arith.constant 0 : i32
      %dma_start3A_50 = arith.constant 0 : i32
      %dma_start3A_51 = tpu.memref_slice %dma_start3A_47[%add3A, %dma_start3A_48, %dma_start3A_49, %dma_start3A_50] : memref<32x2x40x128xi32, #tpu.memory_space<hbm>> -> memref<1x2x40x128xi32, #tpu.memory_space<hbm>>
      %dma_start3A_52 = tpu.memref_squeeze %dma_start3A_51 : memref<1x2x40x128xi32, #tpu.memory_space<hbm>> -> memref<2x40x128xi32, #tpu.memory_space<hbm>>
      %dma_start3A_53 = arith.constant 0 : i32
      %dma_start3A_54 = arith.constant 0 : i32
      %dma_start3A_55 = tpu.memref_slice %dma_start3A_52[%run_scoped3A_11, %dma_start3A_53, %dma_start3A_54] : memref<2x40x128xi32, #tpu.memory_space<hbm>> -> memref<1x40x128xi32, #tpu.memory_space<hbm>>
      %dma_start3A_56 = tpu.memref_squeeze %dma_start3A_55 : memref<1x40x128xi32, #tpu.memory_space<hbm>> -> memref<40x128xi32, #tpu.memory_space<hbm>>
      %dma_start3A_57 = arith.constant 0 : i32
      %dma_start3A_58 = arith.constant 0 : i32
      %dma_start3A_59 = arith.constant 0 : i32
      %dma_start3A_60 = arith.constant 0 : i32
      %dma_start3A_61 = tpu.memref_slice %arg4[%run_scoped3A_10, %dma_start3A_57, %dma_start3A_58, %dma_start3A_59, %dma_start3A_60] : memref<2x32x2x40x128xi32, #tpu.memory_space<hbm>> -> memref<1x32x2x40x128xi32, #tpu.memory_space<hbm>>
      %dma_start3A_62 = tpu.memref_squeeze %dma_start3A_61 : memref<1x32x2x40x128xi32, #tpu.memory_space<hbm>> -> memref<32x2x40x128xi32, #tpu.memory_space<hbm>>
      %dma_start3A_63 = arith.constant 0 : i32
      %dma_start3A_64 = arith.constant 0 : i32
      %dma_start3A_65 = arith.constant 0 : i32
      %dma_start3A_66 = tpu.memref_slice %dma_start3A_62[%add3A, %dma_start3A_63, %dma_start3A_64, %dma_start3A_65] : memref<32x2x40x128xi32, #tpu.memory_space<hbm>> -> memref<1x2x40x128xi32, #tpu.memory_space<hbm>>
      %dma_start3A_67 = tpu.memref_squeeze %dma_start3A_66 : memref<1x2x40x128xi32, #tpu.memory_space<hbm>> -> memref<2x40x128xi32, #tpu.memory_space<hbm>>
      %dma_start3A_68 = arith.constant 0 : i32
      %dma_start3A_69 = arith.constant 0 : i32
      %dma_start3A_70 = tpu.memref_slice %dma_start3A_67[%run_scoped3A_11, %dma_start3A_68, %dma_start3A_69] : memref<2x40x128xi32, #tpu.memory_space<hbm>> -> memref<1x40x128xi32, #tpu.memory_space<hbm>>
      %dma_start3A_71 = tpu.memref_squeeze %dma_start3A_70 : memref<1x40x128xi32, #tpu.memory_space<hbm>> -> memref<40x128xi32, #tpu.memory_space<hbm>>
      tpu.enqueue_dma source(%dma_start3A_71 : memref<40x128xi32, #tpu.memory_space<hbm>>) target(%arg7 : memref<40x128xi32, #tpu.memory_space<vmem>>) target_semaphore(%run_scoped3A_41 : memref<!tpu.dma_semaphore, #tpu.memory_space<semaphore_mem>>)
      %dma_wait3A = arith.constant 0 : i32
      %dma_wait3A_72 = arith.constant 0 : i32
      %dma_wait3A_73 = arith.constant 0 : i32
      %dma_wait3A_74 = arith.constant 0 : i32
      %dma_wait3A_75 = tpu.memref_slice %arg4[%run_scoped3A_10, %dma_wait3A, %dma_wait3A_72, %dma_wait3A_73, %dma_wait3A_74] : memref<2x32x2x40x128xi32, #tpu.memory_space<hbm>> -> memref<1x32x2x40x128xi32, #tpu.memory_space<hbm>>
      %dma_wait3A_76 = tpu.memref_squeeze %dma_wait3A_75 : memref<1x32x2x40x128xi32, #tpu.memory_space<hbm>> -> memref<32x2x40x128xi32, #tpu.memory_space<hbm>>
      %dma_wait3A_77 = arith.constant 0 : i32
      %dma_wait3A_78 = arith.constant 0 : i32
      %dma_wait3A_79 = arith.constant 0 : i32
      %dma_wait3A_80 = tpu.memref_slice %dma_wait3A_76[%add3A, %dma_wait3A_77, %dma_wait3A_78, %dma_wait3A_79] : memref<32x2x40x128xi32, #tpu.memory_space<hbm>> -> memref<1x2x40x128xi32, #tpu.memory_space<hbm>>
      %dma_wait3A_81 = tpu.memref_squeeze %dma_wait3A_80 : memref<1x2x40x128xi32, #tpu.memory_space<hbm>> -> memref<2x40x128xi32, #tpu.memory_space<hbm>>
      %dma_wait3A_82 = arith.constant 0 : i32
      %dma_wait3A_83 = arith.constant 0 : i32
      %dma_wait3A_84 = tpu.memref_slice %dma_wait3A_81[%run_scoped3A_11, %dma_wait3A_82, %dma_wait3A_83] : memref<2x40x128xi32, #tpu.memory_space<hbm>> -> memref<1x40x128xi32, #tpu.memory_space<hbm>>
      %dma_wait3A_85 = tpu.memref_squeeze %dma_wait3A_84 : memref<1x40x128xi32, #tpu.memory_space<hbm>> -> memref<40x128xi32, #tpu.memory_space<hbm>>
      %dma_wait3A_86 = arith.constant 0 : i32
      %dma_wait3A_87 = arith.constant 0 : i32
      %dma_wait3A_88 = arith.constant 0 : i32
      %dma_wait3A_89 = arith.constant 0 : i32
      %dma_wait3A_90 = tpu.memref_slice %arg4[%run_scoped3A_10, %dma_wait3A_86, %dma_wait3A_87, %dma_wait3A_88, %dma_wait3A_89] : memref<2x32x2x40x128xi32, #tpu.memory_space<hbm>> -> memref<1x32x2x40x128xi32, #tpu.memory_space<hbm>>
      %dma_wait3A_91 = tpu.memref_squeeze %dma_wait3A_90 : memref<1x32x2x40x128xi32, #tpu.memory_space<hbm>> -> memref<32x2x40x128xi32, #tpu.memory_space<hbm>>
      %dma_wait3A_92 = arith.constant 0 : i32
      %dma_wait3A_93 = arith.constant 0 : i32
      %dma_wait3A_94 = arith.constant 0 : i32
      %dma_wait3A_95 = tpu.memref_slice %dma_wait3A_91[%add3A, %dma_wait3A_92, %dma_wait3A_93, %dma_wait3A_94] : memref<32x2x40x128xi32, #tpu.memory_space<hbm>> -> memref<1x2x40x128xi32, #tpu.memory_space<hbm>>
      %dma_wait3A_96 = tpu.memref_squeeze %dma_wait3A_95 : memref<1x2x40x128xi32, #tpu.memory_space<hbm>> -> memref<2x40x128xi32, #tpu.memory_space<hbm>>
      %dma_wait3A_97 = arith.constant 0 : i32
      %dma_wait3A_98 = arith.constant 0 : i32
      %dma_wait3A_99 = tpu.memref_slice %dma_wait3A_96[%run_scoped3A_11, %dma_wait3A_97, %dma_wait3A_98] : memref<2x40x128xi32, #tpu.memory_space<hbm>> -> memref<1x40x128xi32, #tpu.memory_space<hbm>>
      %dma_wait3A_100 = tpu.memref_squeeze %dma_wait3A_99 : memref<1x40x128xi32, #tpu.memory_space<hbm>> -> memref<40x128xi32, #tpu.memory_space<hbm>>
      tpu.wait_dma2 semaphore(%run_scoped3A_41 : memref<!tpu.dma_semaphore, #tpu.memory_space<semaphore_mem>>) src(%dma_wait3A_100 : memref<40x128xi32, #tpu.memory_space<hbm>>) dst(%arg7 : memref<40x128xi32, #tpu.memory_space<vmem>>)
      tpu.yield
    }) : () -> ()
    %dma_start3A = arith.constant 0 : i32
    %dma_start3A_12 = arith.constant 0 : i32
    %dma_start3A_13 = tpu.memref_slice %arg6[%dma_start3A, %dma_start3A_12] : memref<40x128xi32, #tpu.memory_space<vmem>> -> memref<1x128xi32, #tpu.memory_space<vmem>>
    %dma_start3A_14 = tpu.memref_squeeze %dma_start3A_13 : memref<1x128xi32, #tpu.memory_space<vmem>> -> memref<128xi32, #tpu.memory_space<vmem>>
    %dma_start3A_15 = arith.constant 0 : i32
    %dma_start3A_16 = arith.constant 0 : i32
    %dma_start3A_17 = tpu.memref_slice %arg2[%dma_start3A_15, %dma_start3A_16] : memref<10112x128xf32, #tpu.memory_space<hbm>> -> memref<10112x128xf32, #tpu.memory_space<hbm>>
    tpu.enqueue_indirect_dma source(%dma_start3A_17 : memref<10112x128xf32, #tpu.memory_space<hbm>>) target(%arg8 : memref<128x128xf32, #tpu.memory_space<vmem>>) offsets(%dma_start3A_14 : memref<128xi32, #tpu.memory_space<vmem>>) semaphore(%arg11 : memref<!tpu.dma_semaphore, #tpu.memory_space<semaphore_mem>>)
    %scan3A = arith.constant 0 : i32
    %scan3A_18 = arith.constant 0 : i32
    %scan3A_19 = arith.constant 20 : i32
    %scan3A_20 = arith.addi %scan3A_18, %scan3A_19 : i32
    %scan3A_21 = arith.constant 1 : i32
    scf.for %scan3A_41 = %scan3A_18 to %scan3A_20 step %scan3A_21  : i32 {
      %mul3A_42 = arith.constant 2 : i32
      %mul3A_43 = arith.muli %mul3A_42, %scan3A_41 : i32
      %add3A_44 = arith.constant 1 : i32
      %add3A_45 = arith.addi %mul3A_43, %add3A_44 : i32
      %dma_start3A_46 = arith.constant 0 : i32
      %dma_start3A_47 = tpu.memref_slice %arg6[%add3A_45, %dma_start3A_46] : memref<40x128xi32, #tpu.memory_space<vmem>> -> memref<1x128xi32, #tpu.memory_space<vmem>>
      %dma_start3A_48 = tpu.memref_squeeze %dma_start3A_47 : memref<1x128xi32, #tpu.memory_space<vmem>> -> memref<128xi32, #tpu.memory_space<vmem>>
      %dma_start3A_49 = arith.constant 0 : i32
      %dma_start3A_50 = arith.constant 0 : i32
      %dma_start3A_51 = tpu.memref_slice %arg2[%dma_start3A_49, %dma_start3A_50] : memref<10112x128xf32, #tpu.memory_space<hbm>> -> memref<10112x128xf32, #tpu.memory_space<hbm>>
      tpu.enqueue_indirect_dma source(%dma_start3A_51 : memref<10112x128xf32, #tpu.memory_space<hbm>>) target(%arg9 : memref<128x128xf32, #tpu.memory_space<vmem>>) offsets(%dma_start3A_48 : memref<128xi32, #tpu.memory_space<vmem>>) semaphore(%arg12 : memref<!tpu.dma_semaphore, #tpu.memory_space<semaphore_mem>>)
      %dma_wait3A = arith.constant 0 : i32
      %dma_wait3A_52 = tpu.memref_slice %arg6[%mul3A_43, %dma_wait3A] : memref<40x128xi32, #tpu.memory_space<vmem>> -> memref<1x128xi32, #tpu.memory_space<vmem>>
      %dma_wait3A_53 = tpu.memref_squeeze %dma_wait3A_52 : memref<1x128xi32, #tpu.memory_space<vmem>> -> memref<128xi32, #tpu.memory_space<vmem>>
      %dma_wait3A_54 = arith.constant 0 : i32
      %dma_wait3A_55 = arith.constant 0 : i32
      %dma_wait3A_56 = tpu.memref_slice %arg2[%dma_wait3A_54, %dma_wait3A_55] : memref<10112x128xf32, #tpu.memory_space<hbm>> -> memref<10112x128xf32, #tpu.memory_space<hbm>>
      tpu.wait_indirect_dma semaphore(%arg11 : memref<!tpu.dma_semaphore, #tpu.memory_space<semaphore_mem>>) src(%dma_wait3A_56 : memref<10112x128xf32, #tpu.memory_space<hbm>>) dst(%arg8 : memref<128x128xf32, #tpu.memory_space<vmem>>)
      "tpu.region"() ({
        %run_scoped3A_71 = tpu.sem_alloc : memref<!tpu.dma_semaphore, #tpu.memory_space<semaphore_mem>>
        %dma_start3A_72 = arith.constant 0 : i32
        %dma_start3A_73 = tpu.memref_slice %arg7[%mul3A_43, %dma_start3A_72] : memref<40x128xi32, #tpu.memory_space<vmem>> -> memref<1x128xi32, #tpu.memory_space<vmem>>
        %dma_start3A_74 = tpu.memref_squeeze %dma_start3A_73 : memref<1x128xi32, #tpu.memory_space<vmem>> -> memref<128xi32, #tpu.memory_space<vmem>>
        %dma_start3A_75 = arith.constant 0 : i32
        %dma_start3A_76 = arith.constant 0 : i32
        %dma_start3A_77 = tpu.memref_slice %arg10[%dma_start3A_75, %dma_start3A_76] : memref<10112x128xf32, #tpu.memory_space<vmem_shared>> -> memref<10112x128xf32, #tpu.memory_space<vmem_shared>>
        tpu.enqueue_indirect_dma source(%arg8 : memref<128x128xf32, #tpu.memory_space<vmem>>) target(%dma_start3A_77 : memref<10112x128xf32, #tpu.memory_space<vmem_shared>>) offsets(%dma_start3A_74 : memref<128xi32, #tpu.memory_space<vmem>>) semaphore(%run_scoped3A_71 : memref<!tpu.dma_semaphore, #tpu.memory_space<semaphore_mem>>) {add = true}
        %dma_wait3A_78 = arith.constant 0 : i32
        %dma_wait3A_79 = tpu.memref_slice %arg7[%mul3A_43, %dma_wait3A_78] : memref<40x128xi32, #tpu.memory_space<vmem>> -> memref<1x128xi32, #tpu.memory_space<vmem>>
        %dma_wait3A_80 = tpu.memref_squeeze %dma_wait3A_79 : memref<1x128xi32, #tpu.memory_space<vmem>> -> memref<128xi32, #tpu.memory_space<vmem>>
        %dma_wait3A_81 = arith.constant 0 : i32
        %dma_wait3A_82 = arith.constant 0 : i32
        %dma_wait3A_83 = tpu.memref_slice %arg10[%dma_wait3A_81, %dma_wait3A_82] : memref<10112x128xf32, #tpu.memory_space<vmem_shared>> -> memref<10112x128xf32, #tpu.memory_space<vmem_shared>>
        tpu.wait_indirect_dma semaphore(%run_scoped3A_71 : memref<!tpu.dma_semaphore, #tpu.memory_space<semaphore_mem>>) src(%arg8 : memref<128x128xf32, #tpu.memory_space<vmem>>) dst(%dma_wait3A_83 : memref<10112x128xf32, #tpu.memory_space<vmem_shared>>)
        tpu.yield
      }) : () -> ()
      %lt3A = arith.constant 19 : i32
      %lt3A_57 = arith.cmpi slt, %scan3A_41, %lt3A : i32
      %convert_element_type3A_58 = arith.extui %lt3A_57 : i1 to i32
      %cond3A_59 = arith.constant 0 : i32
      %cond3A_60 = arith.cmpi ne, %convert_element_type3A_58, %cond3A_59 : i32
      scf.if %cond3A_60 {
        %add3A_71 = arith.constant 2 : i32
        %add3A_72 = arith.addi %mul3A_43, %add3A_71 : i32
        %dma_start3A_73 = arith.constant 0 : i32
        %dma_start3A_74 = tpu.memref_slice %arg6[%add3A_72, %dma_start3A_73] : memref<40x128xi32, #tpu.memory_space<vmem>> -> memref<1x128xi32, #tpu.memory_space<vmem>>
        %dma_start3A_75 = tpu.memref_squeeze %dma_start3A_74 : memref<1x128xi32, #tpu.memory_space<vmem>> -> memref<128xi32, #tpu.memory_space<vmem>>
        %dma_start3A_76 = arith.constant 0 : i32
        %dma_start3A_77 = arith.constant 0 : i32
        %dma_start3A_78 = tpu.memref_slice %arg2[%dma_start3A_76, %dma_start3A_77] : memref<10112x128xf32, #tpu.memory_space<hbm>> -> memref<10112x128xf32, #tpu.memory_space<hbm>>
        tpu.enqueue_indirect_dma source(%dma_start3A_78 : memref<10112x128xf32, #tpu.memory_space<hbm>>) target(%arg8 : memref<128x128xf32, #tpu.memory_space<vmem>>) offsets(%dma_start3A_75 : memref<128xi32, #tpu.memory_space<vmem>>) semaphore(%arg11 : memref<!tpu.dma_semaphore, #tpu.memory_space<semaphore_mem>>)
      } else {
      }
      %add3A_61 = arith.constant 1 : i32
      %add3A_62 = arith.addi %mul3A_43, %add3A_61 : i32
      %dma_wait3A_63 = arith.constant 0 : i32
      %dma_wait3A_64 = tpu.memref_slice %arg6[%add3A_62, %dma_wait3A_63] : memref<40x128xi32, #tpu.memory_space<vmem>> -> memref<1x128xi32, #tpu.memory_space<vmem>>
      %dma_wait3A_65 = tpu.memref_squeeze %dma_wait3A_64 : memref<1x128xi32, #tpu.memory_space<vmem>> -> memref<128xi32, #tpu.memory_space<vmem>>
      %dma_wait3A_66 = arith.constant 0 : i32
      %dma_wait3A_67 = arith.constant 0 : i32
      %dma_wait3A_68 = tpu.memref_slice %arg2[%dma_wait3A_66, %dma_wait3A_67] : memref<10112x128xf32, #tpu.memory_space<hbm>> -> memref<10112x128xf32, #tpu.memory_space<hbm>>
      tpu.wait_indirect_dma semaphore(%arg12 : memref<!tpu.dma_semaphore, #tpu.memory_space<semaphore_mem>>) src(%dma_wait3A_68 : memref<10112x128xf32, #tpu.memory_space<hbm>>) dst(%arg9 : memref<128x128xf32, #tpu.memory_space<vmem>>)
      %add3A_69 = arith.constant 1 : i32
      %add3A_70 = arith.addi %mul3A_43, %add3A_69 : i32
      "tpu.region"() ({
        %run_scoped3A_71 = tpu.sem_alloc : memref<!tpu.dma_semaphore, #tpu.memory_space<semaphore_mem>>
        %dma_start3A_72 = arith.constant 0 : i32
        %dma_start3A_73 = tpu.memref_slice %arg7[%add3A_70, %dma_start3A_72] : memref<40x128xi32, #tpu.memory_space<vmem>> -> memref<1x128xi32, #tpu.memory_space<vmem>>
        %dma_start3A_74 = tpu.memref_squeeze %dma_start3A_73 : memref<1x128xi32, #tpu.memory_space<vmem>> -> memref<128xi32, #tpu.memory_space<vmem>>
        %dma_start3A_75 = arith.constant 0 : i32
        %dma_start3A_76 = arith.constant 0 : i32
        %dma_start3A_77 = tpu.memref_slice %arg10[%dma_start3A_75, %dma_start3A_76] : memref<10112x128xf32, #tpu.memory_space<vmem_shared>> -> memref<10112x128xf32, #tpu.memory_space<vmem_shared>>
        tpu.enqueue_indirect_dma source(%arg9 : memref<128x128xf32, #tpu.memory_space<vmem>>) target(%dma_start3A_77 : memref<10112x128xf32, #tpu.memory_space<vmem_shared>>) offsets(%dma_start3A_74 : memref<128xi32, #tpu.memory_space<vmem>>) semaphore(%run_scoped3A_71 : memref<!tpu.dma_semaphore, #tpu.memory_space<semaphore_mem>>) {add = true}
        %dma_wait3A_78 = arith.constant 0 : i32
        %dma_wait3A_79 = tpu.memref_slice %arg7[%add3A_70, %dma_wait3A_78] : memref<40x128xi32, #tpu.memory_space<vmem>> -> memref<1x128xi32, #tpu.memory_space<vmem>>
        %dma_wait3A_80 = tpu.memref_squeeze %dma_wait3A_79 : memref<1x128xi32, #tpu.memory_space<vmem>> -> memref<128xi32, #tpu.memory_space<vmem>>
        %dma_wait3A_81 = arith.constant 0 : i32
        %dma_wait3A_82 = arith.constant 0 : i32
        %dma_wait3A_83 = tpu.memref_slice %arg10[%dma_wait3A_81, %dma_wait3A_82] : memref<10112x128xf32, #tpu.memory_space<vmem_shared>> -> memref<10112x128xf32, #tpu.memory_space<vmem_shared>>
        tpu.wait_indirect_dma semaphore(%run_scoped3A_71 : memref<!tpu.dma_semaphore, #tpu.memory_space<semaphore_mem>>) src(%arg9 : memref<128x128xf32, #tpu.memory_space<vmem>>) dst(%dma_wait3A_83 : memref<10112x128xf32, #tpu.memory_space<vmem_shared>>)
        tpu.yield
      }) : () -> ()
    }
    %scan3A_22 = arith.constant 20 : i32
    %run_scoped3A_23 = arith.constant 0 : i32
    %run_scoped3A_24 = arith.constant 1 : i32
    "tpu.region"() ({
      %run_scoped3A_41 = tpu.sem_alloc : memref<!tpu.dma_semaphore, #tpu.memory_space<semaphore_mem>>
      %dma_start3A_42 = arith.constant 0 : i32
      %dma_start3A_43 = arith.constant 0 : i32
      %dma_start3A_44 = arith.constant 0 : i32
      %dma_start3A_45 = arith.constant 0 : i32
      %dma_start3A_46 = tpu.memref_slice %arg4[%run_scoped3A_23, %dma_start3A_42, %dma_start3A_43, %dma_start3A_44, %dma_start3A_45] : memref<2x32x2x40x128xi32, #tpu.memory_space<hbm>> -> memref<1x32x2x40x128xi32, #tpu.memory_space<hbm>>
      %dma_start3A_47 = tpu.memref_squeeze %dma_start3A_46 : memref<1x32x2x40x128xi32, #tpu.memory_space<hbm>> -> memref<32x2x40x128xi32, #tpu.memory_space<hbm>>
      %dma_start3A_48 = arith.constant 0 : i32
      %dma_start3A_49 = arith.constant 0 : i32
      %dma_start3A_50 = arith.constant 0 : i32
      %dma_start3A_51 = tpu.memref_slice %dma_start3A_47[%add3A, %dma_start3A_48, %dma_start3A_49, %dma_start3A_50] : memref<32x2x40x128xi32, #tpu.memory_space<hbm>> -> memref<1x2x40x128xi32, #tpu.memory_space<hbm>>
      %dma_start3A_52 = tpu.memref_squeeze %dma_start3A_51 : memref<1x2x40x128xi32, #tpu.memory_space<hbm>> -> memref<2x40x128xi32, #tpu.memory_space<hbm>>
      %dma_start3A_53 = arith.constant 0 : i32
      %dma_start3A_54 = arith.constant 0 : i32
      %dma_start3A_55 = tpu.memref_slice %dma_start3A_52[%run_scoped3A_24, %dma_start3A_53, %dma_start3A_54] : memref<2x40x128xi32, #tpu.memory_space<hbm>> -> memref<1x40x128xi32, #tpu.memory_space<hbm>>
      %dma_start3A_56 = tpu.memref_squeeze %dma_start3A_55 : memref<1x40x128xi32, #tpu.memory_space<hbm>> -> memref<40x128xi32, #tpu.memory_space<hbm>>
      %dma_start3A_57 = arith.constant 0 : i32
      %dma_start3A_58 = arith.constant 0 : i32
      %dma_start3A_59 = arith.constant 0 : i32
      %dma_start3A_60 = arith.constant 0 : i32
      %dma_start3A_61 = tpu.memref_slice %arg4[%run_scoped3A_23, %dma_start3A_57, %dma_start3A_58, %dma_start3A_59, %dma_start3A_60] : memref<2x32x2x40x128xi32, #tpu.memory_space<hbm>> -> memref<1x32x2x40x128xi32, #tpu.memory_space<hbm>>
      %dma_start3A_62 = tpu.memref_squeeze %dma_start3A_61 : memref<1x32x2x40x128xi32, #tpu.memory_space<hbm>> -> memref<32x2x40x128xi32, #tpu.memory_space<hbm>>
      %dma_start3A_63 = arith.constant 0 : i32
      %dma_start3A_64 = arith.constant 0 : i32
      %dma_start3A_65 = arith.constant 0 : i32
      %dma_start3A_66 = tpu.memref_slice %dma_start3A_62[%add3A, %dma_start3A_63, %dma_start3A_64, %dma_start3A_65] : memref<32x2x40x128xi32, #tpu.memory_space<hbm>> -> memref<1x2x40x128xi32, #tpu.memory_space<hbm>>
      %dma_start3A_67 = tpu.memref_squeeze %dma_start3A_66 : memref<1x2x40x128xi32, #tpu.memory_space<hbm>> -> memref<2x40x128xi32, #tpu.memory_space<hbm>>
      %dma_start3A_68 = arith.constant 0 : i32
      %dma_start3A_69 = arith.constant 0 : i32
      %dma_start3A_70 = tpu.memref_slice %dma_start3A_67[%run_scoped3A_24, %dma_start3A_68, %dma_start3A_69] : memref<2x40x128xi32, #tpu.memory_space<hbm>> -> memref<1x40x128xi32, #tpu.memory_space<hbm>>
      %dma_start3A_71 = tpu.memref_squeeze %dma_start3A_70 : memref<1x40x128xi32, #tpu.memory_space<hbm>> -> memref<40x128xi32, #tpu.memory_space<hbm>>
      tpu.enqueue_dma source(%dma_start3A_71 : memref<40x128xi32, #tpu.memory_space<hbm>>) target(%arg6 : memref<40x128xi32, #tpu.memory_space<vmem>>) target_semaphore(%run_scoped3A_41 : memref<!tpu.dma_semaphore, #tpu.memory_space<semaphore_mem>>)
      %dma_wait3A = arith.constant 0 : i32
      %dma_wait3A_72 = arith.constant 0 : i32
      %dma_wait3A_73 = arith.constant 0 : i32
      %dma_wait3A_74 = arith.constant 0 : i32
      %dma_wait3A_75 = tpu.memref_slice %arg4[%run_scoped3A_23, %dma_wait3A, %dma_wait3A_72, %dma_wait3A_73, %dma_wait3A_74] : memref<2x32x2x40x128xi32, #tpu.memory_space<hbm>> -> memref<1x32x2x40x128xi32, #tpu.memory_space<hbm>>
      %dma_wait3A_76 = tpu.memref_squeeze %dma_wait3A_75 : memref<1x32x2x40x128xi32, #tpu.memory_space<hbm>> -> memref<32x2x40x128xi32, #tpu.memory_space<hbm>>
      %dma_wait3A_77 = arith.constant 0 : i32
      %dma_wait3A_78 = arith.constant 0 : i32
      %dma_wait3A_79 = arith.constant 0 : i32
      %dma_wait3A_80 = tpu.memref_slice %dma_wait3A_76[%add3A, %dma_wait3A_77, %dma_wait3A_78, %dma_wait3A_79] : memref<32x2x40x128xi32, #tpu.memory_space<hbm>> -> memref<1x2x40x128xi32, #tpu.memory_space<hbm>>
      %dma_wait3A_81 = tpu.memref_squeeze %dma_wait3A_80 : memref<1x2x40x128xi32, #tpu.memory_space<hbm>> -> memref<2x40x128xi32, #tpu.memory_space<hbm>>
      %dma_wait3A_82 = arith.constant 0 : i32
      %dma_wait3A_83 = arith.constant 0 : i32
      %dma_wait3A_84 = tpu.memref_slice %dma_wait3A_81[%run_scoped3A_24, %dma_wait3A_82, %dma_wait3A_83] : memref<2x40x128xi32, #tpu.memory_space<hbm>> -> memref<1x40x128xi32, #tpu.memory_space<hbm>>
      %dma_wait3A_85 = tpu.memref_squeeze %dma_wait3A_84 : memref<1x40x128xi32, #tpu.memory_space<hbm>> -> memref<40x128xi32, #tpu.memory_space<hbm>>
      %dma_wait3A_86 = arith.constant 0 : i32
      %dma_wait3A_87 = arith.constant 0 : i32
      %dma_wait3A_88 = arith.constant 0 : i32
      %dma_wait3A_89 = arith.constant 0 : i32
      %dma_wait3A_90 = tpu.memref_slice %arg4[%run_scoped3A_23, %dma_wait3A_86, %dma_wait3A_87, %dma_wait3A_88, %dma_wait3A_89] : memref<2x32x2x40x128xi32, #tpu.memory_space<hbm>> -> memref<1x32x2x40x128xi32, #tpu.memory_space<hbm>>
      %dma_wait3A_91 = tpu.memref_squeeze %dma_wait3A_90 : memref<1x32x2x40x128xi32, #tpu.memory_space<hbm>> -> memref<32x2x40x128xi32, #tpu.memory_space<hbm>>
      %dma_wait3A_92 = arith.constant 0 : i32
      %dma_wait3A_93 = arith.constant 0 : i32
      %dma_wait3A_94 = arith.constant 0 : i32
      %dma_wait3A_95 = tpu.memref_slice %dma_wait3A_91[%add3A, %dma_wait3A_92, %dma_wait3A_93, %dma_wait3A_94] : memref<32x2x40x128xi32, #tpu.memory_space<hbm>> -> memref<1x2x40x128xi32, #tpu.memory_space<hbm>>
      %dma_wait3A_96 = tpu.memref_squeeze %dma_wait3A_95 : memref<1x2x40x128xi32, #tpu.memory_space<hbm>> -> memref<2x40x128xi32, #tpu.memory_space<hbm>>
      %dma_wait3A_97 = arith.constant 0 : i32
      %dma_wait3A_98 = arith.constant 0 : i32
      %dma_wait3A_99 = tpu.memref_slice %dma_wait3A_96[%run_scoped3A_24, %dma_wait3A_97, %dma_wait3A_98] : memref<2x40x128xi32, #tpu.memory_space<hbm>> -> memref<1x40x128xi32, #tpu.memory_space<hbm>>
      %dma_wait3A_100 = tpu.memref_squeeze %dma_wait3A_99 : memref<1x40x128xi32, #tpu.memory_space<hbm>> -> memref<40x128xi32, #tpu.memory_space<hbm>>
      tpu.wait_dma2 semaphore(%run_scoped3A_41 : memref<!tpu.dma_semaphore, #tpu.memory_space<semaphore_mem>>) src(%dma_wait3A_100 : memref<40x128xi32, #tpu.memory_space<hbm>>) dst(%arg6 : memref<40x128xi32, #tpu.memory_space<vmem>>)
      tpu.yield
    }) : () -> ()
    %run_scoped3A_25 = arith.constant 1 : i32
    %run_scoped3A_26 = arith.constant 1 : i32
    "tpu.region"() ({
      %run_scoped3A_41 = tpu.sem_alloc : memref<!tpu.dma_semaphore, #tpu.memory_space<semaphore_mem>>
      %dma_start3A_42 = arith.constant 0 : i32
      %dma_start3A_43 = arith.constant 0 : i32
      %dma_start3A_44 = arith.constant 0 : i32
      %dma_start3A_45 = arith.constant 0 : i32
      %dma_start3A_46 = tpu.memref_slice %arg4[%run_scoped3A_25, %dma_start3A_42, %dma_start3A_43, %dma_start3A_44, %dma_start3A_45] : memref<2x32x2x40x128xi32, #tpu.memory_space<hbm>> -> memref<1x32x2x40x128xi32, #tpu.memory_space<hbm>>
      %dma_start3A_47 = tpu.memref_squeeze %dma_start3A_46 : memref<1x32x2x40x128xi32, #tpu.memory_space<hbm>> -> memref<32x2x40x128xi32, #tpu.memory_space<hbm>>
      %dma_start3A_48 = arith.constant 0 : i32
      %dma_start3A_49 = arith.constant 0 : i32
      %dma_start3A_50 = arith.constant 0 : i32
      %dma_start3A_51 = tpu.memref_slice %dma_start3A_47[%add3A, %dma_start3A_48, %dma_start3A_49, %dma_start3A_50] : memref<32x2x40x128xi32, #tpu.memory_space<hbm>> -> memref<1x2x40x128xi32, #tpu.memory_space<hbm>>
      %dma_start3A_52 = tpu.memref_squeeze %dma_start3A_51 : memref<1x2x40x128xi32, #tpu.memory_space<hbm>> -> memref<2x40x128xi32, #tpu.memory_space<hbm>>
      %dma_start3A_53 = arith.constant 0 : i32
      %dma_start3A_54 = arith.constant 0 : i32
      %dma_start3A_55 = tpu.memref_slice %dma_start3A_52[%run_scoped3A_26, %dma_start3A_53, %dma_start3A_54] : memref<2x40x128xi32, #tpu.memory_space<hbm>> -> memref<1x40x128xi32, #tpu.memory_space<hbm>>
      %dma_start3A_56 = tpu.memref_squeeze %dma_start3A_55 : memref<1x40x128xi32, #tpu.memory_space<hbm>> -> memref<40x128xi32, #tpu.memory_space<hbm>>
      %dma_start3A_57 = arith.constant 0 : i32
      %dma_start3A_58 = arith.constant 0 : i32
      %dma_start3A_59 = arith.constant 0 : i32
      %dma_start3A_60 = arith.constant 0 : i32
      %dma_start3A_61 = tpu.memref_slice %arg4[%run_scoped3A_25, %dma_start3A_57, %dma_start3A_58, %dma_start3A_59, %dma_start3A_60] : memref<2x32x2x40x128xi32, #tpu.memory_space<hbm>> -> memref<1x32x2x40x128xi32, #tpu.memory_space<hbm>>
      %dma_start3A_62 = tpu.memref_squeeze %dma_start3A_61 : memref<1x32x2x40x128xi32, #tpu.memory_space<hbm>> -> memref<32x2x40x128xi32, #tpu.memory_space<hbm>>
      %dma_start3A_63 = arith.constant 0 : i32
      %dma_start3A_64 = arith.constant 0 : i32
      %dma_start3A_65 = arith.constant 0 : i32
      %dma_start3A_66 = tpu.memref_slice %dma_start3A_62[%add3A, %dma_start3A_63, %dma_start3A_64, %dma_start3A_65] : memref<32x2x40x128xi32, #tpu.memory_space<hbm>> -> memref<1x2x40x128xi32, #tpu.memory_space<hbm>>
      %dma_start3A_67 = tpu.memref_squeeze %dma_start3A_66 : memref<1x2x40x128xi32, #tpu.memory_space<hbm>> -> memref<2x40x128xi32, #tpu.memory_space<hbm>>
      %dma_start3A_68 = arith.constant 0 : i32
      %dma_start3A_69 = arith.constant 0 : i32
      %dma_start3A_70 = tpu.memref_slice %dma_start3A_67[%run_scoped3A_26, %dma_start3A_68, %dma_start3A_69] : memref<2x40x128xi32, #tpu.memory_space<hbm>> -> memref<1x40x128xi32, #tpu.memory_space<hbm>>
      %dma_start3A_71 = tpu.memref_squeeze %dma_start3A_70 : memref<1x40x128xi32, #tpu.memory_space<hbm>> -> memref<40x128xi32, #tpu.memory_space<hbm>>
      tpu.enqueue_dma source(%dma_start3A_71 : memref<40x128xi32, #tpu.memory_space<hbm>>) target(%arg7 : memref<40x128xi32, #tpu.memory_space<vmem>>) target_semaphore(%run_scoped3A_41 : memref<!tpu.dma_semaphore, #tpu.memory_space<semaphore_mem>>)
      %dma_wait3A = arith.constant 0 : i32
      %dma_wait3A_72 = arith.constant 0 : i32
      %dma_wait3A_73 = arith.constant 0 : i32
      %dma_wait3A_74 = arith.constant 0 : i32
      %dma_wait3A_75 = tpu.memref_slice %arg4[%run_scoped3A_25, %dma_wait3A, %dma_wait3A_72, %dma_wait3A_73, %dma_wait3A_74] : memref<2x32x2x40x128xi32, #tpu.memory_space<hbm>> -> memref<1x32x2x40x128xi32, #tpu.memory_space<hbm>>
      %dma_wait3A_76 = tpu.memref_squeeze %dma_wait3A_75 : memref<1x32x2x40x128xi32, #tpu.memory_space<hbm>> -> memref<32x2x40x128xi32, #tpu.memory_space<hbm>>
      %dma_wait3A_77 = arith.constant 0 : i32
      %dma_wait3A_78 = arith.constant 0 : i32
      %dma_wait3A_79 = arith.constant 0 : i32
      %dma_wait3A_80 = tpu.memref_slice %dma_wait3A_76[%add3A, %dma_wait3A_77, %dma_wait3A_78, %dma_wait3A_79] : memref<32x2x40x128xi32, #tpu.memory_space<hbm>> -> memref<1x2x40x128xi32, #tpu.memory_space<hbm>>
      %dma_wait3A_81 = tpu.memref_squeeze %dma_wait3A_80 : memref<1x2x40x128xi32, #tpu.memory_space<hbm>> -> memref<2x40x128xi32, #tpu.memory_space<hbm>>
      %dma_wait3A_82 = arith.constant 0 : i32
      %dma_wait3A_83 = arith.constant 0 : i32
      %dma_wait3A_84 = tpu.memref_slice %dma_wait3A_81[%run_scoped3A_26, %dma_wait3A_82, %dma_wait3A_83] : memref<2x40x128xi32, #tpu.memory_space<hbm>> -> memref<1x40x128xi32, #tpu.memory_space<hbm>>
      %dma_wait3A_85 = tpu.memref_squeeze %dma_wait3A_84 : memref<1x40x128xi32, #tpu.memory_space<hbm>> -> memref<40x128xi32, #tpu.memory_space<hbm>>
      %dma_wait3A_86 = arith.constant 0 : i32
      %dma_wait3A_87 = arith.constant 0 : i32
      %dma_wait3A_88 = arith.constant 0 : i32
      %dma_wait3A_89 = arith.constant 0 : i32
      %dma_wait3A_90 = tpu.memref_slice %arg4[%run_scoped3A_25, %dma_wait3A_86, %dma_wait3A_87, %dma_wait3A_88, %dma_wait3A_89] : memref<2x32x2x40x128xi32, #tpu.memory_space<hbm>> -> memref<1x32x2x40x128xi32, #tpu.memory_space<hbm>>
      %dma_wait3A_91 = tpu.memref_squeeze %dma_wait3A_90 : memref<1x32x2x40x128xi32, #tpu.memory_space<hbm>> -> memref<32x2x40x128xi32, #tpu.memory_space<hbm>>
      %dma_wait3A_92 = arith.constant 0 : i32
      %dma_wait3A_93 = arith.constant 0 : i32
      %dma_wait3A_94 = arith.constant 0 : i32
      %dma_wait3A_95 = tpu.memref_slice %dma_wait3A_91[%add3A, %dma_wait3A_92, %dma_wait3A_93, %dma_wait3A_94] : memref<32x2x40x128xi32, #tpu.memory_space<hbm>> -> memref<1x2x40x128xi32, #tpu.memory_space<hbm>>
      %dma_wait3A_96 = tpu.memref_squeeze %dma_wait3A_95 : memref<1x2x40x128xi32, #tpu.memory_space<hbm>> -> memref<2x40x128xi32, #tpu.memory_space<hbm>>
      %dma_wait3A_97 = arith.constant 0 : i32
      %dma_wait3A_98 = arith.constant 0 : i32
      %dma_wait3A_99 = tpu.memref_slice %dma_wait3A_96[%run_scoped3A_26, %dma_wait3A_97, %dma_wait3A_98] : memref<2x40x128xi32, #tpu.memory_space<hbm>> -> memref<1x40x128xi32, #tpu.memory_space<hbm>>
      %dma_wait3A_100 = tpu.memref_squeeze %dma_wait3A_99 : memref<1x40x128xi32, #tpu.memory_space<hbm>> -> memref<40x128xi32, #tpu.memory_space<hbm>>
      tpu.wait_dma2 semaphore(%run_scoped3A_41 : memref<!tpu.dma_semaphore, #tpu.memory_space<semaphore_mem>>) src(%dma_wait3A_100 : memref<40x128xi32, #tpu.memory_space<hbm>>) dst(%arg7 : memref<40x128xi32, #tpu.memory_space<vmem>>)
      tpu.yield
    }) : () -> ()
    %dma_start3A_27 = arith.constant 0 : i32
    %dma_start3A_28 = arith.constant 0 : i32
    %dma_start3A_29 = tpu.memref_slice %arg6[%dma_start3A_27, %dma_start3A_28] : memref<40x128xi32, #tpu.memory_space<vmem>> -> memref<1x128xi32, #tpu.memory_space<vmem>>
    %dma_start3A_30 = tpu.memref_squeeze %dma_start3A_29 : memref<1x128xi32, #tpu.memory_space<vmem>> -> memref<128xi32, #tpu.memory_space<vmem>>
    %dma_start3A_31 = arith.constant 0 : i32
    %dma_start3A_32 = arith.constant 0 : i32
    %dma_start3A_33 = tpu.memref_slice %arg2[%dma_start3A_31, %dma_start3A_32] : memref<10112x128xf32, #tpu.memory_space<hbm>> -> memref<10112x128xf32, #tpu.memory_space<hbm>>
    tpu.enqueue_indirect_dma source(%dma_start3A_33 : memref<10112x128xf32, #tpu.memory_space<hbm>>) target(%arg8 : memref<128x128xf32, #tpu.memory_space<vmem>>) offsets(%dma_start3A_30 : memref<128xi32, #tpu.memory_space<vmem>>) semaphore(%arg11 : memref<!tpu.dma_semaphore, #tpu.memory_space<semaphore_mem>>)
    %scan3A_34 = arith.constant 0 : i32
    %scan3A_35 = arith.constant 0 : i32
    %scan3A_36 = arith.constant 20 : i32
    %scan3A_37 = arith.addi %scan3A_35, %scan3A_36 : i32
    %scan3A_38 = arith.constant 1 : i32
    scf.for %scan3A_41 = %scan3A_35 to %scan3A_37 step %scan3A_38  : i32 {
      %mul3A_42 = arith.constant 2 : i32
      %mul3A_43 = arith.muli %mul3A_42, %scan3A_41 : i32
      %add3A_44 = arith.constant 1 : i32
      %add3A_45 = arith.addi %mul3A_43, %add3A_44 : i32
      %dma_start3A_46 = arith.constant 0 : i32
      %dma_start3A_47 = tpu.memref_slice %arg6[%add3A_45, %dma_start3A_46] : memref<40x128xi32, #tpu.memory_space<vmem>> -> memref<1x128xi32, #tpu.memory_space<vmem>>
      %dma_start3A_48 = tpu.memref_squeeze %dma_start3A_47 : memref<1x128xi32, #tpu.memory_space<vmem>> -> memref<128xi32, #tpu.memory_space<vmem>>
      %dma_start3A_49 = arith.constant 0 : i32
      %dma_start3A_50 = arith.constant 0 : i32
      %dma_start3A_51 = tpu.memref_slice %arg2[%dma_start3A_49, %dma_start3A_50] : memref<10112x128xf32, #tpu.memory_space<hbm>> -> memref<10112x128xf32, #tpu.memory_space<hbm>>
      tpu.enqueue_indirect_dma source(%dma_start3A_51 : memref<10112x128xf32, #tpu.memory_space<hbm>>) target(%arg9 : memref<128x128xf32, #tpu.memory_space<vmem>>) offsets(%dma_start3A_48 : memref<128xi32, #tpu.memory_space<vmem>>) semaphore(%arg12 : memref<!tpu.dma_semaphore, #tpu.memory_space<semaphore_mem>>)
      %dma_wait3A = arith.constant 0 : i32
      %dma_wait3A_52 = tpu.memref_slice %arg6[%mul3A_43, %dma_wait3A] : memref<40x128xi32, #tpu.memory_space<vmem>> -> memref<1x128xi32, #tpu.memory_space<vmem>>
      %dma_wait3A_53 = tpu.memref_squeeze %dma_wait3A_52 : memref<1x128xi32, #tpu.memory_space<vmem>> -> memref<128xi32, #tpu.memory_space<vmem>>
      %dma_wait3A_54 = arith.constant 0 : i32
      %dma_wait3A_55 = arith.constant 0 : i32
      %dma_wait3A_56 = tpu.memref_slice %arg2[%dma_wait3A_54, %dma_wait3A_55] : memref<10112x128xf32, #tpu.memory_space<hbm>> -> memref<10112x128xf32, #tpu.memory_space<hbm>>
      tpu.wait_indirect_dma semaphore(%arg11 : memref<!tpu.dma_semaphore, #tpu.memory_space<semaphore_mem>>) src(%dma_wait3A_56 : memref<10112x128xf32, #tpu.memory_space<hbm>>) dst(%arg8 : memref<128x128xf32, #tpu.memory_space<vmem>>)
      "tpu.region"() ({
        %run_scoped3A_71 = tpu.sem_alloc : memref<!tpu.dma_semaphore, #tpu.memory_space<semaphore_mem>>
        %dma_start3A_72 = arith.constant 0 : i32
        %dma_start3A_73 = tpu.memref_slice %arg7[%mul3A_43, %dma_start3A_72] : memref<40x128xi32, #tpu.memory_space<vmem>> -> memref<1x128xi32, #tpu.memory_space<vmem>>
        %dma_start3A_74 = tpu.memref_squeeze %dma_start3A_73 : memref<1x128xi32, #tpu.memory_space<vmem>> -> memref<128xi32, #tpu.memory_space<vmem>>
        %dma_start3A_75 = arith.constant 0 : i32
        %dma_start3A_76 = arith.constant 0 : i32
        %dma_start3A_77 = tpu.memref_slice %arg10[%dma_start3A_75, %dma_start3A_76] : memref<10112x128xf32, #tpu.memory_space<vmem_shared>> -> memref<10112x128xf32, #tpu.memory_space<vmem_shared>>
        tpu.enqueue_indirect_dma source(%arg8 : memref<128x128xf32, #tpu.memory_space<vmem>>) target(%dma_start3A_77 : memref<10112x128xf32, #tpu.memory_space<vmem_shared>>) offsets(%dma_start3A_74 : memref<128xi32, #tpu.memory_space<vmem>>) semaphore(%run_scoped3A_71 : memref<!tpu.dma_semaphore, #tpu.memory_space<semaphore_mem>>) {add = true}
        %dma_wait3A_78 = arith.constant 0 : i32
        %dma_wait3A_79 = tpu.memref_slice %arg7[%mul3A_43, %dma_wait3A_78] : memref<40x128xi32, #tpu.memory_space<vmem>> -> memref<1x128xi32, #tpu.memory_space<vmem>>
        %dma_wait3A_80 = tpu.memref_squeeze %dma_wait3A_79 : memref<1x128xi32, #tpu.memory_space<vmem>> -> memref<128xi32, #tpu.memory_space<vmem>>
        %dma_wait3A_81 = arith.constant 0 : i32
        %dma_wait3A_82 = arith.constant 0 : i32
        %dma_wait3A_83 = tpu.memref_slice %arg10[%dma_wait3A_81, %dma_wait3A_82] : memref<10112x128xf32, #tpu.memory_space<vmem_shared>> -> memref<10112x128xf32, #tpu.memory_space<vmem_shared>>
        tpu.wait_indirect_dma semaphore(%run_scoped3A_71 : memref<!tpu.dma_semaphore, #tpu.memory_space<semaphore_mem>>) src(%arg8 : memref<128x128xf32, #tpu.memory_space<vmem>>) dst(%dma_wait3A_83 : memref<10112x128xf32, #tpu.memory_space<vmem_shared>>)
        tpu.yield
      }) : () -> ()
      %lt3A = arith.constant 19 : i32
      %lt3A_57 = arith.cmpi slt, %scan3A_41, %lt3A : i32
      %convert_element_type3A_58 = arith.extui %lt3A_57 : i1 to i32
      %cond3A_59 = arith.constant 0 : i32
      %cond3A_60 = arith.cmpi ne, %convert_element_type3A_58, %cond3A_59 : i32
      scf.if %cond3A_60 {
        %add3A_71 = arith.constant 2 : i32
        %add3A_72 = arith.addi %mul3A_43, %add3A_71 : i32
        %dma_start3A_73 = arith.constant 0 : i32
        %dma_start3A_74 = tpu.memref_slice %arg6[%add3A_72, %dma_start3A_73] : memref<40x128xi32, #tpu.memory_space<vmem>> -> memref<1x128xi32, #tpu.memory_space<vmem>>
        %dma_start3A_75 = tpu.memref_squeeze %dma_start3A_74 : memref<1x128xi32, #tpu.memory_space<vmem>> -> memref<128xi32, #tpu.memory_space<vmem>>
        %dma_start3A_76 = arith.constant 0 : i32
        %dma_start3A_77 = arith.constant 0 : i32
        %dma_start3A_78 = tpu.memref_slice %arg2[%dma_start3A_76, %dma_start3A_77] : memref<10112x128xf32, #tpu.memory_space<hbm>> -> memref<10112x128xf32, #tpu.memory_space<hbm>>
        tpu.enqueue_indirect_dma source(%dma_start3A_78 : memref<10112x128xf32, #tpu.memory_space<hbm>>) target(%arg8 : memref<128x128xf32, #tpu.memory_space<vmem>>) offsets(%dma_start3A_75 : memref<128xi32, #tpu.memory_space<vmem>>) semaphore(%arg11 : memref<!tpu.dma_semaphore, #tpu.memory_space<semaphore_mem>>)
      } else {
      }
      %add3A_61 = arith.constant 1 : i32
      %add3A_62 = arith.addi %mul3A_43, %add3A_61 : i32
      %dma_wait3A_63 = arith.constant 0 : i32
      %dma_wait3A_64 = tpu.memref_slice %arg6[%add3A_62, %dma_wait3A_63] : memref<40x128xi32, #tpu.memory_space<vmem>> -> memref<1x128xi32, #tpu.memory_space<vmem>>
      %dma_wait3A_65 = tpu.memref_squeeze %dma_wait3A_64 : memref<1x128xi32, #tpu.memory_space<vmem>> -> memref<128xi32, #tpu.memory_space<vmem>>
      %dma_wait3A_66 = arith.constant 0 : i32
      %dma_wait3A_67 = arith.constant 0 : i32
      %dma_wait3A_68 = tpu.memref_slice %arg2[%dma_wait3A_66, %dma_wait3A_67] : memref<10112x128xf32, #tpu.memory_space<hbm>> -> memref<10112x128xf32, #tpu.memory_space<hbm>>
      tpu.wait_indirect_dma semaphore(%arg12 : memref<!tpu.dma_semaphore, #tpu.memory_space<semaphore_mem>>) src(%dma_wait3A_68 : memref<10112x128xf32, #tpu.memory_space<hbm>>) dst(%arg9 : memref<128x128xf32, #tpu.memory_space<vmem>>)
      %add3A_69 = arith.constant 1 : i32
      %add3A_70 = arith.addi %mul3A_43, %add3A_69 : i32
      "tpu.region"() ({
        %run_scoped3A_71 = tpu.sem_alloc : memref<!tpu.dma_semaphore, #tpu.memory_space<semaphore_mem>>
        %dma_start3A_72 = arith.constant 0 : i32
        %dma_start3A_73 = tpu.memref_slice %arg7[%add3A_70, %dma_start3A_72] : memref<40x128xi32, #tpu.memory_space<vmem>> -> memref<1x128xi32, #tpu.memory_space<vmem>>
        %dma_start3A_74 = tpu.memref_squeeze %dma_start3A_73 : memref<1x128xi32, #tpu.memory_space<vmem>> -> memref<128xi32, #tpu.memory_space<vmem>>
        %dma_start3A_75 = arith.constant 0 : i32
        %dma_start3A_76 = arith.constant 0 : i32
        %dma_start3A_77 = tpu.memref_slice %arg10[%dma_start3A_75, %dma_start3A_76] : memref<10112x128xf32, #tpu.memory_space<vmem_shared>> -> memref<10112x128xf32, #tpu.memory_space<vmem_shared>>
        tpu.enqueue_indirect_dma source(%arg9 : memref<128x128xf32, #tpu.memory_space<vmem>>) target(%dma_start3A_77 : memref<10112x128xf32, #tpu.memory_space<vmem_shared>>) offsets(%dma_start3A_74 : memref<128xi32, #tpu.memory_space<vmem>>) semaphore(%run_scoped3A_71 : memref<!tpu.dma_semaphore, #tpu.memory_space<semaphore_mem>>) {add = true}
        %dma_wait3A_78 = arith.constant 0 : i32
        %dma_wait3A_79 = tpu.memref_slice %arg7[%add3A_70, %dma_wait3A_78] : memref<40x128xi32, #tpu.memory_space<vmem>> -> memref<1x128xi32, #tpu.memory_space<vmem>>
        %dma_wait3A_80 = tpu.memref_squeeze %dma_wait3A_79 : memref<1x128xi32, #tpu.memory_space<vmem>> -> memref<128xi32, #tpu.memory_space<vmem>>
        %dma_wait3A_81 = arith.constant 0 : i32
        %dma_wait3A_82 = arith.constant 0 : i32
        %dma_wait3A_83 = tpu.memref_slice %arg10[%dma_wait3A_81, %dma_wait3A_82] : memref<10112x128xf32, #tpu.memory_space<vmem_shared>> -> memref<10112x128xf32, #tpu.memory_space<vmem_shared>>
        tpu.wait_indirect_dma semaphore(%run_scoped3A_71 : memref<!tpu.dma_semaphore, #tpu.memory_space<semaphore_mem>>) src(%arg9 : memref<128x128xf32, #tpu.memory_space<vmem>>) dst(%dma_wait3A_83 : memref<10112x128xf32, #tpu.memory_space<vmem_shared>>)
        tpu.yield
      }) : () -> ()
    }
    %scan3A_39 = arith.constant 20 : i32
    %barrier3A_40 = arith.constant 0 : index
    tpu.barrier barrier_id(%barrier3A_40)
    "tpu.region"() ({
      %run_scoped3A_41 = tpu.sem_alloc : memref<!tpu.dma_semaphore, #tpu.memory_space<semaphore_mem>>
      %dma_start3A_42 = arith.constant 0 : i32
      %dma_start3A_43 = arith.constant 0 : i32
      %dma_start3A_44 = tpu.memref_slice %arg5[%arg0, %dma_start3A_42, %dma_start3A_43] : memref<2x10112x128xf32, #tpu.memory_space<hbm>> -> memref<1x10112x128xf32, #tpu.memory_space<hbm>>
      %dma_start3A_45 = tpu.memref_squeeze %dma_start3A_44 : memref<1x10112x128xf32, #tpu.memory_space<hbm>> -> memref<10112x128xf32, #tpu.memory_space<hbm>>
      %dma_start3A_46 = arith.constant 0 : i32
      %dma_start3A_47 = tpu.memref_slice %dma_start3A_45[%mul3A_2, %dma_start3A_46] : memref<10112x128xf32, #tpu.memory_space<hbm>> -> memref<632x128xf32, #tpu.memory_space<hbm>>
      %dma_start3A_48 = arith.constant 0 : i32
      %dma_start3A_49 = tpu.memref_slice %arg10[%mul3A_2, %dma_start3A_48] : memref<10112x128xf32, #tpu.memory_space<vmem_shared>> -> memref<632x128xf32, #tpu.memory_space<vmem_shared>>
      tpu.enqueue_dma source(%dma_start3A_49 : memref<632x128xf32, #tpu.memory_space<vmem_shared>>) target(%dma_start3A_47 : memref<632x128xf32, #tpu.memory_space<hbm>>) target_semaphore(%run_scoped3A_41 : memref<!tpu.dma_semaphore, #tpu.memory_space<semaphore_mem>>)
      %dma_wait3A = arith.constant 0 : i32
      %dma_wait3A_50 = arith.constant 0 : i32
      %dma_wait3A_51 = tpu.memref_slice %arg5[%arg0, %dma_wait3A, %dma_wait3A_50] : memref<2x10112x128xf32, #tpu.memory_space<hbm>> -> memref<1x10112x128xf32, #tpu.memory_space<hbm>>
      %dma_wait3A_52 = tpu.memref_squeeze %dma_wait3A_51 : memref<1x10112x128xf32, #tpu.memory_space<hbm>> -> memref<10112x128xf32, #tpu.memory_space<hbm>>
      %dma_wait3A_53 = arith.constant 0 : i32
      %dma_wait3A_54 = tpu.memref_slice %dma_wait3A_52[%mul3A_2, %dma_wait3A_53] : memref<10112x128xf32, #tpu.memory_space<hbm>> -> memref<632x128xf32, #tpu.memory_space<hbm>>
      %dma_wait3A_55 = arith.constant 0 : i32
      %dma_wait3A_56 = tpu.memref_slice %arg10[%mul3A_2, %dma_wait3A_55] : memref<10112x128xf32, #tpu.memory_space<vmem_shared>> -> memref<632x128xf32, #tpu.memory_space<vmem_shared>>
      tpu.wait_dma2 semaphore(%run_scoped3A_41 : memref<!tpu.dma_semaphore, #tpu.memory_space<semaphore_mem>>) src(%dma_wait3A_56 : memref<632x128xf32, #tpu.memory_space<vmem_shared>>) dst(%dma_wait3A_54 : memref<632x128xf32, #tpu.memory_space<hbm>>)
      tpu.yield
    }) : () -> ()
    return
  }
}

#map = affine_map<(d0, d1) -> (0, 0)>
#map1 = affine_map<(d0, d1) -> (0, 0, 0, 0, 0)>
#map2 = affine_map<(d0, d1) -> (0, 0, 0)>
module attributes {stable_mosaic.version = 14 : i64} {
  func.func @k(%arg0: i32, %arg1: i32, %arg2: memref<10112x128xf32, #tpu.memory_space<hbm>>, %arg3: memref<10112x128xf32, #tpu.memory_space<hbm>>, %arg4: memref<2x32x2x40x128xi32, #tpu.memory_space<hbm>>, %arg5: memref<2x10112x128xf32, #tpu.memory_space<hbm>>, %arg6: memref<40x128xi32, #tpu.memory_space<vmem>>, %arg7: memref<40x128xi32, #tpu.memory_space<vmem>>, %arg8: memref<128x128xf32, #tpu.memory_space<vmem>>, %arg9: memref<128x128xf32, #tpu.memory_space<vmem>>, %arg10: memref<10112x128xf32, #tpu.memory_space<vmem_shared>>, %arg11: memref<!tpu.dma_semaphore, #tpu.memory_space<semaphore_mem>>, %arg12: memref<!tpu.dma_semaphore, #tpu.memory_space<semaphore_mem>>) attributes {dimension_semantics = [#tpu.dimension_semantics<core_parallel>, #tpu.dimension_semantics<subcore_parallel>], iteration_bounds = array<i64: 2, 16>, scalar_prefetch = 0 : i64, scratch_operands = 7 : i64, tpu.core_type = #tpu.core_type<sc_vector_subcore>, window_params = [{transform_indices = #map}, {transform_indices = #map}, {transform_indices = #map1}, {transform_indices = #map2}]} {
    %mul3A = arith.constant 16 : i32
    %mul3A_0 = arith.muli %arg0, %mul3A : i32
    %add3A = arith.addi %mul3A_0, %arg1 : i32
    %mul3A_1 = arith.constant 632 : i32
    %mul3A_2 = arith.muli %arg1, %mul3A_1 : i32
    %eq3A = arith.constant 0 : i32
    %eq3A_3 = arith.cmpi eq, %arg0, %eq3A : i32
    %convert_element_type3A = arith.extui %eq3A_3 : i1 to i32
    %cond3A = arith.constant 0 : i32
    %cond3A_4 = arith.cmpi ne, %convert_element_type3A, %cond3A : i32
    scf.if %cond3A_4 {
      "tpu.region"() ({
        %run_scoped3A_41 = tpu.sem_alloc : memref<!tpu.dma_semaphore, #tpu.memory_space<semaphore_mem>>
        %dma_start3A_42 = arith.constant 0 : i32
        %dma_start3A_43 = tpu.memref_slice %arg10[%mul3A_2, %dma_start3A_42] : memref<10112x128xf32, #tpu.memory_space<vmem_shared>> -> memref<632x128xf32, #tpu.memory_space<vmem_shared>>
        %dma_start3A_44 = arith.constant 0 : i32
        %dma_start3A_45 = tpu.memref_slice %arg2[%mul3A_2, %dma_start3A_44] : memref<10112x128xf32, #tpu.memory_space<hbm>> -> memref<632x128xf32, #tpu.memory_space<hbm>>
        tpu.enqueue_dma source(%dma_start3A_45 : memref<632x128xf32, #tpu.memory_space<hbm>>) target(%dma_start3A_43 : memref<632x128xf32, #tpu.memory_space<vmem_shared>>) target_semaphore(%run_scoped3A_41 : memref<!tpu.dma_semaphore, #tpu.memory_space<semaphore_mem>>)
        %dma_wait3A = arith.constant 0 : i32
        %dma_wait3A_46 = tpu.memref_slice %arg10[%mul3A_2, %dma_wait3A] : memref<10112x128xf32, #tpu.memory_space<vmem_shared>> -> memref<632x128xf32, #tpu.memory_space<vmem_shared>>
        %dma_wait3A_47 = arith.constant 0 : i32
        %dma_wait3A_48 = tpu.memref_slice %arg2[%mul3A_2, %dma_wait3A_47] : memref<10112x128xf32, #tpu.memory_space<hbm>> -> memref<632x128xf32, #tpu.memory_space<hbm>>
        tpu.wait_dma2 semaphore(%run_scoped3A_41 : memref<!tpu.dma_semaphore, #tpu.memory_space<semaphore_mem>>) src(%dma_wait3A_48 : memref<632x128xf32, #tpu.memory_space<hbm>>) dst(%dma_wait3A_46 : memref<632x128xf32, #tpu.memory_space<vmem_shared>>)
        tpu.yield
      }) : () -> ()
    } else {
    }
    %ne3A = arith.constant 0 : i32
    %ne3A_5 = arith.cmpi ne, %arg0, %ne3A : i32
    %convert_element_type3A_6 = arith.extui %ne3A_5 : i1 to i32
    %cond3A_7 = arith.constant 0 : i32
    %cond3A_8 = arith.cmpi ne, %convert_element_type3A_6, %cond3A_7 : i32
    scf.if %cond3A_8 {
      "tpu.region"() ({
        %run_scoped3A_41 = tpu.sem_alloc : memref<!tpu.dma_semaphore, #tpu.memory_space<semaphore_mem>>
        %dma_start3A_42 = arith.constant 0 : i32
        %dma_start3A_43 = tpu.memref_slice %arg10[%mul3A_2, %dma_start3A_42] : memref<10112x128xf32, #tpu.memory_space<vmem_shared>> -> memref<632x128xf32, #tpu.memory_space<vmem_shared>>
        %dma_start3A_44 = arith.constant 0 : i32
        %dma_start3A_45 = tpu.memref_slice %arg3[%mul3A_2, %dma_start3A_44] : memref<10112x128xf32, #tpu.memory_space<hbm>> -> memref<632x128xf32, #tpu.memory_space<hbm>>
        tpu.enqueue_dma source(%dma_start3A_45 : memref<632x128xf32, #tpu.memory_space<hbm>>) target(%dma_start3A_43 : memref<632x128xf32, #tpu.memory_space<vmem_shared>>) target_semaphore(%run_scoped3A_41 : memref<!tpu.dma_semaphore, #tpu.memory_space<semaphore_mem>>)
        %dma_wait3A = arith.constant 0 : i32
        %dma_wait3A_46 = tpu.memref_slice %arg10[%mul3A_2, %dma_wait3A] : memref<10112x128xf32, #tpu.memory_space<vmem_shared>> -> memref<632x128xf32, #tpu.memory_space<vmem_shared>>
        %dma_wait3A_47 = arith.constant 0 : i32
        %dma_wait3A_48 = tpu.memref_slice %arg3[%mul3A_2, %dma_wait3A_47] : memref<10112x128xf32, #tpu.memory_space<hbm>> -> memref<632x128xf32, #tpu.memory_space<hbm>>
        tpu.wait_dma2 semaphore(%run_scoped3A_41 : memref<!tpu.dma_semaphore, #tpu.memory_space<semaphore_mem>>) src(%dma_wait3A_48 : memref<632x128xf32, #tpu.memory_space<hbm>>) dst(%dma_wait3A_46 : memref<632x128xf32, #tpu.memory_space<vmem_shared>>)
        tpu.yield
      }) : () -> ()
    } else {
    }
    %barrier3A = arith.constant 0 : index
    tpu.barrier barrier_id(%barrier3A)
    %run_scoped3A = arith.constant 0 : i32
    %run_scoped3A_9 = arith.constant 0 : i32
    "tpu.region"() ({
      %run_scoped3A_41 = tpu.sem_alloc : memref<!tpu.dma_semaphore, #tpu.memory_space<semaphore_mem>>
      %dma_start3A_42 = arith.constant 0 : i32
      %dma_start3A_43 = arith.constant 0 : i32
      %dma_start3A_44 = arith.constant 0 : i32
      %dma_start3A_45 = arith.constant 0 : i32
      %dma_start3A_46 = tpu.memref_slice %arg4[%run_scoped3A, %dma_start3A_42, %dma_start3A_43, %dma_start3A_44, %dma_start3A_45] : memref<2x32x2x40x128xi32, #tpu.memory_space<hbm>> -> memref<1x32x2x40x128xi32, #tpu.memory_space<hbm>>
      %dma_start3A_47 = tpu.memref_squeeze %dma_start3A_46 : memref<1x32x2x40x128xi32, #tpu.memory_space<hbm>> -> memref<32x2x40x128xi32, #tpu.memory_space<hbm>>
      %dma_start3A_48 = arith.constant 0 : i32
      %dma_start3A_49 = arith.constant 0 : i32
      %dma_start3A_50 = arith.constant 0 : i32
      %dma_start3A_51 = tpu.memref_slice %dma_start3A_47[%add3A, %dma_start3A_48, %dma_start3A_49, %dma_start3A_50] : memref<32x2x40x128xi32, #tpu.memory_space<hbm>> -> memref<1x2x40x128xi32, #tpu.memory_space<hbm>>
      %dma_start3A_52 = tpu.memref_squeeze %dma_start3A_51 : memref<1x2x40x128xi32, #tpu.memory_space<hbm>> -> memref<2x40x128xi32, #tpu.memory_space<hbm>>
      %dma_start3A_53 = arith.constant 0 : i32
      %dma_start3A_54 = arith.constant 0 : i32
      %dma_start3A_55 = tpu.memref_slice %dma_start3A_52[%run_scoped3A_9, %dma_start3A_53, %dma_start3A_54] : memref<2x40x128xi32, #tpu.memory_space<hbm>> -> memref<1x40x128xi32, #tpu.memory_space<hbm>>
      %dma_start3A_56 = tpu.memref_squeeze %dma_start3A_55 : memref<1x40x128xi32, #tpu.memory_space<hbm>> -> memref<40x128xi32, #tpu.memory_space<hbm>>
      %dma_start3A_57 = arith.constant 0 : i32
      %dma_start3A_58 = arith.constant 0 : i32
      %dma_start3A_59 = arith.constant 0 : i32
      %dma_start3A_60 = arith.constant 0 : i32
      %dma_start3A_61 = tpu.memref_slice %arg4[%run_scoped3A, %dma_start3A_57, %dma_start3A_58, %dma_start3A_59, %dma_start3A_60] : memref<2x32x2x40x128xi32, #tpu.memory_space<hbm>> -> memref<1x32x2x40x128xi32, #tpu.memory_space<hbm>>
      %dma_start3A_62 = tpu.memref_squeeze %dma_start3A_61 : memref<1x32x2x40x128xi32, #tpu.memory_space<hbm>> -> memref<32x2x40x128xi32, #tpu.memory_space<hbm>>
      %dma_start3A_63 = arith.constant 0 : i32
      %dma_start3A_64 = arith.constant 0 : i32
      %dma_start3A_65 = arith.constant 0 : i32
      %dma_start3A_66 = tpu.memref_slice %dma_start3A_62[%add3A, %dma_start3A_63, %dma_start3A_64, %dma_start3A_65] : memref<32x2x40x128xi32, #tpu.memory_space<hbm>> -> memref<1x2x40x128xi32, #tpu.memory_space<hbm>>
      %dma_start3A_67 = tpu.memref_squeeze %dma_start3A_66 : memref<1x2x40x128xi32, #tpu.memory_space<hbm>> -> memref<2x40x128xi32, #tpu.memory_space<hbm>>
      %dma_start3A_68 = arith.constant 0 : i32
      %dma_start3A_69 = arith.constant 0 : i32
      %dma_start3A_70 = tpu.memref_slice %dma_start3A_67[%run_scoped3A_9, %dma_start3A_68, %dma_start3A_69] : memref<2x40x128xi32, #tpu.memory_space<hbm>> -> memref<1x40x128xi32, #tpu.memory_space<hbm>>
      %dma_start3A_71 = tpu.memref_squeeze %dma_start3A_70 : memref<1x40x128xi32, #tpu.memory_space<hbm>> -> memref<40x128xi32, #tpu.memory_space<hbm>>
      tpu.enqueue_dma source(%dma_start3A_71 : memref<40x128xi32, #tpu.memory_space<hbm>>) target(%arg6 : memref<40x128xi32, #tpu.memory_space<vmem>>) target_semaphore(%run_scoped3A_41 : memref<!tpu.dma_semaphore, #tpu.memory_space<semaphore_mem>>)
      %dma_wait3A = arith.constant 0 : i32
      %dma_wait3A_72 = arith.constant 0 : i32
      %dma_wait3A_73 = arith.constant 0 : i32
      %dma_wait3A_74 = arith.constant 0 : i32
      %dma_wait3A_75 = tpu.memref_slice %arg4[%run_scoped3A, %dma_wait3A, %dma_wait3A_72, %dma_wait3A_73, %dma_wait3A_74] : memref<2x32x2x40x128xi32, #tpu.memory_space<hbm>> -> memref<1x32x2x40x128xi32, #tpu.memory_space<hbm>>
      %dma_wait3A_76 = tpu.memref_squeeze %dma_wait3A_75 : memref<1x32x2x40x128xi32, #tpu.memory_space<hbm>> -> memref<32x2x40x128xi32, #tpu.memory_space<hbm>>
      %dma_wait3A_77 = arith.constant 0 : i32
      %dma_wait3A_78 = arith.constant 0 : i32
      %dma_wait3A_79 = arith.constant 0 : i32
      %dma_wait3A_80 = tpu.memref_slice %dma_wait3A_76[%add3A, %dma_wait3A_77, %dma_wait3A_78, %dma_wait3A_79] : memref<32x2x40x128xi32, #tpu.memory_space<hbm>> -> memref<1x2x40x128xi32, #tpu.memory_space<hbm>>
      %dma_wait3A_81 = tpu.memref_squeeze %dma_wait3A_80 : memref<1x2x40x128xi32, #tpu.memory_space<hbm>> -> memref<2x40x128xi32, #tpu.memory_space<hbm>>
      %dma_wait3A_82 = arith.constant 0 : i32
      %dma_wait3A_83 = arith.constant 0 : i32
      %dma_wait3A_84 = tpu.memref_slice %dma_wait3A_81[%run_scoped3A_9, %dma_wait3A_82, %dma_wait3A_83] : memref<2x40x128xi32, #tpu.memory_space<hbm>> -> memref<1x40x128xi32, #tpu.memory_space<hbm>>
      %dma_wait3A_85 = tpu.memref_squeeze %dma_wait3A_84 : memref<1x40x128xi32, #tpu.memory_space<hbm>> -> memref<40x128xi32, #tpu.memory_space<hbm>>
      %dma_wait3A_86 = arith.constant 0 : i32
      %dma_wait3A_87 = arith.constant 0 : i32
      %dma_wait3A_88 = arith.constant 0 : i32
      %dma_wait3A_89 = arith.constant 0 : i32
      %dma_wait3A_90 = tpu.memref_slice %arg4[%run_scoped3A, %dma_wait3A_86, %dma_wait3A_87, %dma_wait3A_88, %dma_wait3A_89] : memref<2x32x2x40x128xi32, #tpu.memory_space<hbm>> -> memref<1x32x2x40x128xi32, #tpu.memory_space<hbm>>
      %dma_wait3A_91 = tpu.memref_squeeze %dma_wait3A_90 : memref<1x32x2x40x128xi32, #tpu.memory_space<hbm>> -> memref<32x2x40x128xi32, #tpu.memory_space<hbm>>
      %dma_wait3A_92 = arith.constant 0 : i32
      %dma_wait3A_93 = arith.constant 0 : i32
      %dma_wait3A_94 = arith.constant 0 : i32
      %dma_wait3A_95 = tpu.memref_slice %dma_wait3A_91[%add3A, %dma_wait3A_92, %dma_wait3A_93, %dma_wait3A_94] : memref<32x2x40x128xi32, #tpu.memory_space<hbm>> -> memref<1x2x40x128xi32, #tpu.memory_space<hbm>>
      %dma_wait3A_96 = tpu.memref_squeeze %dma_wait3A_95 : memref<1x2x40x128xi32, #tpu.memory_space<hbm>> -> memref<2x40x128xi32, #tpu.memory_space<hbm>>
      %dma_wait3A_97 = arith.constant 0 : i32
      %dma_wait3A_98 = arith.constant 0 : i32
      %dma_wait3A_99 = tpu.memref_slice %dma_wait3A_96[%run_scoped3A_9, %dma_wait3A_97, %dma_wait3A_98] : memref<2x40x128xi32, #tpu.memory_space<hbm>> -> memref<1x40x128xi32, #tpu.memory_space<hbm>>
      %dma_wait3A_100 = tpu.memref_squeeze %dma_wait3A_99 : memref<1x40x128xi32, #tpu.memory_space<hbm>> -> memref<40x128xi32, #tpu.memory_space<hbm>>
      tpu.wait_dma2 semaphore(%run_scoped3A_41 : memref<!tpu.dma_semaphore, #tpu.memory_space<semaphore_mem>>) src(%dma_wait3A_100 : memref<40x128xi32, #tpu.memory_space<hbm>>) dst(%arg6 : memref<40x128xi32, #tpu.memory_space<vmem>>)
      tpu.yield
    }) : () -> ()
    %run_scoped3A_10 = arith.constant 1 : i32
    %run_scoped3A_11 = arith.constant 0 : i32
    "tpu.region"() ({
      %run_scoped3A_41 = tpu.sem_alloc : memref<!tpu.dma_semaphore, #tpu.memory_space<semaphore_mem>>
      %dma_start3A_42 = arith.constant 0 : i32
      %dma_start3A_43 = arith.constant 0 : i32
      %dma_start3A_44 = arith.constant 0 : i32
      %dma_start3A_45 = arith.constant 0 : i32
      %dma_start3A_46 = tpu.memref_slice %arg4[%run_scoped3A_10, %dma_start3A_42, %dma_start3A_43, %dma_start3A_44, %dma_start3A_45] : memref<2x32x2x40x128xi32, #tpu.memory_space<hbm>> -> memref<1x32x2x40x128xi32, #tpu.memory_space<hbm>>
      %dma_start3A_47 = tpu.memref_squeeze %dma_start3A_46 : memref<1x32x2x40x128xi32, #tpu.memory_space<hbm>> -> memref<32x2x40x128xi32, #tpu.memory_space<hbm>>
      %dma_start3A_48 = arith.constant 0 : i32
      %dma_start3A_49 = arith.constant 0 : i32
      %dma_start3A_50 = arith.constant 0 : i32
      %dma_start3A_51 = tpu.memref_slice %dma_start3A_47[%add3A, %dma_start3A_48, %dma_start3A_49, %dma_start3A_50] : memref<32x2x40x128xi32, #tpu.memory_space<hbm>> -> memref<1x2x40x128xi32, #tpu.memory_space<hbm>>
      %dma_start3A_52 = tpu.memref_squeeze %dma_start3A_51 : memref<1x2x40x128xi32, #tpu.memory_space<hbm>> -> memref<2x40x128xi32, #tpu.memory_space<hbm>>
      %dma_start3A_53 = arith.constant 0 : i32
      %dma_start3A_54 = arith.constant 0 : i32
      %dma_start3A_55 = tpu.memref_slice %dma_start3A_52[%run_scoped3A_11, %dma_start3A_53, %dma_start3A_54] : memref<2x40x128xi32, #tpu.memory_space<hbm>> -> memref<1x40x128xi32, #tpu.memory_space<hbm>>
      %dma_start3A_56 = tpu.memref_squeeze %dma_start3A_55 : memref<1x40x128xi32, #tpu.memory_space<hbm>> -> memref<40x128xi32, #tpu.memory_space<hbm>>
      %dma_start3A_57 = arith.constant 0 : i32
      %dma_start3A_58 = arith.constant 0 : i32
      %dma_start3A_59 = arith.constant 0 : i32
      %dma_start3A_60 = arith.constant 0 : i32
      %dma_start3A_61 = tpu.memref_slice %arg4[%run_scoped3A_10, %dma_start3A_57, %dma_start3A_58, %dma_start3A_59, %dma_start3A_60] : memref<2x32x2x40x128xi32, #tpu.memory_space<hbm>> -> memref<1x32x2x40x128xi32, #tpu.memory_space<hbm>>
      %dma_start3A_62 = tpu.memref_squeeze %dma_start3A_61 : memref<1x32x2x40x128xi32, #tpu.memory_space<hbm>> -> memref<32x2x40x128xi32, #tpu.memory_space<hbm>>
      %dma_start3A_63 = arith.constant 0 : i32
      %dma_start3A_64 = arith.constant 0 : i32
      %dma_start3A_65 = arith.constant 0 : i32
      %dma_start3A_66 = tpu.memref_slice %dma_start3A_62[%add3A, %dma_start3A_63, %dma_start3A_64, %dma_start3A_65] : memref<32x2x40x128xi32, #tpu.memory_space<hbm>> -> memref<1x2x40x128xi32, #tpu.memory_space<hbm>>
      %dma_start3A_67 = tpu.memref_squeeze %dma_start3A_66 : memref<1x2x40x128xi32, #tpu.memory_space<hbm>> -> memref<2x40x128xi32, #tpu.memory_space<hbm>>
      %dma_start3A_68 = arith.constant 0 : i32
      %dma_start3A_69 = arith.constant 0 : i32
      %dma_start3A_70 = tpu.memref_slice %dma_start3A_67[%run_scoped3A_11, %dma_start3A_68, %dma_start3A_69] : memref<2x40x128xi32, #tpu.memory_space<hbm>> -> memref<1x40x128xi32, #tpu.memory_space<hbm>>
      %dma_start3A_71 = tpu.memref_squeeze %dma_start3A_70 : memref<1x40x128xi32, #tpu.memory_space<hbm>> -> memref<40x128xi32, #tpu.memory_space<hbm>>
      tpu.enqueue_dma source(%dma_start3A_71 : memref<40x128xi32, #tpu.memory_space<hbm>>) target(%arg7 : memref<40x128xi32, #tpu.memory_space<vmem>>) target_semaphore(%run_scoped3A_41 : memref<!tpu.dma_semaphore, #tpu.memory_space<semaphore_mem>>)
      %dma_wait3A = arith.constant 0 : i32
      %dma_wait3A_72 = arith.constant 0 : i32
      %dma_wait3A_73 = arith.constant 0 : i32
      %dma_wait3A_74 = arith.constant 0 : i32
      %dma_wait3A_75 = tpu.memref_slice %arg4[%run_scoped3A_10, %dma_wait3A, %dma_wait3A_72, %dma_wait3A_73, %dma_wait3A_74] : memref<2x32x2x40x128xi32, #tpu.memory_space<hbm>> -> memref<1x32x2x40x128xi32, #tpu.memory_space<hbm>>
      %dma_wait3A_76 = tpu.memref_squeeze %dma_wait3A_75 : memref<1x32x2x40x128xi32, #tpu.memory_space<hbm>> -> memref<32x2x40x128xi32, #tpu.memory_space<hbm>>
      %dma_wait3A_77 = arith.constant 0 : i32
      %dma_wait3A_78 = arith.constant 0 : i32
      %dma_wait3A_79 = arith.constant 0 : i32
      %dma_wait3A_80 = tpu.memref_slice %dma_wait3A_76[%add3A, %dma_wait3A_77, %dma_wait3A_78, %dma_wait3A_79] : memref<32x2x40x128xi32, #tpu.memory_space<hbm>> -> memref<1x2x40x128xi32, #tpu.memory_space<hbm>>
      %dma_wait3A_81 = tpu.memref_squeeze %dma_wait3A_80 : memref<1x2x40x128xi32, #tpu.memory_space<hbm>> -> memref<2x40x128xi32, #tpu.memory_space<hbm>>
      %dma_wait3A_82 = arith.constant 0 : i32
      %dma_wait3A_83 = arith.constant 0 : i32
      %dma_wait3A_84 = tpu.memref_slice %dma_wait3A_81[%run_scoped3A_11, %dma_wait3A_82, %dma_wait3A_83] : memref<2x40x128xi32, #tpu.memory_space<hbm>> -> memref<1x40x128xi32, #tpu.memory_space<hbm>>
      %dma_wait3A_85 = tpu.memref_squeeze %dma_wait3A_84 : memref<1x40x128xi32, #tpu.memory_space<hbm>> -> memref<40x128xi32, #tpu.memory_space<hbm>>
      %dma_wait3A_86 = arith.constant 0 : i32
      %dma_wait3A_87 = arith.constant 0 : i32
      %dma_wait3A_88 = arith.constant 0 : i32
      %dma_wait3A_89 = arith.constant 0 : i32
      %dma_wait3A_90 = tpu.memref_slice %arg4[%run_scoped3A_10, %dma_wait3A_86, %dma_wait3A_87, %dma_wait3A_88, %dma_wait3A_89] : memref<2x32x2x40x128xi32, #tpu.memory_space<hbm>> -> memref<1x32x2x40x128xi32, #tpu.memory_space<hbm>>
      %dma_wait3A_91 = tpu.memref_squeeze %dma_wait3A_90 : memref<1x32x2x40x128xi32, #tpu.memory_space<hbm>> -> memref<32x2x40x128xi32, #tpu.memory_space<hbm>>
      %dma_wait3A_92 = arith.constant 0 : i32
      %dma_wait3A_93 = arith.constant 0 : i32
      %dma_wait3A_94 = arith.constant 0 : i32
      %dma_wait3A_95 = tpu.memref_slice %dma_wait3A_91[%add3A, %dma_wait3A_92, %dma_wait3A_93, %dma_wait3A_94] : memref<32x2x40x128xi32, #tpu.memory_space<hbm>> -> memref<1x2x40x128xi32, #tpu.memory_space<hbm>>
      %dma_wait3A_96 = tpu.memref_squeeze %dma_wait3A_95 : memref<1x2x40x128xi32, #tpu.memory_space<hbm>> -> memref<2x40x128xi32, #tpu.memory_space<hbm>>
      %dma_wait3A_97 = arith.constant 0 : i32
      %dma_wait3A_98 = arith.constant 0 : i32
      %dma_wait3A_99 = tpu.memref_slice %dma_wait3A_96[%run_scoped3A_11, %dma_wait3A_97, %dma_wait3A_98] : memref<2x40x128xi32, #tpu.memory_space<hbm>> -> memref<1x40x128xi32, #tpu.memory_space<hbm>>
      %dma_wait3A_100 = tpu.memref_squeeze %dma_wait3A_99 : memref<1x40x128xi32, #tpu.memory_space<hbm>> -> memref<40x128xi32, #tpu.memory_space<hbm>>
      tpu.wait_dma2 semaphore(%run_scoped3A_41 : memref<!tpu.dma_semaphore, #tpu.memory_space<semaphore_mem>>) src(%dma_wait3A_100 : memref<40x128xi32, #tpu.memory_space<hbm>>) dst(%arg7 : memref<40x128xi32, #tpu.memory_space<vmem>>)
      tpu.yield
    }) : () -> ()
    %dma_start3A = arith.constant 0 : i32
    %dma_start3A_12 = arith.constant 0 : i32
    %dma_start3A_13 = tpu.memref_slice %arg6[%dma_start3A, %dma_start3A_12] : memref<40x128xi32, #tpu.memory_space<vmem>> -> memref<1x128xi32, #tpu.memory_space<vmem>>
    %dma_start3A_14 = tpu.memref_squeeze %dma_start3A_13 : memref<1x128xi32, #tpu.memory_space<vmem>> -> memref<128xi32, #tpu.memory_space<vmem>>
    %dma_start3A_15 = arith.constant 0 : i32
    %dma_start3A_16 = arith.constant 0 : i32
    %dma_start3A_17 = tpu.memref_slice %arg2[%dma_start3A_15, %dma_start3A_16] : memref<10112x128xf32, #tpu.memory_space<hbm>> -> memref<10112x128xf32, #tpu.memory_space<hbm>>
    tpu.enqueue_indirect_dma source(%dma_start3A_17 : memref<10112x128xf32, #tpu.memory_space<hbm>>) target(%arg8 : memref<128x128xf32, #tpu.memory_space<vmem>>) offsets(%dma_start3A_14 : memref<128xi32, #tpu.memory_space<vmem>>) semaphore(%arg11 : memref<!tpu.dma_semaphore, #tpu.memory_space<semaphore_mem>>)
    %scan3A = arith.constant 0 : i32
    %scan3A_18 = arith.constant 0 : i32
    %scan3A_19 = arith.constant 20 : i32
    %scan3A_20 = arith.addi %scan3A_18, %scan3A_19 : i32
    %scan3A_21 = arith.constant 1 : i32
    scf.for %scan3A_41 = %scan3A_18 to %scan3A_20 step %scan3A_21  : i32 {
      %mul3A_42 = arith.constant 2 : i32
      %mul3A_43 = arith.muli %mul3A_42, %scan3A_41 : i32
      %add3A_44 = arith.constant 1 : i32
      %add3A_45 = arith.addi %mul3A_43, %add3A_44 : i32
      %dma_start3A_46 = arith.constant 0 : i32
      %dma_start3A_47 = tpu.memref_slice %arg6[%add3A_45, %dma_start3A_46] : memref<40x128xi32, #tpu.memory_space<vmem>> -> memref<1x128xi32, #tpu.memory_space<vmem>>
      %dma_start3A_48 = tpu.memref_squeeze %dma_start3A_47 : memref<1x128xi32, #tpu.memory_space<vmem>> -> memref<128xi32, #tpu.memory_space<vmem>>
      %dma_start3A_49 = arith.constant 0 : i32
      %dma_start3A_50 = arith.constant 0 : i32
      %dma_start3A_51 = tpu.memref_slice %arg2[%dma_start3A_49, %dma_start3A_50] : memref<10112x128xf32, #tpu.memory_space<hbm>> -> memref<10112x128xf32, #tpu.memory_space<hbm>>
      tpu.enqueue_indirect_dma source(%dma_start3A_51 : memref<10112x128xf32, #tpu.memory_space<hbm>>) target(%arg9 : memref<128x128xf32, #tpu.memory_space<vmem>>) offsets(%dma_start3A_48 : memref<128xi32, #tpu.memory_space<vmem>>) semaphore(%arg12 : memref<!tpu.dma_semaphore, #tpu.memory_space<semaphore_mem>>)
      %dma_wait3A = arith.constant 0 : i32
      %dma_wait3A_52 = tpu.memref_slice %arg6[%mul3A_43, %dma_wait3A] : memref<40x128xi32, #tpu.memory_space<vmem>> -> memref<1x128xi32, #tpu.memory_space<vmem>>
      %dma_wait3A_53 = tpu.memref_squeeze %dma_wait3A_52 : memref<1x128xi32, #tpu.memory_space<vmem>> -> memref<128xi32, #tpu.memory_space<vmem>>
      %dma_wait3A_54 = arith.constant 0 : i32
      %dma_wait3A_55 = arith.constant 0 : i32
      %dma_wait3A_56 = tpu.memref_slice %arg2[%dma_wait3A_54, %dma_wait3A_55] : memref<10112x128xf32, #tpu.memory_space<hbm>> -> memref<10112x128xf32, #tpu.memory_space<hbm>>
      tpu.wait_indirect_dma semaphore(%arg11 : memref<!tpu.dma_semaphore, #tpu.memory_space<semaphore_mem>>) src(%dma_wait3A_56 : memref<10112x128xf32, #tpu.memory_space<hbm>>) dst(%arg8 : memref<128x128xf32, #tpu.memory_space<vmem>>)
      "tpu.region"() ({
        %run_scoped3A_71 = tpu.sem_alloc : memref<!tpu.dma_semaphore, #tpu.memory_space<semaphore_mem>>
        %dma_start3A_72 = arith.constant 0 : i32
        %dma_start3A_73 = tpu.memref_slice %arg7[%mul3A_43, %dma_start3A_72] : memref<40x128xi32, #tpu.memory_space<vmem>> -> memref<1x128xi32, #tpu.memory_space<vmem>>
        %dma_start3A_74 = tpu.memref_squeeze %dma_start3A_73 : memref<1x128xi32, #tpu.memory_space<vmem>> -> memref<128xi32, #tpu.memory_space<vmem>>
        %dma_start3A_75 = arith.constant 0 : i32
        %dma_start3A_76 = arith.constant 0 : i32
        %dma_start3A_77 = tpu.memref_slice %arg10[%dma_start3A_75, %dma_start3A_76] : memref<10112x128xf32, #tpu.memory_space<vmem_shared>> -> memref<10112x128xf32, #tpu.memory_space<vmem_shared>>
        tpu.enqueue_indirect_dma source(%arg8 : memref<128x128xf32, #tpu.memory_space<vmem>>) target(%dma_start3A_77 : memref<10112x128xf32, #tpu.memory_space<vmem_shared>>) offsets(%dma_start3A_74 : memref<128xi32, #tpu.memory_space<vmem>>) semaphore(%run_scoped3A_71 : memref<!tpu.dma_semaphore, #tpu.memory_space<semaphore_mem>>) {add = true}
        %dma_wait3A_78 = arith.constant 0 : i32
        %dma_wait3A_79 = tpu.memref_slice %arg7[%mul3A_43, %dma_wait3A_78] : memref<40x128xi32, #tpu.memory_space<vmem>> -> memref<1x128xi32, #tpu.memory_space<vmem>>
        %dma_wait3A_80 = tpu.memref_squeeze %dma_wait3A_79 : memref<1x128xi32, #tpu.memory_space<vmem>> -> memref<128xi32, #tpu.memory_space<vmem>>
        %dma_wait3A_81 = arith.constant 0 : i32
        %dma_wait3A_82 = arith.constant 0 : i32
        %dma_wait3A_83 = tpu.memref_slice %arg10[%dma_wait3A_81, %dma_wait3A_82] : memref<10112x128xf32, #tpu.memory_space<vmem_shared>> -> memref<10112x128xf32, #tpu.memory_space<vmem_shared>>
        tpu.wait_indirect_dma semaphore(%run_scoped3A_71 : memref<!tpu.dma_semaphore, #tpu.memory_space<semaphore_mem>>) src(%arg8 : memref<128x128xf32, #tpu.memory_space<vmem>>) dst(%dma_wait3A_83 : memref<10112x128xf32, #tpu.memory_space<vmem_shared>>)
        tpu.yield
      }) : () -> ()
      %lt3A = arith.constant 19 : i32
      %lt3A_57 = arith.cmpi slt, %scan3A_41, %lt3A : i32
      %convert_element_type3A_58 = arith.extui %lt3A_57 : i1 to i32
      %cond3A_59 = arith.constant 0 : i32
      %cond3A_60 = arith.cmpi ne, %convert_element_type3A_58, %cond3A_59 : i32
      scf.if %cond3A_60 {
        %add3A_71 = arith.constant 2 : i32
        %add3A_72 = arith.addi %mul3A_43, %add3A_71 : i32
        %dma_start3A_73 = arith.constant 0 : i32
        %dma_start3A_74 = tpu.memref_slice %arg6[%add3A_72, %dma_start3A_73] : memref<40x128xi32, #tpu.memory_space<vmem>> -> memref<1x128xi32, #tpu.memory_space<vmem>>
        %dma_start3A_75 = tpu.memref_squeeze %dma_start3A_74 : memref<1x128xi32, #tpu.memory_space<vmem>> -> memref<128xi32, #tpu.memory_space<vmem>>
        %dma_start3A_76 = arith.constant 0 : i32
        %dma_start3A_77 = arith.constant 0 : i32
        %dma_start3A_78 = tpu.memref_slice %arg2[%dma_start3A_76, %dma_start3A_77] : memref<10112x128xf32, #tpu.memory_space<hbm>> -> memref<10112x128xf32, #tpu.memory_space<hbm>>
        tpu.enqueue_indirect_dma source(%dma_start3A_78 : memref<10112x128xf32, #tpu.memory_space<hbm>>) target(%arg8 : memref<128x128xf32, #tpu.memory_space<vmem>>) offsets(%dma_start3A_75 : memref<128xi32, #tpu.memory_space<vmem>>) semaphore(%arg11 : memref<!tpu.dma_semaphore, #tpu.memory_space<semaphore_mem>>)
      } else {
      }
      %add3A_61 = arith.constant 1 : i32
      %add3A_62 = arith.addi %mul3A_43, %add3A_61 : i32
      %dma_wait3A_63 = arith.constant 0 : i32
      %dma_wait3A_64 = tpu.memref_slice %arg6[%add3A_62, %dma_wait3A_63] : memref<40x128xi32, #tpu.memory_space<vmem>> -> memref<1x128xi32, #tpu.memory_space<vmem>>
      %dma_wait3A_65 = tpu.memref_squeeze %dma_wait3A_64 : memref<1x128xi32, #tpu.memory_space<vmem>> -> memref<128xi32, #tpu.memory_space<vmem>>
      %dma_wait3A_66 = arith.constant 0 : i32
      %dma_wait3A_67 = arith.constant 0 : i32
      %dma_wait3A_68 = tpu.memref_slice %arg2[%dma_wait3A_66, %dma_wait3A_67] : memref<10112x128xf32, #tpu.memory_space<hbm>> -> memref<10112x128xf32, #tpu.memory_space<hbm>>
      tpu.wait_indirect_dma semaphore(%arg12 : memref<!tpu.dma_semaphore, #tpu.memory_space<semaphore_mem>>) src(%dma_wait3A_68 : memref<10112x128xf32, #tpu.memory_space<hbm>>) dst(%arg9 : memref<128x128xf32, #tpu.memory_space<vmem>>)
      %add3A_69 = arith.constant 1 : i32
      %add3A_70 = arith.addi %mul3A_43, %add3A_69 : i32
      "tpu.region"() ({
        %run_scoped3A_71 = tpu.sem_alloc : memref<!tpu.dma_semaphore, #tpu.memory_space<semaphore_mem>>
        %dma_start3A_72 = arith.constant 0 : i32
        %dma_start3A_73 = tpu.memref_slice %arg7[%add3A_70, %dma_start3A_72] : memref<40x128xi32, #tpu.memory_space<vmem>> -> memref<1x128xi32, #tpu.memory_space<vmem>>
        %dma_start3A_74 = tpu.memref_squeeze %dma_start3A_73 : memref<1x128xi32, #tpu.memory_space<vmem>> -> memref<128xi32, #tpu.memory_space<vmem>>
        %dma_start3A_75 = arith.constant 0 : i32
        %dma_start3A_76 = arith.constant 0 : i32
        %dma_start3A_77 = tpu.memref_slice %arg10[%dma_start3A_75, %dma_start3A_76] : memref<10112x128xf32, #tpu.memory_space<vmem_shared>> -> memref<10112x128xf32, #tpu.memory_space<vmem_shared>>
        tpu.enqueue_indirect_dma source(%arg9 : memref<128x128xf32, #tpu.memory_space<vmem>>) target(%dma_start3A_77 : memref<10112x128xf32, #tpu.memory_space<vmem_shared>>) offsets(%dma_start3A_74 : memref<128xi32, #tpu.memory_space<vmem>>) semaphore(%run_scoped3A_71 : memref<!tpu.dma_semaphore, #tpu.memory_space<semaphore_mem>>) {add = true}
        %dma_wait3A_78 = arith.constant 0 : i32
        %dma_wait3A_79 = tpu.memref_slice %arg7[%add3A_70, %dma_wait3A_78] : memref<40x128xi32, #tpu.memory_space<vmem>> -> memref<1x128xi32, #tpu.memory_space<vmem>>
        %dma_wait3A_80 = tpu.memref_squeeze %dma_wait3A_79 : memref<1x128xi32, #tpu.memory_space<vmem>> -> memref<128xi32, #tpu.memory_space<vmem>>
        %dma_wait3A_81 = arith.constant 0 : i32
        %dma_wait3A_82 = arith.constant 0 : i32
        %dma_wait3A_83 = tpu.memref_slice %arg10[%dma_wait3A_81, %dma_wait3A_82] : memref<10112x128xf32, #tpu.memory_space<vmem_shared>> -> memref<10112x128xf32, #tpu.memory_space<vmem_shared>>
        tpu.wait_indirect_dma semaphore(%run_scoped3A_71 : memref<!tpu.dma_semaphore, #tpu.memory_space<semaphore_mem>>) src(%arg9 : memref<128x128xf32, #tpu.memory_space<vmem>>) dst(%dma_wait3A_83 : memref<10112x128xf32, #tpu.memory_space<vmem_shared>>)
        tpu.yield
      }) : () -> ()
    }
    %scan3A_22 = arith.constant 20 : i32
    %run_scoped3A_23 = arith.constant 0 : i32
    %run_scoped3A_24 = arith.constant 1 : i32
    "tpu.region"() ({
      %run_scoped3A_41 = tpu.sem_alloc : memref<!tpu.dma_semaphore, #tpu.memory_space<semaphore_mem>>
      %dma_start3A_42 = arith.constant 0 : i32
      %dma_start3A_43 = arith.constant 0 : i32
      %dma_start3A_44 = arith.constant 0 : i32
      %dma_start3A_45 = arith.constant 0 : i32
      %dma_start3A_46 = tpu.memref_slice %arg4[%run_scoped3A_23, %dma_start3A_42, %dma_start3A_43, %dma_start3A_44, %dma_start3A_45] : memref<2x32x2x40x128xi32, #tpu.memory_space<hbm>> -> memref<1x32x2x40x128xi32, #tpu.memory_space<hbm>>
      %dma_start3A_47 = tpu.memref_squeeze %dma_start3A_46 : memref<1x32x2x40x128xi32, #tpu.memory_space<hbm>> -> memref<32x2x40x128xi32, #tpu.memory_space<hbm>>
      %dma_start3A_48 = arith.constant 0 : i32
      %dma_start3A_49 = arith.constant 0 : i32
      %dma_start3A_50 = arith.constant 0 : i32
      %dma_start3A_51 = tpu.memref_slice %dma_start3A_47[%add3A, %dma_start3A_48, %dma_start3A_49, %dma_start3A_50] : memref<32x2x40x128xi32, #tpu.memory_space<hbm>> -> memref<1x2x40x128xi32, #tpu.memory_space<hbm>>
      %dma_start3A_52 = tpu.memref_squeeze %dma_start3A_51 : memref<1x2x40x128xi32, #tpu.memory_space<hbm>> -> memref<2x40x128xi32, #tpu.memory_space<hbm>>
      %dma_start3A_53 = arith.constant 0 : i32
      %dma_start3A_54 = arith.constant 0 : i32
      %dma_start3A_55 = tpu.memref_slice %dma_start3A_52[%run_scoped3A_24, %dma_start3A_53, %dma_start3A_54] : memref<2x40x128xi32, #tpu.memory_space<hbm>> -> memref<1x40x128xi32, #tpu.memory_space<hbm>>
      %dma_start3A_56 = tpu.memref_squeeze %dma_start3A_55 : memref<1x40x128xi32, #tpu.memory_space<hbm>> -> memref<40x128xi32, #tpu.memory_space<hbm>>
      %dma_start3A_57 = arith.constant 0 : i32
      %dma_start3A_58 = arith.constant 0 : i32
      %dma_start3A_59 = arith.constant 0 : i32
      %dma_start3A_60 = arith.constant 0 : i32
      %dma_start3A_61 = tpu.memref_slice %arg4[%run_scoped3A_23, %dma_start3A_57, %dma_start3A_58, %dma_start3A_59, %dma_start3A_60] : memref<2x32x2x40x128xi32, #tpu.memory_space<hbm>> -> memref<1x32x2x40x128xi32, #tpu.memory_space<hbm>>
      %dma_start3A_62 = tpu.memref_squeeze %dma_start3A_61 : memref<1x32x2x40x128xi32, #tpu.memory_space<hbm>> -> memref<32x2x40x128xi32, #tpu.memory_space<hbm>>
      %dma_start3A_63 = arith.constant 0 : i32
      %dma_start3A_64 = arith.constant 0 : i32
      %dma_start3A_65 = arith.constant 0 : i32
      %dma_start3A_66 = tpu.memref_slice %dma_start3A_62[%add3A, %dma_start3A_63, %dma_start3A_64, %dma_start3A_65] : memref<32x2x40x128xi32, #tpu.memory_space<hbm>> -> memref<1x2x40x128xi32, #tpu.memory_space<hbm>>
      %dma_start3A_67 = tpu.memref_squeeze %dma_start3A_66 : memref<1x2x40x128xi32, #tpu.memory_space<hbm>> -> memref<2x40x128xi32, #tpu.memory_space<hbm>>
      %dma_start3A_68 = arith.constant 0 : i32
      %dma_start3A_69 = arith.constant 0 : i32
      %dma_start3A_70 = tpu.memref_slice %dma_start3A_67[%run_scoped3A_24, %dma_start3A_68, %dma_start3A_69] : memref<2x40x128xi32, #tpu.memory_space<hbm>> -> memref<1x40x128xi32, #tpu.memory_space<hbm>>
      %dma_start3A_71 = tpu.memref_squeeze %dma_start3A_70 : memref<1x40x128xi32, #tpu.memory_space<hbm>> -> memref<40x128xi32, #tpu.memory_space<hbm>>
      tpu.enqueue_dma source(%dma_start3A_71 : memref<40x128xi32, #tpu.memory_space<hbm>>) target(%arg6 : memref<40x128xi32, #tpu.memory_space<vmem>>) target_semaphore(%run_scoped3A_41 : memref<!tpu.dma_semaphore, #tpu.memory_space<semaphore_mem>>)
      %dma_wait3A = arith.constant 0 : i32
      %dma_wait3A_72 = arith.constant 0 : i32
      %dma_wait3A_73 = arith.constant 0 : i32
      %dma_wait3A_74 = arith.constant 0 : i32
      %dma_wait3A_75 = tpu.memref_slice %arg4[%run_scoped3A_23, %dma_wait3A, %dma_wait3A_72, %dma_wait3A_73, %dma_wait3A_74] : memref<2x32x2x40x128xi32, #tpu.memory_space<hbm>> -> memref<1x32x2x40x128xi32, #tpu.memory_space<hbm>>
      %dma_wait3A_76 = tpu.memref_squeeze %dma_wait3A_75 : memref<1x32x2x40x128xi32, #tpu.memory_space<hbm>> -> memref<32x2x40x128xi32, #tpu.memory_space<hbm>>
      %dma_wait3A_77 = arith.constant 0 : i32
      %dma_wait3A_78 = arith.constant 0 : i32
      %dma_wait3A_79 = arith.constant 0 : i32
      %dma_wait3A_80 = tpu.memref_slice %dma_wait3A_76[%add3A, %dma_wait3A_77, %dma_wait3A_78, %dma_wait3A_79] : memref<32x2x40x128xi32, #tpu.memory_space<hbm>> -> memref<1x2x40x128xi32, #tpu.memory_space<hbm>>
      %dma_wait3A_81 = tpu.memref_squeeze %dma_wait3A_80 : memref<1x2x40x128xi32, #tpu.memory_space<hbm>> -> memref<2x40x128xi32, #tpu.memory_space<hbm>>
      %dma_wait3A_82 = arith.constant 0 : i32
      %dma_wait3A_83 = arith.constant 0 : i32
      %dma_wait3A_84 = tpu.memref_slice %dma_wait3A_81[%run_scoped3A_24, %dma_wait3A_82, %dma_wait3A_83] : memref<2x40x128xi32, #tpu.memory_space<hbm>> -> memref<1x40x128xi32, #tpu.memory_space<hbm>>
      %dma_wait3A_85 = tpu.memref_squeeze %dma_wait3A_84 : memref<1x40x128xi32, #tpu.memory_space<hbm>> -> memref<40x128xi32, #tpu.memory_space<hbm>>
      %dma_wait3A_86 = arith.constant 0 : i32
      %dma_wait3A_87 = arith.constant 0 : i32
      %dma_wait3A_88 = arith.constant 0 : i32
      %dma_wait3A_89 = arith.constant 0 : i32
      %dma_wait3A_90 = tpu.memref_slice %arg4[%run_scoped3A_23, %dma_wait3A_86, %dma_wait3A_87, %dma_wait3A_88, %dma_wait3A_89] : memref<2x32x2x40x128xi32, #tpu.memory_space<hbm>> -> memref<1x32x2x40x128xi32, #tpu.memory_space<hbm>>
      %dma_wait3A_91 = tpu.memref_squeeze %dma_wait3A_90 : memref<1x32x2x40x128xi32, #tpu.memory_space<hbm>> -> memref<32x2x40x128xi32, #tpu.memory_space<hbm>>
      %dma_wait3A_92 = arith.constant 0 : i32
      %dma_wait3A_93 = arith.constant 0 : i32
      %dma_wait3A_94 = arith.constant 0 : i32
      %dma_wait3A_95 = tpu.memref_slice %dma_wait3A_91[%add3A, %dma_wait3A_92, %dma_wait3A_93, %dma_wait3A_94] : memref<32x2x40x128xi32, #tpu.memory_space<hbm>> -> memref<1x2x40x128xi32, #tpu.memory_space<hbm>>
      %dma_wait3A_96 = tpu.memref_squeeze %dma_wait3A_95 : memref<1x2x40x128xi32, #tpu.memory_space<hbm>> -> memref<2x40x128xi32, #tpu.memory_space<hbm>>
      %dma_wait3A_97 = arith.constant 0 : i32
      %dma_wait3A_98 = arith.constant 0 : i32
      %dma_wait3A_99 = tpu.memref_slice %dma_wait3A_96[%run_scoped3A_24, %dma_wait3A_97, %dma_wait3A_98] : memref<2x40x128xi32, #tpu.memory_space<hbm>> -> memref<1x40x128xi32, #tpu.memory_space<hbm>>
      %dma_wait3A_100 = tpu.memref_squeeze %dma_wait3A_99 : memref<1x40x128xi32, #tpu.memory_space<hbm>> -> memref<40x128xi32, #tpu.memory_space<hbm>>
      tpu.wait_dma2 semaphore(%run_scoped3A_41 : memref<!tpu.dma_semaphore, #tpu.memory_space<semaphore_mem>>) src(%dma_wait3A_100 : memref<40x128xi32, #tpu.memory_space<hbm>>) dst(%arg6 : memref<40x128xi32, #tpu.memory_space<vmem>>)
      tpu.yield
    }) : () -> ()
    %run_scoped3A_25 = arith.constant 1 : i32
    %run_scoped3A_26 = arith.constant 1 : i32
    "tpu.region"() ({
      %run_scoped3A_41 = tpu.sem_alloc : memref<!tpu.dma_semaphore, #tpu.memory_space<semaphore_mem>>
      %dma_start3A_42 = arith.constant 0 : i32
      %dma_start3A_43 = arith.constant 0 : i32
      %dma_start3A_44 = arith.constant 0 : i32
      %dma_start3A_45 = arith.constant 0 : i32
      %dma_start3A_46 = tpu.memref_slice %arg4[%run_scoped3A_25, %dma_start3A_42, %dma_start3A_43, %dma_start3A_44, %dma_start3A_45] : memref<2x32x2x40x128xi32, #tpu.memory_space<hbm>> -> memref<1x32x2x40x128xi32, #tpu.memory_space<hbm>>
      %dma_start3A_47 = tpu.memref_squeeze %dma_start3A_46 : memref<1x32x2x40x128xi32, #tpu.memory_space<hbm>> -> memref<32x2x40x128xi32, #tpu.memory_space<hbm>>
      %dma_start3A_48 = arith.constant 0 : i32
      %dma_start3A_49 = arith.constant 0 : i32
      %dma_start3A_50 = arith.constant 0 : i32
      %dma_start3A_51 = tpu.memref_slice %dma_start3A_47[%add3A, %dma_start3A_48, %dma_start3A_49, %dma_start3A_50] : memref<32x2x40x128xi32, #tpu.memory_space<hbm>> -> memref<1x2x40x128xi32, #tpu.memory_space<hbm>>
      %dma_start3A_52 = tpu.memref_squeeze %dma_start3A_51 : memref<1x2x40x128xi32, #tpu.memory_space<hbm>> -> memref<2x40x128xi32, #tpu.memory_space<hbm>>
      %dma_start3A_53 = arith.constant 0 : i32
      %dma_start3A_54 = arith.constant 0 : i32
      %dma_start3A_55 = tpu.memref_slice %dma_start3A_52[%run_scoped3A_26, %dma_start3A_53, %dma_start3A_54] : memref<2x40x128xi32, #tpu.memory_space<hbm>> -> memref<1x40x128xi32, #tpu.memory_space<hbm>>
      %dma_start3A_56 = tpu.memref_squeeze %dma_start3A_55 : memref<1x40x128xi32, #tpu.memory_space<hbm>> -> memref<40x128xi32, #tpu.memory_space<hbm>>
      %dma_start3A_57 = arith.constant 0 : i32
      %dma_start3A_58 = arith.constant 0 : i32
      %dma_start3A_59 = arith.constant 0 : i32
      %dma_start3A_60 = arith.constant 0 : i32
      %dma_start3A_61 = tpu.memref_slice %arg4[%run_scoped3A_25, %dma_start3A_57, %dma_start3A_58, %dma_start3A_59, %dma_start3A_60] : memref<2x32x2x40x128xi32, #tpu.memory_space<hbm>> -> memref<1x32x2x40x128xi32, #tpu.memory_space<hbm>>
      %dma_start3A_62 = tpu.memref_squeeze %dma_start3A_61 : memref<1x32x2x40x128xi32, #tpu.memory_space<hbm>> -> memref<32x2x40x128xi32, #tpu.memory_space<hbm>>
      %dma_start3A_63 = arith.constant 0 : i32
      %dma_start3A_64 = arith.constant 0 : i32
      %dma_start3A_65 = arith.constant 0 : i32
      %dma_start3A_66 = tpu.memref_slice %dma_start3A_62[%add3A, %dma_start3A_63, %dma_start3A_64, %dma_start3A_65] : memref<32x2x40x128xi32, #tpu.memory_space<hbm>> -> memref<1x2x40x128xi32, #tpu.memory_space<hbm>>
      %dma_start3A_67 = tpu.memref_squeeze %dma_start3A_66 : memref<1x2x40x128xi32, #tpu.memory_space<hbm>> -> memref<2x40x128xi32, #tpu.memory_space<hbm>>
      %dma_start3A_68 = arith.constant 0 : i32
      %dma_start3A_69 = arith.constant 0 : i32
      %dma_start3A_70 = tpu.memref_slice %dma_start3A_67[%run_scoped3A_26, %dma_start3A_68, %dma_start3A_69] : memref<2x40x128xi32, #tpu.memory_space<hbm>> -> memref<1x40x128xi32, #tpu.memory_space<hbm>>
      %dma_start3A_71 = tpu.memref_squeeze %dma_start3A_70 : memref<1x40x128xi32, #tpu.memory_space<hbm>> -> memref<40x128xi32, #tpu.memory_space<hbm>>
      tpu.enqueue_dma source(%dma_start3A_71 : memref<40x128xi32, #tpu.memory_space<hbm>>) target(%arg7 : memref<40x128xi32, #tpu.memory_space<vmem>>) target_semaphore(%run_scoped3A_41 : memref<!tpu.dma_semaphore, #tpu.memory_space<semaphore_mem>>)
      %dma_wait3A = arith.constant 0 : i32
      %dma_wait3A_72 = arith.constant 0 : i32
      %dma_wait3A_73 = arith.constant 0 : i32
      %dma_wait3A_74 = arith.constant 0 : i32
      %dma_wait3A_75 = tpu.memref_slice %arg4[%run_scoped3A_25, %dma_wait3A, %dma_wait3A_72, %dma_wait3A_73, %dma_wait3A_74] : memref<2x32x2x40x128xi32, #tpu.memory_space<hbm>> -> memref<1x32x2x40x128xi32, #tpu.memory_space<hbm>>
      %dma_wait3A_76 = tpu.memref_squeeze %dma_wait3A_75 : memref<1x32x2x40x128xi32, #tpu.memory_space<hbm>> -> memref<32x2x40x128xi32, #tpu.memory_space<hbm>>
      %dma_wait3A_77 = arith.constant 0 : i32
      %dma_wait3A_78 = arith.constant 0 : i32
      %dma_wait3A_79 = arith.constant 0 : i32
      %dma_wait3A_80 = tpu.memref_slice %dma_wait3A_76[%add3A, %dma_wait3A_77, %dma_wait3A_78, %dma_wait3A_79] : memref<32x2x40x128xi32, #tpu.memory_space<hbm>> -> memref<1x2x40x128xi32, #tpu.memory_space<hbm>>
      %dma_wait3A_81 = tpu.memref_squeeze %dma_wait3A_80 : memref<1x2x40x128xi32, #tpu.memory_space<hbm>> -> memref<2x40x128xi32, #tpu.memory_space<hbm>>
      %dma_wait3A_82 = arith.constant 0 : i32
      %dma_wait3A_83 = arith.constant 0 : i32
      %dma_wait3A_84 = tpu.memref_slice %dma_wait3A_81[%run_scoped3A_26, %dma_wait3A_82, %dma_wait3A_83] : memref<2x40x128xi32, #tpu.memory_space<hbm>> -> memref<1x40x128xi32, #tpu.memory_space<hbm>>
      %dma_wait3A_85 = tpu.memref_squeeze %dma_wait3A_84 : memref<1x40x128xi32, #tpu.memory_space<hbm>> -> memref<40x128xi32, #tpu.memory_space<hbm>>
      %dma_wait3A_86 = arith.constant 0 : i32
      %dma_wait3A_87 = arith.constant 0 : i32
      %dma_wait3A_88 = arith.constant 0 : i32
      %dma_wait3A_89 = arith.constant 0 : i32
      %dma_wait3A_90 = tpu.memref_slice %arg4[%run_scoped3A_25, %dma_wait3A_86, %dma_wait3A_87, %dma_wait3A_88, %dma_wait3A_89] : memref<2x32x2x40x128xi32, #tpu.memory_space<hbm>> -> memref<1x32x2x40x128xi32, #tpu.memory_space<hbm>>
      %dma_wait3A_91 = tpu.memref_squeeze %dma_wait3A_90 : memref<1x32x2x40x128xi32, #tpu.memory_space<hbm>> -> memref<32x2x40x128xi32, #tpu.memory_space<hbm>>
      %dma_wait3A_92 = arith.constant 0 : i32
      %dma_wait3A_93 = arith.constant 0 : i32
      %dma_wait3A_94 = arith.constant 0 : i32
      %dma_wait3A_95 = tpu.memref_slice %dma_wait3A_91[%add3A, %dma_wait3A_92, %dma_wait3A_93, %dma_wait3A_94] : memref<32x2x40x128xi32, #tpu.memory_space<hbm>> -> memref<1x2x40x128xi32, #tpu.memory_space<hbm>>
      %dma_wait3A_96 = tpu.memref_squeeze %dma_wait3A_95 : memref<1x2x40x128xi32, #tpu.memory_space<hbm>> -> memref<2x40x128xi32, #tpu.memory_space<hbm>>
      %dma_wait3A_97 = arith.constant 0 : i32
      %dma_wait3A_98 = arith.constant 0 : i32
      %dma_wait3A_99 = tpu.memref_slice %dma_wait3A_96[%run_scoped3A_26, %dma_wait3A_97, %dma_wait3A_98] : memref<2x40x128xi32, #tpu.memory_space<hbm>> -> memref<1x40x128xi32, #tpu.memory_space<hbm>>
      %dma_wait3A_100 = tpu.memref_squeeze %dma_wait3A_99 : memref<1x40x128xi32, #tpu.memory_space<hbm>> -> memref<40x128xi32, #tpu.memory_space<hbm>>
      tpu.wait_dma2 semaphore(%run_scoped3A_41 : memref<!tpu.dma_semaphore, #tpu.memory_space<semaphore_mem>>) src(%dma_wait3A_100 : memref<40x128xi32, #tpu.memory_space<hbm>>) dst(%arg7 : memref<40x128xi32, #tpu.memory_space<vmem>>)
      tpu.yield
    }) : () -> ()
    %dma_start3A_27 = arith.constant 0 : i32
    %dma_start3A_28 = arith.constant 0 : i32
    %dma_start3A_29 = tpu.memref_slice %arg6[%dma_start3A_27, %dma_start3A_28] : memref<40x128xi32, #tpu.memory_space<vmem>> -> memref<1x128xi32, #tpu.memory_space<vmem>>
    %dma_start3A_30 = tpu.memref_squeeze %dma_start3A_29 : memref<1x128xi32, #tpu.memory_space<vmem>> -> memref<128xi32, #tpu.memory_space<vmem>>
    %dma_start3A_31 = arith.constant 0 : i32
    %dma_start3A_32 = arith.constant 0 : i32
    %dma_start3A_33 = tpu.memref_slice %arg2[%dma_start3A_31, %dma_start3A_32] : memref<10112x128xf32, #tpu.memory_space<hbm>> -> memref<10112x128xf32, #tpu.memory_space<hbm>>
    tpu.enqueue_indirect_dma source(%dma_start3A_33 : memref<10112x128xf32, #tpu.memory_space<hbm>>) target(%arg8 : memref<128x128xf32, #tpu.memory_space<vmem>>) offsets(%dma_start3A_30 : memref<128xi32, #tpu.memory_space<vmem>>) semaphore(%arg11 : memref<!tpu.dma_semaphore, #tpu.memory_space<semaphore_mem>>)
    %scan3A_34 = arith.constant 0 : i32
    %scan3A_35 = arith.constant 0 : i32
    %scan3A_36 = arith.constant 20 : i32
    %scan3A_37 = arith.addi %scan3A_35, %scan3A_36 : i32
    %scan3A_38 = arith.constant 1 : i32
    scf.for %scan3A_41 = %scan3A_35 to %scan3A_37 step %scan3A_38  : i32 {
      %mul3A_42 = arith.constant 2 : i32
      %mul3A_43 = arith.muli %mul3A_42, %scan3A_41 : i32
      %add3A_44 = arith.constant 1 : i32
      %add3A_45 = arith.addi %mul3A_43, %add3A_44 : i32
      %dma_start3A_46 = arith.constant 0 : i32
      %dma_start3A_47 = tpu.memref_slice %arg6[%add3A_45, %dma_start3A_46] : memref<40x128xi32, #tpu.memory_space<vmem>> -> memref<1x128xi32, #tpu.memory_space<vmem>>
      %dma_start3A_48 = tpu.memref_squeeze %dma_start3A_47 : memref<1x128xi32, #tpu.memory_space<vmem>> -> memref<128xi32, #tpu.memory_space<vmem>>
      %dma_start3A_49 = arith.constant 0 : i32
      %dma_start3A_50 = arith.constant 0 : i32
      %dma_start3A_51 = tpu.memref_slice %arg2[%dma_start3A_49, %dma_start3A_50] : memref<10112x128xf32, #tpu.memory_space<hbm>> -> memref<10112x128xf32, #tpu.memory_space<hbm>>
      tpu.enqueue_indirect_dma source(%dma_start3A_51 : memref<10112x128xf32, #tpu.memory_space<hbm>>) target(%arg9 : memref<128x128xf32, #tpu.memory_space<vmem>>) offsets(%dma_start3A_48 : memref<128xi32, #tpu.memory_space<vmem>>) semaphore(%arg12 : memref<!tpu.dma_semaphore, #tpu.memory_space<semaphore_mem>>)
      %dma_wait3A = arith.constant 0 : i32
      %dma_wait3A_52 = tpu.memref_slice %arg6[%mul3A_43, %dma_wait3A] : memref<40x128xi32, #tpu.memory_space<vmem>> -> memref<1x128xi32, #tpu.memory_space<vmem>>
      %dma_wait3A_53 = tpu.memref_squeeze %dma_wait3A_52 : memref<1x128xi32, #tpu.memory_space<vmem>> -> memref<128xi32, #tpu.memory_space<vmem>>
      %dma_wait3A_54 = arith.constant 0 : i32
      %dma_wait3A_55 = arith.constant 0 : i32
      %dma_wait3A_56 = tpu.memref_slice %arg2[%dma_wait3A_54, %dma_wait3A_55] : memref<10112x128xf32, #tpu.memory_space<hbm>> -> memref<10112x128xf32, #tpu.memory_space<hbm>>
      tpu.wait_indirect_dma semaphore(%arg11 : memref<!tpu.dma_semaphore, #tpu.memory_space<semaphore_mem>>) src(%dma_wait3A_56 : memref<10112x128xf32, #tpu.memory_space<hbm>>) dst(%arg8 : memref<128x128xf32, #tpu.memory_space<vmem>>)
      "tpu.region"() ({
        %run_scoped3A_71 = tpu.sem_alloc : memref<!tpu.dma_semaphore, #tpu.memory_space<semaphore_mem>>
        %dma_start3A_72 = arith.constant 0 : i32
        %dma_start3A_73 = tpu.memref_slice %arg7[%mul3A_43, %dma_start3A_72] : memref<40x128xi32, #tpu.memory_space<vmem>> -> memref<1x128xi32, #tpu.memory_space<vmem>>
        %dma_start3A_74 = tpu.memref_squeeze %dma_start3A_73 : memref<1x128xi32, #tpu.memory_space<vmem>> -> memref<128xi32, #tpu.memory_space<vmem>>
        %dma_start3A_75 = arith.constant 0 : i32
        %dma_start3A_76 = arith.constant 0 : i32
        %dma_start3A_77 = tpu.memref_slice %arg10[%dma_start3A_75, %dma_start3A_76] : memref<10112x128xf32, #tpu.memory_space<vmem_shared>> -> memref<10112x128xf32, #tpu.memory_space<vmem_shared>>
        tpu.enqueue_indirect_dma source(%arg8 : memref<128x128xf32, #tpu.memory_space<vmem>>) target(%dma_start3A_77 : memref<10112x128xf32, #tpu.memory_space<vmem_shared>>) offsets(%dma_start3A_74 : memref<128xi32, #tpu.memory_space<vmem>>) semaphore(%run_scoped3A_71 : memref<!tpu.dma_semaphore, #tpu.memory_space<semaphore_mem>>) {add = true}
        %dma_wait3A_78 = arith.constant 0 : i32
        %dma_wait3A_79 = tpu.memref_slice %arg7[%mul3A_43, %dma_wait3A_78] : memref<40x128xi32, #tpu.memory_space<vmem>> -> memref<1x128xi32, #tpu.memory_space<vmem>>
        %dma_wait3A_80 = tpu.memref_squeeze %dma_wait3A_79 : memref<1x128xi32, #tpu.memory_space<vmem>> -> memref<128xi32, #tpu.memory_space<vmem>>
        %dma_wait3A_81 = arith.constant 0 : i32
        %dma_wait3A_82 = arith.constant 0 : i32
        %dma_wait3A_83 = tpu.memref_slice %arg10[%dma_wait3A_81, %dma_wait3A_82] : memref<10112x128xf32, #tpu.memory_space<vmem_shared>> -> memref<10112x128xf32, #tpu.memory_space<vmem_shared>>
        tpu.wait_indirect_dma semaphore(%run_scoped3A_71 : memref<!tpu.dma_semaphore, #tpu.memory_space<semaphore_mem>>) src(%arg8 : memref<128x128xf32, #tpu.memory_space<vmem>>) dst(%dma_wait3A_83 : memref<10112x128xf32, #tpu.memory_space<vmem_shared>>)
        tpu.yield
      }) : () -> ()
      %lt3A = arith.constant 19 : i32
      %lt3A_57 = arith.cmpi slt, %scan3A_41, %lt3A : i32
      %convert_element_type3A_58 = arith.extui %lt3A_57 : i1 to i32
      %cond3A_59 = arith.constant 0 : i32
      %cond3A_60 = arith.cmpi ne, %convert_element_type3A_58, %cond3A_59 : i32
      scf.if %cond3A_60 {
        %add3A_71 = arith.constant 2 : i32
        %add3A_72 = arith.addi %mul3A_43, %add3A_71 : i32
        %dma_start3A_73 = arith.constant 0 : i32
        %dma_start3A_74 = tpu.memref_slice %arg6[%add3A_72, %dma_start3A_73] : memref<40x128xi32, #tpu.memory_space<vmem>> -> memref<1x128xi32, #tpu.memory_space<vmem>>
        %dma_start3A_75 = tpu.memref_squeeze %dma_start3A_74 : memref<1x128xi32, #tpu.memory_space<vmem>> -> memref<128xi32, #tpu.memory_space<vmem>>
        %dma_start3A_76 = arith.constant 0 : i32
        %dma_start3A_77 = arith.constant 0 : i32
        %dma_start3A_78 = tpu.memref_slice %arg2[%dma_start3A_76, %dma_start3A_77] : memref<10112x128xf32, #tpu.memory_space<hbm>> -> memref<10112x128xf32, #tpu.memory_space<hbm>>
        tpu.enqueue_indirect_dma source(%dma_start3A_78 : memref<10112x128xf32, #tpu.memory_space<hbm>>) target(%arg8 : memref<128x128xf32, #tpu.memory_space<vmem>>) offsets(%dma_start3A_75 : memref<128xi32, #tpu.memory_space<vmem>>) semaphore(%arg11 : memref<!tpu.dma_semaphore, #tpu.memory_space<semaphore_mem>>)
      } else {
      }
      %add3A_61 = arith.constant 1 : i32
      %add3A_62 = arith.addi %mul3A_43, %add3A_61 : i32
      %dma_wait3A_63 = arith.constant 0 : i32
      %dma_wait3A_64 = tpu.memref_slice %arg6[%add3A_62, %dma_wait3A_63] : memref<40x128xi32, #tpu.memory_space<vmem>> -> memref<1x128xi32, #tpu.memory_space<vmem>>
      %dma_wait3A_65 = tpu.memref_squeeze %dma_wait3A_64 : memref<1x128xi32, #tpu.memory_space<vmem>> -> memref<128xi32, #tpu.memory_space<vmem>>
      %dma_wait3A_66 = arith.constant 0 : i32
      %dma_wait3A_67 = arith.constant 0 : i32
      %dma_wait3A_68 = tpu.memref_slice %arg2[%dma_wait3A_66, %dma_wait3A_67] : memref<10112x128xf32, #tpu.memory_space<hbm>> -> memref<10112x128xf32, #tpu.memory_space<hbm>>
      tpu.wait_indirect_dma semaphore(%arg12 : memref<!tpu.dma_semaphore, #tpu.memory_space<semaphore_mem>>) src(%dma_wait3A_68 : memref<10112x128xf32, #tpu.memory_space<hbm>>) dst(%arg9 : memref<128x128xf32, #tpu.memory_space<vmem>>)
      %add3A_69 = arith.constant 1 : i32
      %add3A_70 = arith.addi %mul3A_43, %add3A_69 : i32
      "tpu.region"() ({
        %run_scoped3A_71 = tpu.sem_alloc : memref<!tpu.dma_semaphore, #tpu.memory_space<semaphore_mem>>
        %dma_start3A_72 = arith.constant 0 : i32
        %dma_start3A_73 = tpu.memref_slice %arg7[%add3A_70, %dma_start3A_72] : memref<40x128xi32, #tpu.memory_space<vmem>> -> memref<1x128xi32, #tpu.memory_space<vmem>>
        %dma_start3A_74 = tpu.memref_squeeze %dma_start3A_73 : memref<1x128xi32, #tpu.memory_space<vmem>> -> memref<128xi32, #tpu.memory_space<vmem>>
        %dma_start3A_75 = arith.constant 0 : i32
        %dma_start3A_76 = arith.constant 0 : i32
        %dma_start3A_77 = tpu.memref_slice %arg10[%dma_start3A_75, %dma_start3A_76] : memref<10112x128xf32, #tpu.memory_space<vmem_shared>> -> memref<10112x128xf32, #tpu.memory_space<vmem_shared>>
        tpu.enqueue_indirect_dma source(%arg9 : memref<128x128xf32, #tpu.memory_space<vmem>>) target(%dma_start3A_77 : memref<10112x128xf32, #tpu.memory_space<vmem_shared>>) offsets(%dma_start3A_74 : memref<128xi32, #tpu.memory_space<vmem>>) semaphore(%run_scoped3A_71 : memref<!tpu.dma_semaphore, #tpu.memory_space<semaphore_mem>>) {add = true}
        %dma_wait3A_78 = arith.constant 0 : i32
        %dma_wait3A_79 = tpu.memref_slice %arg7[%add3A_70, %dma_wait3A_78] : memref<40x128xi32, #tpu.memory_space<vmem>> -> memref<1x128xi32, #tpu.memory_space<vmem>>
        %dma_wait3A_80 = tpu.memref_squeeze %dma_wait3A_79 : memref<1x128xi32, #tpu.memory_space<vmem>> -> memref<128xi32, #tpu.memory_space<vmem>>
        %dma_wait3A_81 = arith.constant 0 : i32
        %dma_wait3A_82 = arith.constant 0 : i32
        %dma_wait3A_83 = tpu.memref_slice %arg10[%dma_wait3A_81, %dma_wait3A_82] : memref<10112x128xf32, #tpu.memory_space<vmem_shared>> -> memref<10112x128xf32, #tpu.memory_space<vmem_shared>>
        tpu.wait_indirect_dma semaphore(%run_scoped3A_71 : memref<!tpu.dma_semaphore, #tpu.memory_space<semaphore_mem>>) src(%arg9 : memref<128x128xf32, #tpu.memory_space<vmem>>) dst(%dma_wait3A_83 : memref<10112x128xf32, #tpu.memory_space<vmem_shared>>)
        tpu.yield
      }) : () -> ()
    }
    %scan3A_39 = arith.constant 20 : i32
    %barrier3A_40 = arith.constant 0 : index
    tpu.barrier barrier_id(%barrier3A_40)
    "tpu.region"() ({
      %run_scoped3A_41 = tpu.sem_alloc : memref<!tpu.dma_semaphore, #tpu.memory_space<semaphore_mem>>
      %dma_start3A_42 = arith.constant 0 : i32
      %dma_start3A_43 = arith.constant 0 : i32
      %dma_start3A_44 = tpu.memref_slice %arg5[%arg0, %dma_start3A_42, %dma_start3A_43] : memref<2x10112x128xf32, #tpu.memory_space<hbm>> -> memref<1x10112x128xf32, #tpu.memory_space<hbm>>
      %dma_start3A_45 = tpu.memref_squeeze %dma_start3A_44 : memref<1x10112x128xf32, #tpu.memory_space<hbm>> -> memref<10112x128xf32, #tpu.memory_space<hbm>>
      %dma_start3A_46 = arith.constant 0 : i32
      %dma_start3A_47 = tpu.memref_slice %dma_start3A_45[%mul3A_2, %dma_start3A_46] : memref<10112x128xf32, #tpu.memory_space<hbm>> -> memref<632x128xf32, #tpu.memory_space<hbm>>
      %dma_start3A_48 = arith.constant 0 : i32
      %dma_start3A_49 = tpu.memref_slice %arg10[%mul3A_2, %dma_start3A_48] : memref<10112x128xf32, #tpu.memory_space<vmem_shared>> -> memref<632x128xf32, #tpu.memory_space<vmem_shared>>
      tpu.enqueue_dma source(%dma_start3A_49 : memref<632x128xf32, #tpu.memory_space<vmem_shared>>) target(%dma_start3A_47 : memref<632x128xf32, #tpu.memory_space<hbm>>) target_semaphore(%run_scoped3A_41 : memref<!tpu.dma_semaphore, #tpu.memory_space<semaphore_mem>>)
      %dma_wait3A = arith.constant 0 : i32
      %dma_wait3A_50 = arith.constant 0 : i32
      %dma_wait3A_51 = tpu.memref_slice %arg5[%arg0, %dma_wait3A, %dma_wait3A_50] : memref<2x10112x128xf32, #tpu.memory_space<hbm>> -> memref<1x10112x128xf32, #tpu.memory_space<hbm>>
      %dma_wait3A_52 = tpu.memref_squeeze %dma_wait3A_51 : memref<1x10112x128xf32, #tpu.memory_space<hbm>> -> memref<10112x128xf32, #tpu.memory_space<hbm>>
      %dma_wait3A_53 = arith.constant 0 : i32
      %dma_wait3A_54 = tpu.memref_slice %dma_wait3A_52[%mul3A_2, %dma_wait3A_53] : memref<10112x128xf32, #tpu.memory_space<hbm>> -> memref<632x128xf32, #tpu.memory_space<hbm>>
      %dma_wait3A_55 = arith.constant 0 : i32
      %dma_wait3A_56 = tpu.memref_slice %arg10[%mul3A_2, %dma_wait3A_55] : memref<10112x128xf32, #tpu.memory_space<vmem_shared>> -> memref<632x128xf32, #tpu.memory_space<vmem_shared>>
      tpu.wait_dma2 semaphore(%run_scoped3A_41 : memref<!tpu.dma_semaphore, #tpu.memory_space<semaphore_mem>>) src(%dma_wait3A_56 : memref<632x128xf32, #tpu.memory_space<vmem_shared>>) dst(%dma_wait3A_54 : memref<632x128xf32, #tpu.memory_space<hbm>>)
      tpu.yield
    }) : () -> ()
    return
  }
}

#map = affine_map<(d0, d1) -> (0, 0)>
#map1 = affine_map<(d0, d1) -> (0, 0, 0, 0, 0)>
#map2 = affine_map<(d0, d1) -> (0, 0, 0)>
module attributes {stable_mosaic.version = 14 : i64} {
  func.func @k(%arg0: i32, %arg1: i32, %arg2: memref<10112x128xf32, #tpu.memory_space<hbm>>, %arg3: memref<10112x128xf32, #tpu.memory_space<hbm>>, %arg4: memref<2x32x2x40x128xi32, #tpu.memory_space<hbm>>, %arg5: memref<2x10112x128xf32, #tpu.memory_space<hbm>>, %arg6: memref<40x128xi32, #tpu.memory_space<vmem>>, %arg7: memref<40x128xi32, #tpu.memory_space<vmem>>, %arg8: memref<128x128xf32, #tpu.memory_space<vmem>>, %arg9: memref<128x128xf32, #tpu.memory_space<vmem>>, %arg10: memref<10112x128xf32, #tpu.memory_space<vmem_shared>>, %arg11: memref<!tpu.dma_semaphore, #tpu.memory_space<semaphore_mem>>, %arg12: memref<!tpu.dma_semaphore, #tpu.memory_space<semaphore_mem>>) attributes {dimension_semantics = [#tpu.dimension_semantics<core_parallel>, #tpu.dimension_semantics<subcore_parallel>], iteration_bounds = array<i64: 2, 16>, scalar_prefetch = 0 : i64, scratch_operands = 7 : i64, tpu.core_type = #tpu.core_type<sc_vector_subcore>, window_params = [{transform_indices = #map}, {transform_indices = #map}, {transform_indices = #map1}, {transform_indices = #map2}]} {
    %mul3A = arith.constant 16 : i32
    %mul3A_0 = arith.muli %arg0, %mul3A : i32
    %add3A = arith.addi %mul3A_0, %arg1 : i32
    %mul3A_1 = arith.constant 632 : i32
    %mul3A_2 = arith.muli %arg1, %mul3A_1 : i32
    %eq3A = arith.constant 0 : i32
    %eq3A_3 = arith.cmpi eq, %arg0, %eq3A : i32
    %convert_element_type3A = arith.extui %eq3A_3 : i1 to i32
    %cond3A = arith.constant 0 : i32
    %cond3A_4 = arith.cmpi ne, %convert_element_type3A, %cond3A : i32
    scf.if %cond3A_4 {
      "tpu.region"() ({
        %run_scoped3A_41 = tpu.sem_alloc : memref<!tpu.dma_semaphore, #tpu.memory_space<semaphore_mem>>
        %dma_start3A_42 = arith.constant 0 : i32
        %dma_start3A_43 = tpu.memref_slice %arg10[%mul3A_2, %dma_start3A_42] : memref<10112x128xf32, #tpu.memory_space<vmem_shared>> -> memref<632x128xf32, #tpu.memory_space<vmem_shared>>
        %dma_start3A_44 = arith.constant 0 : i32
        %dma_start3A_45 = tpu.memref_slice %arg2[%mul3A_2, %dma_start3A_44] : memref<10112x128xf32, #tpu.memory_space<hbm>> -> memref<632x128xf32, #tpu.memory_space<hbm>>
        tpu.enqueue_dma source(%dma_start3A_45 : memref<632x128xf32, #tpu.memory_space<hbm>>) target(%dma_start3A_43 : memref<632x128xf32, #tpu.memory_space<vmem_shared>>) target_semaphore(%run_scoped3A_41 : memref<!tpu.dma_semaphore, #tpu.memory_space<semaphore_mem>>)
        %dma_wait3A = arith.constant 0 : i32
        %dma_wait3A_46 = tpu.memref_slice %arg10[%mul3A_2, %dma_wait3A] : memref<10112x128xf32, #tpu.memory_space<vmem_shared>> -> memref<632x128xf32, #tpu.memory_space<vmem_shared>>
        %dma_wait3A_47 = arith.constant 0 : i32
        %dma_wait3A_48 = tpu.memref_slice %arg2[%mul3A_2, %dma_wait3A_47] : memref<10112x128xf32, #tpu.memory_space<hbm>> -> memref<632x128xf32, #tpu.memory_space<hbm>>
        tpu.wait_dma2 semaphore(%run_scoped3A_41 : memref<!tpu.dma_semaphore, #tpu.memory_space<semaphore_mem>>) src(%dma_wait3A_48 : memref<632x128xf32, #tpu.memory_space<hbm>>) dst(%dma_wait3A_46 : memref<632x128xf32, #tpu.memory_space<vmem_shared>>)
        tpu.yield
      }) : () -> ()
    } else {
    }
    %ne3A = arith.constant 0 : i32
    %ne3A_5 = arith.cmpi ne, %arg0, %ne3A : i32
    %convert_element_type3A_6 = arith.extui %ne3A_5 : i1 to i32
    %cond3A_7 = arith.constant 0 : i32
    %cond3A_8 = arith.cmpi ne, %convert_element_type3A_6, %cond3A_7 : i32
    scf.if %cond3A_8 {
      "tpu.region"() ({
        %run_scoped3A_41 = tpu.sem_alloc : memref<!tpu.dma_semaphore, #tpu.memory_space<semaphore_mem>>
        %dma_start3A_42 = arith.constant 0 : i32
        %dma_start3A_43 = tpu.memref_slice %arg10[%mul3A_2, %dma_start3A_42] : memref<10112x128xf32, #tpu.memory_space<vmem_shared>> -> memref<632x128xf32, #tpu.memory_space<vmem_shared>>
        %dma_start3A_44 = arith.constant 0 : i32
        %dma_start3A_45 = tpu.memref_slice %arg3[%mul3A_2, %dma_start3A_44] : memref<10112x128xf32, #tpu.memory_space<hbm>> -> memref<632x128xf32, #tpu.memory_space<hbm>>
        tpu.enqueue_dma source(%dma_start3A_45 : memref<632x128xf32, #tpu.memory_space<hbm>>) target(%dma_start3A_43 : memref<632x128xf32, #tpu.memory_space<vmem_shared>>) target_semaphore(%run_scoped3A_41 : memref<!tpu.dma_semaphore, #tpu.memory_space<semaphore_mem>>)
        %dma_wait3A = arith.constant 0 : i32
        %dma_wait3A_46 = tpu.memref_slice %arg10[%mul3A_2, %dma_wait3A] : memref<10112x128xf32, #tpu.memory_space<vmem_shared>> -> memref<632x128xf32, #tpu.memory_space<vmem_shared>>
        %dma_wait3A_47 = arith.constant 0 : i32
        %dma_wait3A_48 = tpu.memref_slice %arg3[%mul3A_2, %dma_wait3A_47] : memref<10112x128xf32, #tpu.memory_space<hbm>> -> memref<632x128xf32, #tpu.memory_space<hbm>>
        tpu.wait_dma2 semaphore(%run_scoped3A_41 : memref<!tpu.dma_semaphore, #tpu.memory_space<semaphore_mem>>) src(%dma_wait3A_48 : memref<632x128xf32, #tpu.memory_space<hbm>>) dst(%dma_wait3A_46 : memref<632x128xf32, #tpu.memory_space<vmem_shared>>)
        tpu.yield
      }) : () -> ()
    } else {
    }
    %barrier3A = arith.constant 0 : index
    tpu.barrier barrier_id(%barrier3A)
    %run_scoped3A = arith.constant 0 : i32
    %run_scoped3A_9 = arith.constant 0 : i32
    "tpu.region"() ({
      %run_scoped3A_41 = tpu.sem_alloc : memref<!tpu.dma_semaphore, #tpu.memory_space<semaphore_mem>>
      %dma_start3A_42 = arith.constant 0 : i32
      %dma_start3A_43 = arith.constant 0 : i32
      %dma_start3A_44 = arith.constant 0 : i32
      %dma_start3A_45 = arith.constant 0 : i32
      %dma_start3A_46 = tpu.memref_slice %arg4[%run_scoped3A, %dma_start3A_42, %dma_start3A_43, %dma_start3A_44, %dma_start3A_45] : memref<2x32x2x40x128xi32, #tpu.memory_space<hbm>> -> memref<1x32x2x40x128xi32, #tpu.memory_space<hbm>>
      %dma_start3A_47 = tpu.memref_squeeze %dma_start3A_46 : memref<1x32x2x40x128xi32, #tpu.memory_space<hbm>> -> memref<32x2x40x128xi32, #tpu.memory_space<hbm>>
      %dma_start3A_48 = arith.constant 0 : i32
      %dma_start3A_49 = arith.constant 0 : i32
      %dma_start3A_50 = arith.constant 0 : i32
      %dma_start3A_51 = tpu.memref_slice %dma_start3A_47[%add3A, %dma_start3A_48, %dma_start3A_49, %dma_start3A_50] : memref<32x2x40x128xi32, #tpu.memory_space<hbm>> -> memref<1x2x40x128xi32, #tpu.memory_space<hbm>>
      %dma_start3A_52 = tpu.memref_squeeze %dma_start3A_51 : memref<1x2x40x128xi32, #tpu.memory_space<hbm>> -> memref<2x40x128xi32, #tpu.memory_space<hbm>>
      %dma_start3A_53 = arith.constant 0 : i32
      %dma_start3A_54 = arith.constant 0 : i32
      %dma_start3A_55 = tpu.memref_slice %dma_start3A_52[%run_scoped3A_9, %dma_start3A_53, %dma_start3A_54] : memref<2x40x128xi32, #tpu.memory_space<hbm>> -> memref<1x40x128xi32, #tpu.memory_space<hbm>>
      %dma_start3A_56 = tpu.memref_squeeze %dma_start3A_55 : memref<1x40x128xi32, #tpu.memory_space<hbm>> -> memref<40x128xi32, #tpu.memory_space<hbm>>
      %dma_start3A_57 = arith.constant 0 : i32
      %dma_start3A_58 = arith.constant 0 : i32
      %dma_start3A_59 = arith.constant 0 : i32
      %dma_start3A_60 = arith.constant 0 : i32
      %dma_start3A_61 = tpu.memref_slice %arg4[%run_scoped3A, %dma_start3A_57, %dma_start3A_58, %dma_start3A_59, %dma_start3A_60] : memref<2x32x2x40x128xi32, #tpu.memory_space<hbm>> -> memref<1x32x2x40x128xi32, #tpu.memory_space<hbm>>
      %dma_start3A_62 = tpu.memref_squeeze %dma_start3A_61 : memref<1x32x2x40x128xi32, #tpu.memory_space<hbm>> -> memref<32x2x40x128xi32, #tpu.memory_space<hbm>>
      %dma_start3A_63 = arith.constant 0 : i32
      %dma_start3A_64 = arith.constant 0 : i32
      %dma_start3A_65 = arith.constant 0 : i32
      %dma_start3A_66 = tpu.memref_slice %dma_start3A_62[%add3A, %dma_start3A_63, %dma_start3A_64, %dma_start3A_65] : memref<32x2x40x128xi32, #tpu.memory_space<hbm>> -> memref<1x2x40x128xi32, #tpu.memory_space<hbm>>
      %dma_start3A_67 = tpu.memref_squeeze %dma_start3A_66 : memref<1x2x40x128xi32, #tpu.memory_space<hbm>> -> memref<2x40x128xi32, #tpu.memory_space<hbm>>
      %dma_start3A_68 = arith.constant 0 : i32
      %dma_start3A_69 = arith.constant 0 : i32
      %dma_start3A_70 = tpu.memref_slice %dma_start3A_67[%run_scoped3A_9, %dma_start3A_68, %dma_start3A_69] : memref<2x40x128xi32, #tpu.memory_space<hbm>> -> memref<1x40x128xi32, #tpu.memory_space<hbm>>
      %dma_start3A_71 = tpu.memref_squeeze %dma_start3A_70 : memref<1x40x128xi32, #tpu.memory_space<hbm>> -> memref<40x128xi32, #tpu.memory_space<hbm>>
      tpu.enqueue_dma source(%dma_start3A_71 : memref<40x128xi32, #tpu.memory_space<hbm>>) target(%arg6 : memref<40x128xi32, #tpu.memory_space<vmem>>) target_semaphore(%run_scoped3A_41 : memref<!tpu.dma_semaphore, #tpu.memory_space<semaphore_mem>>)
      %dma_wait3A = arith.constant 0 : i32
      %dma_wait3A_72 = arith.constant 0 : i32
      %dma_wait3A_73 = arith.constant 0 : i32
      %dma_wait3A_74 = arith.constant 0 : i32
      %dma_wait3A_75 = tpu.memref_slice %arg4[%run_scoped3A, %dma_wait3A, %dma_wait3A_72, %dma_wait3A_73, %dma_wait3A_74] : memref<2x32x2x40x128xi32, #tpu.memory_space<hbm>> -> memref<1x32x2x40x128xi32, #tpu.memory_space<hbm>>
      %dma_wait3A_76 = tpu.memref_squeeze %dma_wait3A_75 : memref<1x32x2x40x128xi32, #tpu.memory_space<hbm>> -> memref<32x2x40x128xi32, #tpu.memory_space<hbm>>
      %dma_wait3A_77 = arith.constant 0 : i32
      %dma_wait3A_78 = arith.constant 0 : i32
      %dma_wait3A_79 = arith.constant 0 : i32
      %dma_wait3A_80 = tpu.memref_slice %dma_wait3A_76[%add3A, %dma_wait3A_77, %dma_wait3A_78, %dma_wait3A_79] : memref<32x2x40x128xi32, #tpu.memory_space<hbm>> -> memref<1x2x40x128xi32, #tpu.memory_space<hbm>>
      %dma_wait3A_81 = tpu.memref_squeeze %dma_wait3A_80 : memref<1x2x40x128xi32, #tpu.memory_space<hbm>> -> memref<2x40x128xi32, #tpu.memory_space<hbm>>
      %dma_wait3A_82 = arith.constant 0 : i32
      %dma_wait3A_83 = arith.constant 0 : i32
      %dma_wait3A_84 = tpu.memref_slice %dma_wait3A_81[%run_scoped3A_9, %dma_wait3A_82, %dma_wait3A_83] : memref<2x40x128xi32, #tpu.memory_space<hbm>> -> memref<1x40x128xi32, #tpu.memory_space<hbm>>
      %dma_wait3A_85 = tpu.memref_squeeze %dma_wait3A_84 : memref<1x40x128xi32, #tpu.memory_space<hbm>> -> memref<40x128xi32, #tpu.memory_space<hbm>>
      %dma_wait3A_86 = arith.constant 0 : i32
      %dma_wait3A_87 = arith.constant 0 : i32
      %dma_wait3A_88 = arith.constant 0 : i32
      %dma_wait3A_89 = arith.constant 0 : i32
      %dma_wait3A_90 = tpu.memref_slice %arg4[%run_scoped3A, %dma_wait3A_86, %dma_wait3A_87, %dma_wait3A_88, %dma_wait3A_89] : memref<2x32x2x40x128xi32, #tpu.memory_space<hbm>> -> memref<1x32x2x40x128xi32, #tpu.memory_space<hbm>>
      %dma_wait3A_91 = tpu.memref_squeeze %dma_wait3A_90 : memref<1x32x2x40x128xi32, #tpu.memory_space<hbm>> -> memref<32x2x40x128xi32, #tpu.memory_space<hbm>>
      %dma_wait3A_92 = arith.constant 0 : i32
      %dma_wait3A_93 = arith.constant 0 : i32
      %dma_wait3A_94 = arith.constant 0 : i32
      %dma_wait3A_95 = tpu.memref_slice %dma_wait3A_91[%add3A, %dma_wait3A_92, %dma_wait3A_93, %dma_wait3A_94] : memref<32x2x40x128xi32, #tpu.memory_space<hbm>> -> memref<1x2x40x128xi32, #tpu.memory_space<hbm>>
      %dma_wait3A_96 = tpu.memref_squeeze %dma_wait3A_95 : memref<1x2x40x128xi32, #tpu.memory_space<hbm>> -> memref<2x40x128xi32, #tpu.memory_space<hbm>>
      %dma_wait3A_97 = arith.constant 0 : i32
      %dma_wait3A_98 = arith.constant 0 : i32
      %dma_wait3A_99 = tpu.memref_slice %dma_wait3A_96[%run_scoped3A_9, %dma_wait3A_97, %dma_wait3A_98] : memref<2x40x128xi32, #tpu.memory_space<hbm>> -> memref<1x40x128xi32, #tpu.memory_space<hbm>>
      %dma_wait3A_100 = tpu.memref_squeeze %dma_wait3A_99 : memref<1x40x128xi32, #tpu.memory_space<hbm>> -> memref<40x128xi32, #tpu.memory_space<hbm>>
      tpu.wait_dma2 semaphore(%run_scoped3A_41 : memref<!tpu.dma_semaphore, #tpu.memory_space<semaphore_mem>>) src(%dma_wait3A_100 : memref<40x128xi32, #tpu.memory_space<hbm>>) dst(%arg6 : memref<40x128xi32, #tpu.memory_space<vmem>>)
      tpu.yield
    }) : () -> ()
    %run_scoped3A_10 = arith.constant 1 : i32
    %run_scoped3A_11 = arith.constant 0 : i32
    "tpu.region"() ({
      %run_scoped3A_41 = tpu.sem_alloc : memref<!tpu.dma_semaphore, #tpu.memory_space<semaphore_mem>>
      %dma_start3A_42 = arith.constant 0 : i32
      %dma_start3A_43 = arith.constant 0 : i32
      %dma_start3A_44 = arith.constant 0 : i32
      %dma_start3A_45 = arith.constant 0 : i32
      %dma_start3A_46 = tpu.memref_slice %arg4[%run_scoped3A_10, %dma_start3A_42, %dma_start3A_43, %dma_start3A_44, %dma_start3A_45] : memref<2x32x2x40x128xi32, #tpu.memory_space<hbm>> -> memref<1x32x2x40x128xi32, #tpu.memory_space<hbm>>
      %dma_start3A_47 = tpu.memref_squeeze %dma_start3A_46 : memref<1x32x2x40x128xi32, #tpu.memory_space<hbm>> -> memref<32x2x40x128xi32, #tpu.memory_space<hbm>>
      %dma_start3A_48 = arith.constant 0 : i32
      %dma_start3A_49 = arith.constant 0 : i32
      %dma_start3A_50 = arith.constant 0 : i32
      %dma_start3A_51 = tpu.memref_slice %dma_start3A_47[%add3A, %dma_start3A_48, %dma_start3A_49, %dma_start3A_50] : memref<32x2x40x128xi32, #tpu.memory_space<hbm>> -> memref<1x2x40x128xi32, #tpu.memory_space<hbm>>
      %dma_start3A_52 = tpu.memref_squeeze %dma_start3A_51 : memref<1x2x40x128xi32, #tpu.memory_space<hbm>> -> memref<2x40x128xi32, #tpu.memory_space<hbm>>
      %dma_start3A_53 = arith.constant 0 : i32
      %dma_start3A_54 = arith.constant 0 : i32
      %dma_start3A_55 = tpu.memref_slice %dma_start3A_52[%run_scoped3A_11, %dma_start3A_53, %dma_start3A_54] : memref<2x40x128xi32, #tpu.memory_space<hbm>> -> memref<1x40x128xi32, #tpu.memory_space<hbm>>
      %dma_start3A_56 = tpu.memref_squeeze %dma_start3A_55 : memref<1x40x128xi32, #tpu.memory_space<hbm>> -> memref<40x128xi32, #tpu.memory_space<hbm>>
      %dma_start3A_57 = arith.constant 0 : i32
      %dma_start3A_58 = arith.constant 0 : i32
      %dma_start3A_59 = arith.constant 0 : i32
      %dma_start3A_60 = arith.constant 0 : i32
      %dma_start3A_61 = tpu.memref_slice %arg4[%run_scoped3A_10, %dma_start3A_57, %dma_start3A_58, %dma_start3A_59, %dma_start3A_60] : memref<2x32x2x40x128xi32, #tpu.memory_space<hbm>> -> memref<1x32x2x40x128xi32, #tpu.memory_space<hbm>>
      %dma_start3A_62 = tpu.memref_squeeze %dma_start3A_61 : memref<1x32x2x40x128xi32, #tpu.memory_space<hbm>> -> memref<32x2x40x128xi32, #tpu.memory_space<hbm>>
      %dma_start3A_63 = arith.constant 0 : i32
      %dma_start3A_64 = arith.constant 0 : i32
      %dma_start3A_65 = arith.constant 0 : i32
      %dma_start3A_66 = tpu.memref_slice %dma_start3A_62[%add3A, %dma_start3A_63, %dma_start3A_64, %dma_start3A_65] : memref<32x2x40x128xi32, #tpu.memory_space<hbm>> -> memref<1x2x40x128xi32, #tpu.memory_space<hbm>>
      %dma_start3A_67 = tpu.memref_squeeze %dma_start3A_66 : memref<1x2x40x128xi32, #tpu.memory_space<hbm>> -> memref<2x40x128xi32, #tpu.memory_space<hbm>>
      %dma_start3A_68 = arith.constant 0 : i32
      %dma_start3A_69 = arith.constant 0 : i32
      %dma_start3A_70 = tpu.memref_slice %dma_start3A_67[%run_scoped3A_11, %dma_start3A_68, %dma_start3A_69] : memref<2x40x128xi32, #tpu.memory_space<hbm>> -> memref<1x40x128xi32, #tpu.memory_space<hbm>>
      %dma_start3A_71 = tpu.memref_squeeze %dma_start3A_70 : memref<1x40x128xi32, #tpu.memory_space<hbm>> -> memref<40x128xi32, #tpu.memory_space<hbm>>
      tpu.enqueue_dma source(%dma_start3A_71 : memref<40x128xi32, #tpu.memory_space<hbm>>) target(%arg7 : memref<40x128xi32, #tpu.memory_space<vmem>>) target_semaphore(%run_scoped3A_41 : memref<!tpu.dma_semaphore, #tpu.memory_space<semaphore_mem>>)
      %dma_wait3A = arith.constant 0 : i32
      %dma_wait3A_72 = arith.constant 0 : i32
      %dma_wait3A_73 = arith.constant 0 : i32
      %dma_wait3A_74 = arith.constant 0 : i32
      %dma_wait3A_75 = tpu.memref_slice %arg4[%run_scoped3A_10, %dma_wait3A, %dma_wait3A_72, %dma_wait3A_73, %dma_wait3A_74] : memref<2x32x2x40x128xi32, #tpu.memory_space<hbm>> -> memref<1x32x2x40x128xi32, #tpu.memory_space<hbm>>
      %dma_wait3A_76 = tpu.memref_squeeze %dma_wait3A_75 : memref<1x32x2x40x128xi32, #tpu.memory_space<hbm>> -> memref<32x2x40x128xi32, #tpu.memory_space<hbm>>
      %dma_wait3A_77 = arith.constant 0 : i32
      %dma_wait3A_78 = arith.constant 0 : i32
      %dma_wait3A_79 = arith.constant 0 : i32
      %dma_wait3A_80 = tpu.memref_slice %dma_wait3A_76[%add3A, %dma_wait3A_77, %dma_wait3A_78, %dma_wait3A_79] : memref<32x2x40x128xi32, #tpu.memory_space<hbm>> -> memref<1x2x40x128xi32, #tpu.memory_space<hbm>>
      %dma_wait3A_81 = tpu.memref_squeeze %dma_wait3A_80 : memref<1x2x40x128xi32, #tpu.memory_space<hbm>> -> memref<2x40x128xi32, #tpu.memory_space<hbm>>
      %dma_wait3A_82 = arith.constant 0 : i32
      %dma_wait3A_83 = arith.constant 0 : i32
      %dma_wait3A_84 = tpu.memref_slice %dma_wait3A_81[%run_scoped3A_11, %dma_wait3A_82, %dma_wait3A_83] : memref<2x40x128xi32, #tpu.memory_space<hbm>> -> memref<1x40x128xi32, #tpu.memory_space<hbm>>
      %dma_wait3A_85 = tpu.memref_squeeze %dma_wait3A_84 : memref<1x40x128xi32, #tpu.memory_space<hbm>> -> memref<40x128xi32, #tpu.memory_space<hbm>>
      %dma_wait3A_86 = arith.constant 0 : i32
      %dma_wait3A_87 = arith.constant 0 : i32
      %dma_wait3A_88 = arith.constant 0 : i32
      %dma_wait3A_89 = arith.constant 0 : i32
      %dma_wait3A_90 = tpu.memref_slice %arg4[%run_scoped3A_10, %dma_wait3A_86, %dma_wait3A_87, %dma_wait3A_88, %dma_wait3A_89] : memref<2x32x2x40x128xi32, #tpu.memory_space<hbm>> -> memref<1x32x2x40x128xi32, #tpu.memory_space<hbm>>
      %dma_wait3A_91 = tpu.memref_squeeze %dma_wait3A_90 : memref<1x32x2x40x128xi32, #tpu.memory_space<hbm>> -> memref<32x2x40x128xi32, #tpu.memory_space<hbm>>
      %dma_wait3A_92 = arith.constant 0 : i32
      %dma_wait3A_93 = arith.constant 0 : i32
      %dma_wait3A_94 = arith.constant 0 : i32
      %dma_wait3A_95 = tpu.memref_slice %dma_wait3A_91[%add3A, %dma_wait3A_92, %dma_wait3A_93, %dma_wait3A_94] : memref<32x2x40x128xi32, #tpu.memory_space<hbm>> -> memref<1x2x40x128xi32, #tpu.memory_space<hbm>>
      %dma_wait3A_96 = tpu.memref_squeeze %dma_wait3A_95 : memref<1x2x40x128xi32, #tpu.memory_space<hbm>> -> memref<2x40x128xi32, #tpu.memory_space<hbm>>
      %dma_wait3A_97 = arith.constant 0 : i32
      %dma_wait3A_98 = arith.constant 0 : i32
      %dma_wait3A_99 = tpu.memref_slice %dma_wait3A_96[%run_scoped3A_11, %dma_wait3A_97, %dma_wait3A_98] : memref<2x40x128xi32, #tpu.memory_space<hbm>> -> memref<1x40x128xi32, #tpu.memory_space<hbm>>
      %dma_wait3A_100 = tpu.memref_squeeze %dma_wait3A_99 : memref<1x40x128xi32, #tpu.memory_space<hbm>> -> memref<40x128xi32, #tpu.memory_space<hbm>>
      tpu.wait_dma2 semaphore(%run_scoped3A_41 : memref<!tpu.dma_semaphore, #tpu.memory_space<semaphore_mem>>) src(%dma_wait3A_100 : memref<40x128xi32, #tpu.memory_space<hbm>>) dst(%arg7 : memref<40x128xi32, #tpu.memory_space<vmem>>)
      tpu.yield
    }) : () -> ()
    %dma_start3A = arith.constant 0 : i32
    %dma_start3A_12 = arith.constant 0 : i32
    %dma_start3A_13 = tpu.memref_slice %arg6[%dma_start3A, %dma_start3A_12] : memref<40x128xi32, #tpu.memory_space<vmem>> -> memref<1x128xi32, #tpu.memory_space<vmem>>
    %dma_start3A_14 = tpu.memref_squeeze %dma_start3A_13 : memref<1x128xi32, #tpu.memory_space<vmem>> -> memref<128xi32, #tpu.memory_space<vmem>>
    %dma_start3A_15 = arith.constant 0 : i32
    %dma_start3A_16 = arith.constant 0 : i32
    %dma_start3A_17 = tpu.memref_slice %arg2[%dma_start3A_15, %dma_start3A_16] : memref<10112x128xf32, #tpu.memory_space<hbm>> -> memref<10112x128xf32, #tpu.memory_space<hbm>>
    tpu.enqueue_indirect_dma source(%dma_start3A_17 : memref<10112x128xf32, #tpu.memory_space<hbm>>) target(%arg8 : memref<128x128xf32, #tpu.memory_space<vmem>>) offsets(%dma_start3A_14 : memref<128xi32, #tpu.memory_space<vmem>>) semaphore(%arg11 : memref<!tpu.dma_semaphore, #tpu.memory_space<semaphore_mem>>)
    %scan3A = arith.constant 0 : i32
    %scan3A_18 = arith.constant 0 : i32
    %scan3A_19 = arith.constant 20 : i32
    %scan3A_20 = arith.addi %scan3A_18, %scan3A_19 : i32
    %scan3A_21 = arith.constant 1 : i32
    scf.for %scan3A_41 = %scan3A_18 to %scan3A_20 step %scan3A_21  : i32 {
      %mul3A_42 = arith.constant 2 : i32
      %mul3A_43 = arith.muli %mul3A_42, %scan3A_41 : i32
      %add3A_44 = arith.constant 1 : i32
      %add3A_45 = arith.addi %mul3A_43, %add3A_44 : i32
      %dma_start3A_46 = arith.constant 0 : i32
      %dma_start3A_47 = tpu.memref_slice %arg6[%add3A_45, %dma_start3A_46] : memref<40x128xi32, #tpu.memory_space<vmem>> -> memref<1x128xi32, #tpu.memory_space<vmem>>
      %dma_start3A_48 = tpu.memref_squeeze %dma_start3A_47 : memref<1x128xi32, #tpu.memory_space<vmem>> -> memref<128xi32, #tpu.memory_space<vmem>>
      %dma_start3A_49 = arith.constant 0 : i32
      %dma_start3A_50 = arith.constant 0 : i32
      %dma_start3A_51 = tpu.memref_slice %arg2[%dma_start3A_49, %dma_start3A_50] : memref<10112x128xf32, #tpu.memory_space<hbm>> -> memref<10112x128xf32, #tpu.memory_space<hbm>>
      tpu.enqueue_indirect_dma source(%dma_start3A_51 : memref<10112x128xf32, #tpu.memory_space<hbm>>) target(%arg9 : memref<128x128xf32, #tpu.memory_space<vmem>>) offsets(%dma_start3A_48 : memref<128xi32, #tpu.memory_space<vmem>>) semaphore(%arg12 : memref<!tpu.dma_semaphore, #tpu.memory_space<semaphore_mem>>)
      %dma_wait3A = arith.constant 0 : i32
      %dma_wait3A_52 = tpu.memref_slice %arg6[%mul3A_43, %dma_wait3A] : memref<40x128xi32, #tpu.memory_space<vmem>> -> memref<1x128xi32, #tpu.memory_space<vmem>>
      %dma_wait3A_53 = tpu.memref_squeeze %dma_wait3A_52 : memref<1x128xi32, #tpu.memory_space<vmem>> -> memref<128xi32, #tpu.memory_space<vmem>>
      %dma_wait3A_54 = arith.constant 0 : i32
      %dma_wait3A_55 = arith.constant 0 : i32
      %dma_wait3A_56 = tpu.memref_slice %arg2[%dma_wait3A_54, %dma_wait3A_55] : memref<10112x128xf32, #tpu.memory_space<hbm>> -> memref<10112x128xf32, #tpu.memory_space<hbm>>
      tpu.wait_indirect_dma semaphore(%arg11 : memref<!tpu.dma_semaphore, #tpu.memory_space<semaphore_mem>>) src(%dma_wait3A_56 : memref<10112x128xf32, #tpu.memory_space<hbm>>) dst(%arg8 : memref<128x128xf32, #tpu.memory_space<vmem>>)
      "tpu.region"() ({
        %run_scoped3A_71 = tpu.sem_alloc : memref<!tpu.dma_semaphore, #tpu.memory_space<semaphore_mem>>
        %dma_start3A_72 = arith.constant 0 : i32
        %dma_start3A_73 = tpu.memref_slice %arg7[%mul3A_43, %dma_start3A_72] : memref<40x128xi32, #tpu.memory_space<vmem>> -> memref<1x128xi32, #tpu.memory_space<vmem>>
        %dma_start3A_74 = tpu.memref_squeeze %dma_start3A_73 : memref<1x128xi32, #tpu.memory_space<vmem>> -> memref<128xi32, #tpu.memory_space<vmem>>
        %dma_start3A_75 = arith.constant 0 : i32
        %dma_start3A_76 = arith.constant 0 : i32
        %dma_start3A_77 = tpu.memref_slice %arg10[%dma_start3A_75, %dma_start3A_76] : memref<10112x128xf32, #tpu.memory_space<vmem_shared>> -> memref<10112x128xf32, #tpu.memory_space<vmem_shared>>
        tpu.enqueue_indirect_dma source(%arg8 : memref<128x128xf32, #tpu.memory_space<vmem>>) target(%dma_start3A_77 : memref<10112x128xf32, #tpu.memory_space<vmem_shared>>) offsets(%dma_start3A_74 : memref<128xi32, #tpu.memory_space<vmem>>) semaphore(%run_scoped3A_71 : memref<!tpu.dma_semaphore, #tpu.memory_space<semaphore_mem>>) {add = true}
        %dma_wait3A_78 = arith.constant 0 : i32
        %dma_wait3A_79 = tpu.memref_slice %arg7[%mul3A_43, %dma_wait3A_78] : memref<40x128xi32, #tpu.memory_space<vmem>> -> memref<1x128xi32, #tpu.memory_space<vmem>>
        %dma_wait3A_80 = tpu.memref_squeeze %dma_wait3A_79 : memref<1x128xi32, #tpu.memory_space<vmem>> -> memref<128xi32, #tpu.memory_space<vmem>>
        %dma_wait3A_81 = arith.constant 0 : i32
        %dma_wait3A_82 = arith.constant 0 : i32
        %dma_wait3A_83 = tpu.memref_slice %arg10[%dma_wait3A_81, %dma_wait3A_82] : memref<10112x128xf32, #tpu.memory_space<vmem_shared>> -> memref<10112x128xf32, #tpu.memory_space<vmem_shared>>
        tpu.wait_indirect_dma semaphore(%run_scoped3A_71 : memref<!tpu.dma_semaphore, #tpu.memory_space<semaphore_mem>>) src(%arg8 : memref<128x128xf32, #tpu.memory_space<vmem>>) dst(%dma_wait3A_83 : memref<10112x128xf32, #tpu.memory_space<vmem_shared>>)
        tpu.yield
      }) : () -> ()
      %lt3A = arith.constant 19 : i32
      %lt3A_57 = arith.cmpi slt, %scan3A_41, %lt3A : i32
      %convert_element_type3A_58 = arith.extui %lt3A_57 : i1 to i32
      %cond3A_59 = arith.constant 0 : i32
      %cond3A_60 = arith.cmpi ne, %convert_element_type3A_58, %cond3A_59 : i32
      scf.if %cond3A_60 {
        %add3A_71 = arith.constant 2 : i32
        %add3A_72 = arith.addi %mul3A_43, %add3A_71 : i32
        %dma_start3A_73 = arith.constant 0 : i32
        %dma_start3A_74 = tpu.memref_slice %arg6[%add3A_72, %dma_start3A_73] : memref<40x128xi32, #tpu.memory_space<vmem>> -> memref<1x128xi32, #tpu.memory_space<vmem>>
        %dma_start3A_75 = tpu.memref_squeeze %dma_start3A_74 : memref<1x128xi32, #tpu.memory_space<vmem>> -> memref<128xi32, #tpu.memory_space<vmem>>
        %dma_start3A_76 = arith.constant 0 : i32
        %dma_start3A_77 = arith.constant 0 : i32
        %dma_start3A_78 = tpu.memref_slice %arg2[%dma_start3A_76, %dma_start3A_77] : memref<10112x128xf32, #tpu.memory_space<hbm>> -> memref<10112x128xf32, #tpu.memory_space<hbm>>
        tpu.enqueue_indirect_dma source(%dma_start3A_78 : memref<10112x128xf32, #tpu.memory_space<hbm>>) target(%arg8 : memref<128x128xf32, #tpu.memory_space<vmem>>) offsets(%dma_start3A_75 : memref<128xi32, #tpu.memory_space<vmem>>) semaphore(%arg11 : memref<!tpu.dma_semaphore, #tpu.memory_space<semaphore_mem>>)
      } else {
      }
      %add3A_61 = arith.constant 1 : i32
      %add3A_62 = arith.addi %mul3A_43, %add3A_61 : i32
      %dma_wait3A_63 = arith.constant 0 : i32
      %dma_wait3A_64 = tpu.memref_slice %arg6[%add3A_62, %dma_wait3A_63] : memref<40x128xi32, #tpu.memory_space<vmem>> -> memref<1x128xi32, #tpu.memory_space<vmem>>
      %dma_wait3A_65 = tpu.memref_squeeze %dma_wait3A_64 : memref<1x128xi32, #tpu.memory_space<vmem>> -> memref<128xi32, #tpu.memory_space<vmem>>
      %dma_wait3A_66 = arith.constant 0 : i32
      %dma_wait3A_67 = arith.constant 0 : i32
      %dma_wait3A_68 = tpu.memref_slice %arg2[%dma_wait3A_66, %dma_wait3A_67] : memref<10112x128xf32, #tpu.memory_space<hbm>> -> memref<10112x128xf32, #tpu.memory_space<hbm>>
      tpu.wait_indirect_dma semaphore(%arg12 : memref<!tpu.dma_semaphore, #tpu.memory_space<semaphore_mem>>) src(%dma_wait3A_68 : memref<10112x128xf32, #tpu.memory_space<hbm>>) dst(%arg9 : memref<128x128xf32, #tpu.memory_space<vmem>>)
      %add3A_69 = arith.constant 1 : i32
      %add3A_70 = arith.addi %mul3A_43, %add3A_69 : i32
      "tpu.region"() ({
        %run_scoped3A_71 = tpu.sem_alloc : memref<!tpu.dma_semaphore, #tpu.memory_space<semaphore_mem>>
        %dma_start3A_72 = arith.constant 0 : i32
        %dma_start3A_73 = tpu.memref_slice %arg7[%add3A_70, %dma_start3A_72] : memref<40x128xi32, #tpu.memory_space<vmem>> -> memref<1x128xi32, #tpu.memory_space<vmem>>
        %dma_start3A_74 = tpu.memref_squeeze %dma_start3A_73 : memref<1x128xi32, #tpu.memory_space<vmem>> -> memref<128xi32, #tpu.memory_space<vmem>>
        %dma_start3A_75 = arith.constant 0 : i32
        %dma_start3A_76 = arith.constant 0 : i32
        %dma_start3A_77 = tpu.memref_slice %arg10[%dma_start3A_75, %dma_start3A_76] : memref<10112x128xf32, #tpu.memory_space<vmem_shared>> -> memref<10112x128xf32, #tpu.memory_space<vmem_shared>>
        tpu.enqueue_indirect_dma source(%arg9 : memref<128x128xf32, #tpu.memory_space<vmem>>) target(%dma_start3A_77 : memref<10112x128xf32, #tpu.memory_space<vmem_shared>>) offsets(%dma_start3A_74 : memref<128xi32, #tpu.memory_space<vmem>>) semaphore(%run_scoped3A_71 : memref<!tpu.dma_semaphore, #tpu.memory_space<semaphore_mem>>) {add = true}
        %dma_wait3A_78 = arith.constant 0 : i32
        %dma_wait3A_79 = tpu.memref_slice %arg7[%add3A_70, %dma_wait3A_78] : memref<40x128xi32, #tpu.memory_space<vmem>> -> memref<1x128xi32, #tpu.memory_space<vmem>>
        %dma_wait3A_80 = tpu.memref_squeeze %dma_wait3A_79 : memref<1x128xi32, #tpu.memory_space<vmem>> -> memref<128xi32, #tpu.memory_space<vmem>>
        %dma_wait3A_81 = arith.constant 0 : i32
        %dma_wait3A_82 = arith.constant 0 : i32
        %dma_wait3A_83 = tpu.memref_slice %arg10[%dma_wait3A_81, %dma_wait3A_82] : memref<10112x128xf32, #tpu.memory_space<vmem_shared>> -> memref<10112x128xf32, #tpu.memory_space<vmem_shared>>
        tpu.wait_indirect_dma semaphore(%run_scoped3A_71 : memref<!tpu.dma_semaphore, #tpu.memory_space<semaphore_mem>>) src(%arg9 : memref<128x128xf32, #tpu.memory_space<vmem>>) dst(%dma_wait3A_83 : memref<10112x128xf32, #tpu.memory_space<vmem_shared>>)
        tpu.yield
      }) : () -> ()
    }
    %scan3A_22 = arith.constant 20 : i32
    %run_scoped3A_23 = arith.constant 0 : i32
    %run_scoped3A_24 = arith.constant 1 : i32
    "tpu.region"() ({
      %run_scoped3A_41 = tpu.sem_alloc : memref<!tpu.dma_semaphore, #tpu.memory_space<semaphore_mem>>
      %dma_start3A_42 = arith.constant 0 : i32
      %dma_start3A_43 = arith.constant 0 : i32
      %dma_start3A_44 = arith.constant 0 : i32
      %dma_start3A_45 = arith.constant 0 : i32
      %dma_start3A_46 = tpu.memref_slice %arg4[%run_scoped3A_23, %dma_start3A_42, %dma_start3A_43, %dma_start3A_44, %dma_start3A_45] : memref<2x32x2x40x128xi32, #tpu.memory_space<hbm>> -> memref<1x32x2x40x128xi32, #tpu.memory_space<hbm>>
      %dma_start3A_47 = tpu.memref_squeeze %dma_start3A_46 : memref<1x32x2x40x128xi32, #tpu.memory_space<hbm>> -> memref<32x2x40x128xi32, #tpu.memory_space<hbm>>
      %dma_start3A_48 = arith.constant 0 : i32
      %dma_start3A_49 = arith.constant 0 : i32
      %dma_start3A_50 = arith.constant 0 : i32
      %dma_start3A_51 = tpu.memref_slice %dma_start3A_47[%add3A, %dma_start3A_48, %dma_start3A_49, %dma_start3A_50] : memref<32x2x40x128xi32, #tpu.memory_space<hbm>> -> memref<1x2x40x128xi32, #tpu.memory_space<hbm>>
      %dma_start3A_52 = tpu.memref_squeeze %dma_start3A_51 : memref<1x2x40x128xi32, #tpu.memory_space<hbm>> -> memref<2x40x128xi32, #tpu.memory_space<hbm>>
      %dma_start3A_53 = arith.constant 0 : i32
      %dma_start3A_54 = arith.constant 0 : i32
      %dma_start3A_55 = tpu.memref_slice %dma_start3A_52[%run_scoped3A_24, %dma_start3A_53, %dma_start3A_54] : memref<2x40x128xi32, #tpu.memory_space<hbm>> -> memref<1x40x128xi32, #tpu.memory_space<hbm>>
      %dma_start3A_56 = tpu.memref_squeeze %dma_start3A_55 : memref<1x40x128xi32, #tpu.memory_space<hbm>> -> memref<40x128xi32, #tpu.memory_space<hbm>>
      %dma_start3A_57 = arith.constant 0 : i32
      %dma_start3A_58 = arith.constant 0 : i32
      %dma_start3A_59 = arith.constant 0 : i32
      %dma_start3A_60 = arith.constant 0 : i32
      %dma_start3A_61 = tpu.memref_slice %arg4[%run_scoped3A_23, %dma_start3A_57, %dma_start3A_58, %dma_start3A_59, %dma_start3A_60] : memref<2x32x2x40x128xi32, #tpu.memory_space<hbm>> -> memref<1x32x2x40x128xi32, #tpu.memory_space<hbm>>
      %dma_start3A_62 = tpu.memref_squeeze %dma_start3A_61 : memref<1x32x2x40x128xi32, #tpu.memory_space<hbm>> -> memref<32x2x40x128xi32, #tpu.memory_space<hbm>>
      %dma_start3A_63 = arith.constant 0 : i32
      %dma_start3A_64 = arith.constant 0 : i32
      %dma_start3A_65 = arith.constant 0 : i32
      %dma_start3A_66 = tpu.memref_slice %dma_start3A_62[%add3A, %dma_start3A_63, %dma_start3A_64, %dma_start3A_65] : memref<32x2x40x128xi32, #tpu.memory_space<hbm>> -> memref<1x2x40x128xi32, #tpu.memory_space<hbm>>
      %dma_start3A_67 = tpu.memref_squeeze %dma_start3A_66 : memref<1x2x40x128xi32, #tpu.memory_space<hbm>> -> memref<2x40x128xi32, #tpu.memory_space<hbm>>
      %dma_start3A_68 = arith.constant 0 : i32
      %dma_start3A_69 = arith.constant 0 : i32
      %dma_start3A_70 = tpu.memref_slice %dma_start3A_67[%run_scoped3A_24, %dma_start3A_68, %dma_start3A_69] : memref<2x40x128xi32, #tpu.memory_space<hbm>> -> memref<1x40x128xi32, #tpu.memory_space<hbm>>
      %dma_start3A_71 = tpu.memref_squeeze %dma_start3A_70 : memref<1x40x128xi32, #tpu.memory_space<hbm>> -> memref<40x128xi32, #tpu.memory_space<hbm>>
      tpu.enqueue_dma source(%dma_start3A_71 : memref<40x128xi32, #tpu.memory_space<hbm>>) target(%arg6 : memref<40x128xi32, #tpu.memory_space<vmem>>) target_semaphore(%run_scoped3A_41 : memref<!tpu.dma_semaphore, #tpu.memory_space<semaphore_mem>>)
      %dma_wait3A = arith.constant 0 : i32
      %dma_wait3A_72 = arith.constant 0 : i32
      %dma_wait3A_73 = arith.constant 0 : i32
      %dma_wait3A_74 = arith.constant 0 : i32
      %dma_wait3A_75 = tpu.memref_slice %arg4[%run_scoped3A_23, %dma_wait3A, %dma_wait3A_72, %dma_wait3A_73, %dma_wait3A_74] : memref<2x32x2x40x128xi32, #tpu.memory_space<hbm>> -> memref<1x32x2x40x128xi32, #tpu.memory_space<hbm>>
      %dma_wait3A_76 = tpu.memref_squeeze %dma_wait3A_75 : memref<1x32x2x40x128xi32, #tpu.memory_space<hbm>> -> memref<32x2x40x128xi32, #tpu.memory_space<hbm>>
      %dma_wait3A_77 = arith.constant 0 : i32
      %dma_wait3A_78 = arith.constant 0 : i32
      %dma_wait3A_79 = arith.constant 0 : i32
      %dma_wait3A_80 = tpu.memref_slice %dma_wait3A_76[%add3A, %dma_wait3A_77, %dma_wait3A_78, %dma_wait3A_79] : memref<32x2x40x128xi32, #tpu.memory_space<hbm>> -> memref<1x2x40x128xi32, #tpu.memory_space<hbm>>
      %dma_wait3A_81 = tpu.memref_squeeze %dma_wait3A_80 : memref<1x2x40x128xi32, #tpu.memory_space<hbm>> -> memref<2x40x128xi32, #tpu.memory_space<hbm>>
      %dma_wait3A_82 = arith.constant 0 : i32
      %dma_wait3A_83 = arith.constant 0 : i32
      %dma_wait3A_84 = tpu.memref_slice %dma_wait3A_81[%run_scoped3A_24, %dma_wait3A_82, %dma_wait3A_83] : memref<2x40x128xi32, #tpu.memory_space<hbm>> -> memref<1x40x128xi32, #tpu.memory_space<hbm>>
      %dma_wait3A_85 = tpu.memref_squeeze %dma_wait3A_84 : memref<1x40x128xi32, #tpu.memory_space<hbm>> -> memref<40x128xi32, #tpu.memory_space<hbm>>
      %dma_wait3A_86 = arith.constant 0 : i32
      %dma_wait3A_87 = arith.constant 0 : i32
      %dma_wait3A_88 = arith.constant 0 : i32
      %dma_wait3A_89 = arith.constant 0 : i32
      %dma_wait3A_90 = tpu.memref_slice %arg4[%run_scoped3A_23, %dma_wait3A_86, %dma_wait3A_87, %dma_wait3A_88, %dma_wait3A_89] : memref<2x32x2x40x128xi32, #tpu.memory_space<hbm>> -> memref<1x32x2x40x128xi32, #tpu.memory_space<hbm>>
      %dma_wait3A_91 = tpu.memref_squeeze %dma_wait3A_90 : memref<1x32x2x40x128xi32, #tpu.memory_space<hbm>> -> memref<32x2x40x128xi32, #tpu.memory_space<hbm>>
      %dma_wait3A_92 = arith.constant 0 : i32
      %dma_wait3A_93 = arith.constant 0 : i32
      %dma_wait3A_94 = arith.constant 0 : i32
      %dma_wait3A_95 = tpu.memref_slice %dma_wait3A_91[%add3A, %dma_wait3A_92, %dma_wait3A_93, %dma_wait3A_94] : memref<32x2x40x128xi32, #tpu.memory_space<hbm>> -> memref<1x2x40x128xi32, #tpu.memory_space<hbm>>
      %dma_wait3A_96 = tpu.memref_squeeze %dma_wait3A_95 : memref<1x2x40x128xi32, #tpu.memory_space<hbm>> -> memref<2x40x128xi32, #tpu.memory_space<hbm>>
      %dma_wait3A_97 = arith.constant 0 : i32
      %dma_wait3A_98 = arith.constant 0 : i32
      %dma_wait3A_99 = tpu.memref_slice %dma_wait3A_96[%run_scoped3A_24, %dma_wait3A_97, %dma_wait3A_98] : memref<2x40x128xi32, #tpu.memory_space<hbm>> -> memref<1x40x128xi32, #tpu.memory_space<hbm>>
      %dma_wait3A_100 = tpu.memref_squeeze %dma_wait3A_99 : memref<1x40x128xi32, #tpu.memory_space<hbm>> -> memref<40x128xi32, #tpu.memory_space<hbm>>
      tpu.wait_dma2 semaphore(%run_scoped3A_41 : memref<!tpu.dma_semaphore, #tpu.memory_space<semaphore_mem>>) src(%dma_wait3A_100 : memref<40x128xi32, #tpu.memory_space<hbm>>) dst(%arg6 : memref<40x128xi32, #tpu.memory_space<vmem>>)
      tpu.yield
    }) : () -> ()
    %run_scoped3A_25 = arith.constant 1 : i32
    %run_scoped3A_26 = arith.constant 1 : i32
    "tpu.region"() ({
      %run_scoped3A_41 = tpu.sem_alloc : memref<!tpu.dma_semaphore, #tpu.memory_space<semaphore_mem>>
      %dma_start3A_42 = arith.constant 0 : i32
      %dma_start3A_43 = arith.constant 0 : i32
      %dma_start3A_44 = arith.constant 0 : i32
      %dma_start3A_45 = arith.constant 0 : i32
      %dma_start3A_46 = tpu.memref_slice %arg4[%run_scoped3A_25, %dma_start3A_42, %dma_start3A_43, %dma_start3A_44, %dma_start3A_45] : memref<2x32x2x40x128xi32, #tpu.memory_space<hbm>> -> memref<1x32x2x40x128xi32, #tpu.memory_space<hbm>>
      %dma_start3A_47 = tpu.memref_squeeze %dma_start3A_46 : memref<1x32x2x40x128xi32, #tpu.memory_space<hbm>> -> memref<32x2x40x128xi32, #tpu.memory_space<hbm>>
      %dma_start3A_48 = arith.constant 0 : i32
      %dma_start3A_49 = arith.constant 0 : i32
      %dma_start3A_50 = arith.constant 0 : i32
      %dma_start3A_51 = tpu.memref_slice %dma_start3A_47[%add3A, %dma_start3A_48, %dma_start3A_49, %dma_start3A_50] : memref<32x2x40x128xi32, #tpu.memory_space<hbm>> -> memref<1x2x40x128xi32, #tpu.memory_space<hbm>>
      %dma_start3A_52 = tpu.memref_squeeze %dma_start3A_51 : memref<1x2x40x128xi32, #tpu.memory_space<hbm>> -> memref<2x40x128xi32, #tpu.memory_space<hbm>>
      %dma_start3A_53 = arith.constant 0 : i32
      %dma_start3A_54 = arith.constant 0 : i32
      %dma_start3A_55 = tpu.memref_slice %dma_start3A_52[%run_scoped3A_26, %dma_start3A_53, %dma_start3A_54] : memref<2x40x128xi32, #tpu.memory_space<hbm>> -> memref<1x40x128xi32, #tpu.memory_space<hbm>>
      %dma_start3A_56 = tpu.memref_squeeze %dma_start3A_55 : memref<1x40x128xi32, #tpu.memory_space<hbm>> -> memref<40x128xi32, #tpu.memory_space<hbm>>
      %dma_start3A_57 = arith.constant 0 : i32
      %dma_start3A_58 = arith.constant 0 : i32
      %dma_start3A_59 = arith.constant 0 : i32
      %dma_start3A_60 = arith.constant 0 : i32
      %dma_start3A_61 = tpu.memref_slice %arg4[%run_scoped3A_25, %dma_start3A_57, %dma_start3A_58, %dma_start3A_59, %dma_start3A_60] : memref<2x32x2x40x128xi32, #tpu.memory_space<hbm>> -> memref<1x32x2x40x128xi32, #tpu.memory_space<hbm>>
      %dma_start3A_62 = tpu.memref_squeeze %dma_start3A_61 : memref<1x32x2x40x128xi32, #tpu.memory_space<hbm>> -> memref<32x2x40x128xi32, #tpu.memory_space<hbm>>
      %dma_start3A_63 = arith.constant 0 : i32
      %dma_start3A_64 = arith.constant 0 : i32
      %dma_start3A_65 = arith.constant 0 : i32
      %dma_start3A_66 = tpu.memref_slice %dma_start3A_62[%add3A, %dma_start3A_63, %dma_start3A_64, %dma_start3A_65] : memref<32x2x40x128xi32, #tpu.memory_space<hbm>> -> memref<1x2x40x128xi32, #tpu.memory_space<hbm>>
      %dma_start3A_67 = tpu.memref_squeeze %dma_start3A_66 : memref<1x2x40x128xi32, #tpu.memory_space<hbm>> -> memref<2x40x128xi32, #tpu.memory_space<hbm>>
      %dma_start3A_68 = arith.constant 0 : i32
      %dma_start3A_69 = arith.constant 0 : i32
      %dma_start3A_70 = tpu.memref_slice %dma_start3A_67[%run_scoped3A_26, %dma_start3A_68, %dma_start3A_69] : memref<2x40x128xi32, #tpu.memory_space<hbm>> -> memref<1x40x128xi32, #tpu.memory_space<hbm>>
      %dma_start3A_71 = tpu.memref_squeeze %dma_start3A_70 : memref<1x40x128xi32, #tpu.memory_space<hbm>> -> memref<40x128xi32, #tpu.memory_space<hbm>>
      tpu.enqueue_dma source(%dma_start3A_71 : memref<40x128xi32, #tpu.memory_space<hbm>>) target(%arg7 : memref<40x128xi32, #tpu.memory_space<vmem>>) target_semaphore(%run_scoped3A_41 : memref<!tpu.dma_semaphore, #tpu.memory_space<semaphore_mem>>)
      %dma_wait3A = arith.constant 0 : i32
      %dma_wait3A_72 = arith.constant 0 : i32
      %dma_wait3A_73 = arith.constant 0 : i32
      %dma_wait3A_74 = arith.constant 0 : i32
      %dma_wait3A_75 = tpu.memref_slice %arg4[%run_scoped3A_25, %dma_wait3A, %dma_wait3A_72, %dma_wait3A_73, %dma_wait3A_74] : memref<2x32x2x40x128xi32, #tpu.memory_space<hbm>> -> memref<1x32x2x40x128xi32, #tpu.memory_space<hbm>>
      %dma_wait3A_76 = tpu.memref_squeeze %dma_wait3A_75 : memref<1x32x2x40x128xi32, #tpu.memory_space<hbm>> -> memref<32x2x40x128xi32, #tpu.memory_space<hbm>>
      %dma_wait3A_77 = arith.constant 0 : i32
      %dma_wait3A_78 = arith.constant 0 : i32
      %dma_wait3A_79 = arith.constant 0 : i32
      %dma_wait3A_80 = tpu.memref_slice %dma_wait3A_76[%add3A, %dma_wait3A_77, %dma_wait3A_78, %dma_wait3A_79] : memref<32x2x40x128xi32, #tpu.memory_space<hbm>> -> memref<1x2x40x128xi32, #tpu.memory_space<hbm>>
      %dma_wait3A_81 = tpu.memref_squeeze %dma_wait3A_80 : memref<1x2x40x128xi32, #tpu.memory_space<hbm>> -> memref<2x40x128xi32, #tpu.memory_space<hbm>>
      %dma_wait3A_82 = arith.constant 0 : i32
      %dma_wait3A_83 = arith.constant 0 : i32
      %dma_wait3A_84 = tpu.memref_slice %dma_wait3A_81[%run_scoped3A_26, %dma_wait3A_82, %dma_wait3A_83] : memref<2x40x128xi32, #tpu.memory_space<hbm>> -> memref<1x40x128xi32, #tpu.memory_space<hbm>>
      %dma_wait3A_85 = tpu.memref_squeeze %dma_wait3A_84 : memref<1x40x128xi32, #tpu.memory_space<hbm>> -> memref<40x128xi32, #tpu.memory_space<hbm>>
      %dma_wait3A_86 = arith.constant 0 : i32
      %dma_wait3A_87 = arith.constant 0 : i32
      %dma_wait3A_88 = arith.constant 0 : i32
      %dma_wait3A_89 = arith.constant 0 : i32
      %dma_wait3A_90 = tpu.memref_slice %arg4[%run_scoped3A_25, %dma_wait3A_86, %dma_wait3A_87, %dma_wait3A_88, %dma_wait3A_89] : memref<2x32x2x40x128xi32, #tpu.memory_space<hbm>> -> memref<1x32x2x40x128xi32, #tpu.memory_space<hbm>>
      %dma_wait3A_91 = tpu.memref_squeeze %dma_wait3A_90 : memref<1x32x2x40x128xi32, #tpu.memory_space<hbm>> -> memref<32x2x40x128xi32, #tpu.memory_space<hbm>>
      %dma_wait3A_92 = arith.constant 0 : i32
      %dma_wait3A_93 = arith.constant 0 : i32
      %dma_wait3A_94 = arith.constant 0 : i32
      %dma_wait3A_95 = tpu.memref_slice %dma_wait3A_91[%add3A, %dma_wait3A_92, %dma_wait3A_93, %dma_wait3A_94] : memref<32x2x40x128xi32, #tpu.memory_space<hbm>> -> memref<1x2x40x128xi32, #tpu.memory_space<hbm>>
      %dma_wait3A_96 = tpu.memref_squeeze %dma_wait3A_95 : memref<1x2x40x128xi32, #tpu.memory_space<hbm>> -> memref<2x40x128xi32, #tpu.memory_space<hbm>>
      %dma_wait3A_97 = arith.constant 0 : i32
      %dma_wait3A_98 = arith.constant 0 : i32
      %dma_wait3A_99 = tpu.memref_slice %dma_wait3A_96[%run_scoped3A_26, %dma_wait3A_97, %dma_wait3A_98] : memref<2x40x128xi32, #tpu.memory_space<hbm>> -> memref<1x40x128xi32, #tpu.memory_space<hbm>>
      %dma_wait3A_100 = tpu.memref_squeeze %dma_wait3A_99 : memref<1x40x128xi32, #tpu.memory_space<hbm>> -> memref<40x128xi32, #tpu.memory_space<hbm>>
      tpu.wait_dma2 semaphore(%run_scoped3A_41 : memref<!tpu.dma_semaphore, #tpu.memory_space<semaphore_mem>>) src(%dma_wait3A_100 : memref<40x128xi32, #tpu.memory_space<hbm>>) dst(%arg7 : memref<40x128xi32, #tpu.memory_space<vmem>>)
      tpu.yield
    }) : () -> ()
    %dma_start3A_27 = arith.constant 0 : i32
    %dma_start3A_28 = arith.constant 0 : i32
    %dma_start3A_29 = tpu.memref_slice %arg6[%dma_start3A_27, %dma_start3A_28] : memref<40x128xi32, #tpu.memory_space<vmem>> -> memref<1x128xi32, #tpu.memory_space<vmem>>
    %dma_start3A_30 = tpu.memref_squeeze %dma_start3A_29 : memref<1x128xi32, #tpu.memory_space<vmem>> -> memref<128xi32, #tpu.memory_space<vmem>>
    %dma_start3A_31 = arith.constant 0 : i32
    %dma_start3A_32 = arith.constant 0 : i32
    %dma_start3A_33 = tpu.memref_slice %arg2[%dma_start3A_31, %dma_start3A_32] : memref<10112x128xf32, #tpu.memory_space<hbm>> -> memref<10112x128xf32, #tpu.memory_space<hbm>>
    tpu.enqueue_indirect_dma source(%dma_start3A_33 : memref<10112x128xf32, #tpu.memory_space<hbm>>) target(%arg8 : memref<128x128xf32, #tpu.memory_space<vmem>>) offsets(%dma_start3A_30 : memref<128xi32, #tpu.memory_space<vmem>>) semaphore(%arg11 : memref<!tpu.dma_semaphore, #tpu.memory_space<semaphore_mem>>)
    %scan3A_34 = arith.constant 0 : i32
    %scan3A_35 = arith.constant 0 : i32
    %scan3A_36 = arith.constant 20 : i32
    %scan3A_37 = arith.addi %scan3A_35, %scan3A_36 : i32
    %scan3A_38 = arith.constant 1 : i32
    scf.for %scan3A_41 = %scan3A_35 to %scan3A_37 step %scan3A_38  : i32 {
      %mul3A_42 = arith.constant 2 : i32
      %mul3A_43 = arith.muli %mul3A_42, %scan3A_41 : i32
      %add3A_44 = arith.constant 1 : i32
      %add3A_45 = arith.addi %mul3A_43, %add3A_44 : i32
      %dma_start3A_46 = arith.constant 0 : i32
      %dma_start3A_47 = tpu.memref_slice %arg6[%add3A_45, %dma_start3A_46] : memref<40x128xi32, #tpu.memory_space<vmem>> -> memref<1x128xi32, #tpu.memory_space<vmem>>
      %dma_start3A_48 = tpu.memref_squeeze %dma_start3A_47 : memref<1x128xi32, #tpu.memory_space<vmem>> -> memref<128xi32, #tpu.memory_space<vmem>>
      %dma_start3A_49 = arith.constant 0 : i32
      %dma_start3A_50 = arith.constant 0 : i32
      %dma_start3A_51 = tpu.memref_slice %arg2[%dma_start3A_49, %dma_start3A_50] : memref<10112x128xf32, #tpu.memory_space<hbm>> -> memref<10112x128xf32, #tpu.memory_space<hbm>>
      tpu.enqueue_indirect_dma source(%dma_start3A_51 : memref<10112x128xf32, #tpu.memory_space<hbm>>) target(%arg9 : memref<128x128xf32, #tpu.memory_space<vmem>>) offsets(%dma_start3A_48 : memref<128xi32, #tpu.memory_space<vmem>>) semaphore(%arg12 : memref<!tpu.dma_semaphore, #tpu.memory_space<semaphore_mem>>)
      %dma_wait3A = arith.constant 0 : i32
      %dma_wait3A_52 = tpu.memref_slice %arg6[%mul3A_43, %dma_wait3A] : memref<40x128xi32, #tpu.memory_space<vmem>> -> memref<1x128xi32, #tpu.memory_space<vmem>>
      %dma_wait3A_53 = tpu.memref_squeeze %dma_wait3A_52 : memref<1x128xi32, #tpu.memory_space<vmem>> -> memref<128xi32, #tpu.memory_space<vmem>>
      %dma_wait3A_54 = arith.constant 0 : i32
      %dma_wait3A_55 = arith.constant 0 : i32
      %dma_wait3A_56 = tpu.memref_slice %arg2[%dma_wait3A_54, %dma_wait3A_55] : memref<10112x128xf32, #tpu.memory_space<hbm>> -> memref<10112x128xf32, #tpu.memory_space<hbm>>
      tpu.wait_indirect_dma semaphore(%arg11 : memref<!tpu.dma_semaphore, #tpu.memory_space<semaphore_mem>>) src(%dma_wait3A_56 : memref<10112x128xf32, #tpu.memory_space<hbm>>) dst(%arg8 : memref<128x128xf32, #tpu.memory_space<vmem>>)
      "tpu.region"() ({
        %run_scoped3A_71 = tpu.sem_alloc : memref<!tpu.dma_semaphore, #tpu.memory_space<semaphore_mem>>
        %dma_start3A_72 = arith.constant 0 : i32
        %dma_start3A_73 = tpu.memref_slice %arg7[%mul3A_43, %dma_start3A_72] : memref<40x128xi32, #tpu.memory_space<vmem>> -> memref<1x128xi32, #tpu.memory_space<vmem>>
        %dma_start3A_74 = tpu.memref_squeeze %dma_start3A_73 : memref<1x128xi32, #tpu.memory_space<vmem>> -> memref<128xi32, #tpu.memory_space<vmem>>
        %dma_start3A_75 = arith.constant 0 : i32
        %dma_start3A_76 = arith.constant 0 : i32
        %dma_start3A_77 = tpu.memref_slice %arg10[%dma_start3A_75, %dma_start3A_76] : memref<10112x128xf32, #tpu.memory_space<vmem_shared>> -> memref<10112x128xf32, #tpu.memory_space<vmem_shared>>
        tpu.enqueue_indirect_dma source(%arg8 : memref<128x128xf32, #tpu.memory_space<vmem>>) target(%dma_start3A_77 : memref<10112x128xf32, #tpu.memory_space<vmem_shared>>) offsets(%dma_start3A_74 : memref<128xi32, #tpu.memory_space<vmem>>) semaphore(%run_scoped3A_71 : memref<!tpu.dma_semaphore, #tpu.memory_space<semaphore_mem>>) {add = true}
        %dma_wait3A_78 = arith.constant 0 : i32
        %dma_wait3A_79 = tpu.memref_slice %arg7[%mul3A_43, %dma_wait3A_78] : memref<40x128xi32, #tpu.memory_space<vmem>> -> memref<1x128xi32, #tpu.memory_space<vmem>>
        %dma_wait3A_80 = tpu.memref_squeeze %dma_wait3A_79 : memref<1x128xi32, #tpu.memory_space<vmem>> -> memref<128xi32, #tpu.memory_space<vmem>>
        %dma_wait3A_81 = arith.constant 0 : i32
        %dma_wait3A_82 = arith.constant 0 : i32
        %dma_wait3A_83 = tpu.memref_slice %arg10[%dma_wait3A_81, %dma_wait3A_82] : memref<10112x128xf32, #tpu.memory_space<vmem_shared>> -> memref<10112x128xf32, #tpu.memory_space<vmem_shared>>
        tpu.wait_indirect_dma semaphore(%run_scoped3A_71 : memref<!tpu.dma_semaphore, #tpu.memory_space<semaphore_mem>>) src(%arg8 : memref<128x128xf32, #tpu.memory_space<vmem>>) dst(%dma_wait3A_83 : memref<10112x128xf32, #tpu.memory_space<vmem_shared>>)
        tpu.yield
      }) : () -> ()
      %lt3A = arith.constant 19 : i32
      %lt3A_57 = arith.cmpi slt, %scan3A_41, %lt3A : i32
      %convert_element_type3A_58 = arith.extui %lt3A_57 : i1 to i32
      %cond3A_59 = arith.constant 0 : i32
      %cond3A_60 = arith.cmpi ne, %convert_element_type3A_58, %cond3A_59 : i32
      scf.if %cond3A_60 {
        %add3A_71 = arith.constant 2 : i32
        %add3A_72 = arith.addi %mul3A_43, %add3A_71 : i32
        %dma_start3A_73 = arith.constant 0 : i32
        %dma_start3A_74 = tpu.memref_slice %arg6[%add3A_72, %dma_start3A_73] : memref<40x128xi32, #tpu.memory_space<vmem>> -> memref<1x128xi32, #tpu.memory_space<vmem>>
        %dma_start3A_75 = tpu.memref_squeeze %dma_start3A_74 : memref<1x128xi32, #tpu.memory_space<vmem>> -> memref<128xi32, #tpu.memory_space<vmem>>
        %dma_start3A_76 = arith.constant 0 : i32
        %dma_start3A_77 = arith.constant 0 : i32
        %dma_start3A_78 = tpu.memref_slice %arg2[%dma_start3A_76, %dma_start3A_77] : memref<10112x128xf32, #tpu.memory_space<hbm>> -> memref<10112x128xf32, #tpu.memory_space<hbm>>
        tpu.enqueue_indirect_dma source(%dma_start3A_78 : memref<10112x128xf32, #tpu.memory_space<hbm>>) target(%arg8 : memref<128x128xf32, #tpu.memory_space<vmem>>) offsets(%dma_start3A_75 : memref<128xi32, #tpu.memory_space<vmem>>) semaphore(%arg11 : memref<!tpu.dma_semaphore, #tpu.memory_space<semaphore_mem>>)
      } else {
      }
      %add3A_61 = arith.constant 1 : i32
      %add3A_62 = arith.addi %mul3A_43, %add3A_61 : i32
      %dma_wait3A_63 = arith.constant 0 : i32
      %dma_wait3A_64 = tpu.memref_slice %arg6[%add3A_62, %dma_wait3A_63] : memref<40x128xi32, #tpu.memory_space<vmem>> -> memref<1x128xi32, #tpu.memory_space<vmem>>
      %dma_wait3A_65 = tpu.memref_squeeze %dma_wait3A_64 : memref<1x128xi32, #tpu.memory_space<vmem>> -> memref<128xi32, #tpu.memory_space<vmem>>
      %dma_wait3A_66 = arith.constant 0 : i32
      %dma_wait3A_67 = arith.constant 0 : i32
      %dma_wait3A_68 = tpu.memref_slice %arg2[%dma_wait3A_66, %dma_wait3A_67] : memref<10112x128xf32, #tpu.memory_space<hbm>> -> memref<10112x128xf32, #tpu.memory_space<hbm>>
      tpu.wait_indirect_dma semaphore(%arg12 : memref<!tpu.dma_semaphore, #tpu.memory_space<semaphore_mem>>) src(%dma_wait3A_68 : memref<10112x128xf32, #tpu.memory_space<hbm>>) dst(%arg9 : memref<128x128xf32, #tpu.memory_space<vmem>>)
      %add3A_69 = arith.constant 1 : i32
      %add3A_70 = arith.addi %mul3A_43, %add3A_69 : i32
      "tpu.region"() ({
        %run_scoped3A_71 = tpu.sem_alloc : memref<!tpu.dma_semaphore, #tpu.memory_space<semaphore_mem>>
        %dma_start3A_72 = arith.constant 0 : i32
        %dma_start3A_73 = tpu.memref_slice %arg7[%add3A_70, %dma_start3A_72] : memref<40x128xi32, #tpu.memory_space<vmem>> -> memref<1x128xi32, #tpu.memory_space<vmem>>
        %dma_start3A_74 = tpu.memref_squeeze %dma_start3A_73 : memref<1x128xi32, #tpu.memory_space<vmem>> -> memref<128xi32, #tpu.memory_space<vmem>>
        %dma_start3A_75 = arith.constant 0 : i32
        %dma_start3A_76 = arith.constant 0 : i32
        %dma_start3A_77 = tpu.memref_slice %arg10[%dma_start3A_75, %dma_start3A_76] : memref<10112x128xf32, #tpu.memory_space<vmem_shared>> -> memref<10112x128xf32, #tpu.memory_space<vmem_shared>>
        tpu.enqueue_indirect_dma source(%arg9 : memref<128x128xf32, #tpu.memory_space<vmem>>) target(%dma_start3A_77 : memref<10112x128xf32, #tpu.memory_space<vmem_shared>>) offsets(%dma_start3A_74 : memref<128xi32, #tpu.memory_space<vmem>>) semaphore(%run_scoped3A_71 : memref<!tpu.dma_semaphore, #tpu.memory_space<semaphore_mem>>) {add = true}
        %dma_wait3A_78 = arith.constant 0 : i32
        %dma_wait3A_79 = tpu.memref_slice %arg7[%add3A_70, %dma_wait3A_78] : memref<40x128xi32, #tpu.memory_space<vmem>> -> memref<1x128xi32, #tpu.memory_space<vmem>>
        %dma_wait3A_80 = tpu.memref_squeeze %dma_wait3A_79 : memref<1x128xi32, #tpu.memory_space<vmem>> -> memref<128xi32, #tpu.memory_space<vmem>>
        %dma_wait3A_81 = arith.constant 0 : i32
        %dma_wait3A_82 = arith.constant 0 : i32
        %dma_wait3A_83 = tpu.memref_slice %arg10[%dma_wait3A_81, %dma_wait3A_82] : memref<10112x128xf32, #tpu.memory_space<vmem_shared>> -> memref<10112x128xf32, #tpu.memory_space<vmem_shared>>
        tpu.wait_indirect_dma semaphore(%run_scoped3A_71 : memref<!tpu.dma_semaphore, #tpu.memory_space<semaphore_mem>>) src(%arg9 : memref<128x128xf32, #tpu.memory_space<vmem>>) dst(%dma_wait3A_83 : memref<10112x128xf32, #tpu.memory_space<vmem_shared>>)
        tpu.yield
      }) : () -> ()
    }
    %scan3A_39 = arith.constant 20 : i32
    %barrier3A_40 = arith.constant 0 : index
    tpu.barrier barrier_id(%barrier3A_40)
    "tpu.region"() ({
      %run_scoped3A_41 = tpu.sem_alloc : memref<!tpu.dma_semaphore, #tpu.memory_space<semaphore_mem>>
      %dma_start3A_42 = arith.constant 0 : i32
      %dma_start3A_43 = arith.constant 0 : i32
      %dma_start3A_44 = tpu.memref_slice %arg5[%arg0, %dma_start3A_42, %dma_start3A_43] : memref<2x10112x128xf32, #tpu.memory_space<hbm>> -> memref<1x10112x128xf32, #tpu.memory_space<hbm>>
      %dma_start3A_45 = tpu.memref_squeeze %dma_start3A_44 : memref<1x10112x128xf32, #tpu.memory_space<hbm>> -> memref<10112x128xf32, #tpu.memory_space<hbm>>
      %dma_start3A_46 = arith.constant 0 : i32
      %dma_start3A_47 = tpu.memref_slice %dma_start3A_45[%mul3A_2, %dma_start3A_46] : memref<10112x128xf32, #tpu.memory_space<hbm>> -> memref<632x128xf32, #tpu.memory_space<hbm>>
      %dma_start3A_48 = arith.constant 0 : i32
      %dma_start3A_49 = tpu.memref_slice %arg10[%mul3A_2, %dma_start3A_48] : memref<10112x128xf32, #tpu.memory_space<vmem_shared>> -> memref<632x128xf32, #tpu.memory_space<vmem_shared>>
      tpu.enqueue_dma source(%dma_start3A_49 : memref<632x128xf32, #tpu.memory_space<vmem_shared>>) target(%dma_start3A_47 : memref<632x128xf32, #tpu.memory_space<hbm>>) target_semaphore(%run_scoped3A_41 : memref<!tpu.dma_semaphore, #tpu.memory_space<semaphore_mem>>)
      %dma_wait3A = arith.constant 0 : i32
      %dma_wait3A_50 = arith.constant 0 : i32
      %dma_wait3A_51 = tpu.memref_slice %arg5[%arg0, %dma_wait3A, %dma_wait3A_50] : memref<2x10112x128xf32, #tpu.memory_space<hbm>> -> memref<1x10112x128xf32, #tpu.memory_space<hbm>>
      %dma_wait3A_52 = tpu.memref_squeeze %dma_wait3A_51 : memref<1x10112x128xf32, #tpu.memory_space<hbm>> -> memref<10112x128xf32, #tpu.memory_space<hbm>>
      %dma_wait3A_53 = arith.constant 0 : i32
      %dma_wait3A_54 = tpu.memref_slice %dma_wait3A_52[%mul3A_2, %dma_wait3A_53] : memref<10112x128xf32, #tpu.memory_space<hbm>> -> memref<632x128xf32, #tpu.memory_space<hbm>>
      %dma_wait3A_55 = arith.constant 0 : i32
      %dma_wait3A_56 = tpu.memref_slice %arg10[%mul3A_2, %dma_wait3A_55] : memref<10112x128xf32, #tpu.memory_space<vmem_shared>> -> memref<632x128xf32, #tpu.memory_space<vmem_shared>>
      tpu.wait_dma2 semaphore(%run_scoped3A_41 : memref<!tpu.dma_semaphore, #tpu.memory_space<semaphore_mem>>) src(%dma_wait3A_56 : memref<632x128xf32, #tpu.memory_space<vmem_shared>>) dst(%dma_wait3A_54 : memref<632x128xf32, #tpu.memory_space<hbm>>)
      tpu.yield
    }) : () -> ()
    return
  }
}

module attributes {stable_mosaic.version = 14 : i64} {
  func.func @body(%arg0: i32, %arg1: memref<2x2528x128xf32, #tpu.memory_space<vmem>>, %arg2: memref<128x128xf32, #tpu.memory_space<vmem>>, %arg3: memref<128xf32, #tpu.memory_space<vmem>>, %arg4: memref<128x128xf32, #tpu.memory_space<vmem>>, %arg5: memref<128xf32, #tpu.memory_space<vmem>>, %arg6: memref<128xf32, #tpu.memory_space<vmem>>, %arg7: memref<128xf32, #tpu.memory_space<vmem>>, %arg8: memref<2528x128xf32, #tpu.memory_space<vmem>>) attributes {dimension_semantics = [#tpu.dimension_semantics<arbitrary>], iteration_bounds = array<i64: 4>, scalar_prefetch = 0 : i64, scratch_operands = 0 : i64, tpu.core_type = #tpu.core_type<tc>, window_params = [{transform_indices = @transform_0, window_bounds = array<i64: 2, 2528, 128>}, {pipeline_mode = #tpu.pipeline_mode<synchronous>, transform_indices = @transform_1, window_bounds = array<i64: 128, 128>}, {pipeline_mode = #tpu.pipeline_mode<synchronous>, transform_indices = @transform_2, window_bounds = array<i64: 128>}, {pipeline_mode = #tpu.pipeline_mode<synchronous>, transform_indices = @transform_3, window_bounds = array<i64: 128, 128>}, {pipeline_mode = #tpu.pipeline_mode<synchronous>, transform_indices = @transform_4, window_bounds = array<i64: 128>}, {pipeline_mode = #tpu.pipeline_mode<synchronous>, transform_indices = @transform_5, window_bounds = array<i64: 128>}, {pipeline_mode = #tpu.pipeline_mode<synchronous>, transform_indices = @transform_6, window_bounds = array<i64: 128>}, {transform_indices = @transform_7, window_bounds = array<i64: 2528, 128>}]} {
    %get3A = arith.constant 0 : index
    %get3A_0 = arith.constant 0 : index
    %get3A_1 = arith.constant 0 : index
    %get3A_2 = vector.load %arg1[%get3A, %get3A_0, %get3A_1] : memref<2x2528x128xf32, #tpu.memory_space<vmem>>, vector<1x2528x128xf32>
    %get3A_3 = vector.shape_cast %get3A_2 : vector<1x2528x128xf32> to vector<2528x128xf32>
    %get3A_4 = arith.constant 1 : index
    %get3A_5 = arith.constant 0 : index
    %get3A_6 = arith.constant 0 : index
    %get3A_7 = vector.load %arg1[%get3A_4, %get3A_5, %get3A_6] : memref<2x2528x128xf32, #tpu.memory_space<vmem>>, vector<1x2528x128xf32>
    %get3A_8 = vector.shape_cast %get3A_7 : vector<1x2528x128xf32> to vector<2528x128xf32>
    %add3A = arith.addf %get3A_3, %get3A_8 : vector<2528x128xf32>
    %get3A_9 = arith.constant 0 : index
    %get3A_10 = arith.constant 0 : index
    %get3A_11 = vector.load %arg2[%get3A_9, %get3A_10] : memref<128x128xf32, #tpu.memory_space<vmem>>, vector<128x128xf32>
    %dot_general3A = arith.constant dense<0.000000e+00> : vector<2528x128xf32>
    %dot_general3A_12 = tpu.matmul %add3A, %get3A_11, %dot_general3A {dimension_numbers = #tpu.dot_dimension_numbers<[1], [0], [0], [1], [0, 0, 1, 1], [], []>, transpose_lhs_hint = false} : vector<2528x128xf32>, vector<128x128xf32>, vector<2528x128xf32> -> vector<2528x128xf32>
    %get3A_13 = arith.constant 0 : index
    %get3A_14 = vector.load %arg3[%get3A_13] : memref<128xf32, #tpu.memory_space<vmem>>, vector<128xf32>
    %broadcast_in_dim3A = vector.shape_cast %get3A_14 : vector<128xf32> to vector<1x128xf32>
    %add3A_15 = vector.broadcast %broadcast_in_dim3A : vector<1x128xf32> to vector<2528x128xf32>
    %add3A_16 = arith.addf %dot_general3A_12, %add3A_15 : vector<2528x128xf32>
    %max3A = arith.constant 0.000000e+00 : f32
    %max3A_17 = vector.broadcast %max3A : f32 to vector<2528x128xf32>
    %max3A_18 = arith.maximumf %add3A_16, %max3A_17 : vector<2528x128xf32>
    %get3A_19 = arith.constant 0 : index
    %get3A_20 = arith.constant 0 : index
    %get3A_21 = vector.load %arg4[%get3A_19, %get3A_20] : memref<128x128xf32, #tpu.memory_space<vmem>>, vector<128x128xf32>
    %dot_general3A_22 = arith.constant dense<0.000000e+00> : vector<2528x128xf32>
    %dot_general3A_23 = tpu.matmul %max3A_18, %get3A_21, %dot_general3A_22 {dimension_numbers = #tpu.dot_dimension_numbers<[1], [0], [0], [1], [0, 0, 1, 1], [], []>, transpose_lhs_hint = false} : vector<2528x128xf32>, vector<128x128xf32>, vector<2528x128xf32> -> vector<2528x128xf32>
    %get3A_24 = arith.constant 0 : index
    %get3A_25 = vector.load %arg5[%get3A_24] : memref<128xf32, #tpu.memory_space<vmem>>, vector<128xf32>
    %broadcast_in_dim3A_26 = vector.shape_cast %get3A_25 : vector<128xf32> to vector<1x128xf32>
    %add3A_27 = vector.broadcast %broadcast_in_dim3A_26 : vector<1x128xf32> to vector<2528x128xf32>
    %add3A_28 = arith.addf %dot_general3A_23, %add3A_27 : vector<2528x128xf32>
    %get3A_29 = arith.constant 0 : index
    %get3A_30 = vector.load %arg6[%get3A_29] : memref<128xf32, #tpu.memory_space<vmem>>, vector<128xf32>
    %mul3A = arith.constant 0.999994993 : f32
    %mul3A_31 = vector.broadcast %mul3A : f32 to vector<128xf32>
    %mul3A_32 = arith.mulf %get3A_30, %mul3A_31 : vector<128xf32>
    %broadcast_in_dim3A_33 = vector.shape_cast %mul3A_32 : vector<128xf32> to vector<1x128xf32>
    %mul3A_34 = vector.broadcast %broadcast_in_dim3A_33 : vector<1x128xf32> to vector<2528x128xf32>
    %mul3A_35 = arith.mulf %add3A_28, %mul3A_34 : vector<2528x128xf32>
    %get3A_36 = arith.constant 0 : index
    %get3A_37 = vector.load %arg7[%get3A_36] : memref<128xf32, #tpu.memory_space<vmem>>, vector<128xf32>
    %broadcast_in_dim3A_38 = vector.shape_cast %get3A_37 : vector<128xf32> to vector<1x128xf32>
    %add3A_39 = vector.broadcast %broadcast_in_dim3A_38 : vector<1x128xf32> to vector<2528x128xf32>
    %add3A_40 = arith.addf %mul3A_35, %add3A_39 : vector<2528x128xf32>
    %swap3A = arith.constant 0 : index
    %swap3A_41 = arith.constant 0 : index
    %swap3A_42 = vector.load %arg8[%swap3A, %swap3A_41] : memref<2528x128xf32, #tpu.memory_space<vmem>>, vector<2528x128xf32>
    tpu.vector_store %arg8[%swap3A, %swap3A_41], %add3A_40 {strides = array<i32>} : memref<2528x128xf32, #tpu.memory_space<vmem>>, vector<2528x128xf32>,
    return
  }
  func.func @transform_0(%arg0: i32) -> (i32, i32, i32) {
    %c0_i32 = arith.constant 0 : i32
    %c0_i32_0 = arith.constant 0 : i32
    %c0_i32_1 = arith.constant 0 : i32
    return %c0_i32, %arg0, %c0_i32_0 : i32, i32, i32
  }
  func.func @transform_1(%arg0: i32) -> (i32, i32) {
    %c0_i32 = arith.constant 0 : i32
    %c0_i32_0 = arith.constant 0 : i32
    %c0_i32_1 = arith.constant 0 : i32
    return %c0_i32, %c0_i32_0 : i32, i32
  }
  func.func @transform_2(%arg0: i32) -> i32 {
    %c0_i32 = arith.constant 0 : i32
    %c0_i32_0 = arith.constant 0 : i32
    return %c0_i32 : i32
  }
  func.func @transform_3(%arg0: i32) -> (i32, i32) {
    %c0_i32 = arith.constant 0 : i32
    %c0_i32_0 = arith.constant 0 : i32
    %c0_i32_1 = arith.constant 0 : i32
    return %c0_i32, %c0_i32_0 : i32, i32
  }
  func.func @transform_4(%arg0: i32) -> i32 {
    %c0_i32 = arith.constant 0 : i32
    %c0_i32_0 = arith.constant 0 : i32
    return %c0_i32 : i32
  }
  func.func @transform_5(%arg0: i32) -> i32 {
    %c0_i32 = arith.constant 0 : i32
    %c0_i32_0 = arith.constant 0 : i32
    return %c0_i32 : i32
  }
  func.func @transform_6(%arg0: i32) -> i32 {
    %c0_i32 = arith.constant 0 : i32
    %c0_i32_0 = arith.constant 0 : i32
    return %c0_i32 : i32
  }
  func.func @transform_7(%arg0: i32) -> (i32, i32) {
    %c0_i32 = arith.constant 0 : i32
    %c0_i32_0 = arith.constant 0 : i32
    return %arg0, %c0_i32 : i32, i32
  }
}

module attributes {stable_mosaic.version = 14 : i64} {
  func.func @body(%arg0: i32, %arg1: memref<2x2528x128xf32, #tpu.memory_space<vmem>>, %arg2: memref<128x128xf32, #tpu.memory_space<vmem>>, %arg3: memref<128xf32, #tpu.memory_space<vmem>>, %arg4: memref<128x128xf32, #tpu.memory_space<vmem>>, %arg5: memref<128xf32, #tpu.memory_space<vmem>>, %arg6: memref<128xf32, #tpu.memory_space<vmem>>, %arg7: memref<128xf32, #tpu.memory_space<vmem>>, %arg8: memref<2528x128xf32, #tpu.memory_space<vmem>>) attributes {dimension_semantics = [#tpu.dimension_semantics<arbitrary>], iteration_bounds = array<i64: 4>, scalar_prefetch = 0 : i64, scratch_operands = 0 : i64, tpu.core_type = #tpu.core_type<tc>, window_params = [{transform_indices = @transform_0, window_bounds = array<i64: 2, 2528, 128>}, {pipeline_mode = #tpu.pipeline_mode<synchronous>, transform_indices = @transform_1, window_bounds = array<i64: 128, 128>}, {pipeline_mode = #tpu.pipeline_mode<synchronous>, transform_indices = @transform_2, window_bounds = array<i64: 128>}, {pipeline_mode = #tpu.pipeline_mode<synchronous>, transform_indices = @transform_3, window_bounds = array<i64: 128, 128>}, {pipeline_mode = #tpu.pipeline_mode<synchronous>, transform_indices = @transform_4, window_bounds = array<i64: 128>}, {pipeline_mode = #tpu.pipeline_mode<synchronous>, transform_indices = @transform_5, window_bounds = array<i64: 128>}, {pipeline_mode = #tpu.pipeline_mode<synchronous>, transform_indices = @transform_6, window_bounds = array<i64: 128>}, {transform_indices = @transform_7, window_bounds = array<i64: 2528, 128>}]} {
    %get3A = arith.constant 0 : index
    %get3A_0 = arith.constant 0 : index
    %get3A_1 = arith.constant 0 : index
    %get3A_2 = vector.load %arg1[%get3A, %get3A_0, %get3A_1] : memref<2x2528x128xf32, #tpu.memory_space<vmem>>, vector<1x2528x128xf32>
    %get3A_3 = vector.shape_cast %get3A_2 : vector<1x2528x128xf32> to vector<2528x128xf32>
    %get3A_4 = arith.constant 1 : index
    %get3A_5 = arith.constant 0 : index
    %get3A_6 = arith.constant 0 : index
    %get3A_7 = vector.load %arg1[%get3A_4, %get3A_5, %get3A_6] : memref<2x2528x128xf32, #tpu.memory_space<vmem>>, vector<1x2528x128xf32>
    %get3A_8 = vector.shape_cast %get3A_7 : vector<1x2528x128xf32> to vector<2528x128xf32>
    %add3A = arith.addf %get3A_3, %get3A_8 : vector<2528x128xf32>
    %get3A_9 = arith.constant 0 : index
    %get3A_10 = arith.constant 0 : index
    %get3A_11 = vector.load %arg2[%get3A_9, %get3A_10] : memref<128x128xf32, #tpu.memory_space<vmem>>, vector<128x128xf32>
    %dot_general3A = arith.constant dense<0.000000e+00> : vector<2528x128xf32>
    %dot_general3A_12 = tpu.matmul %add3A, %get3A_11, %dot_general3A {dimension_numbers = #tpu.dot_dimension_numbers<[1], [0], [0], [1], [0, 0, 1, 1], [], []>, transpose_lhs_hint = false} : vector<2528x128xf32>, vector<128x128xf32>, vector<2528x128xf32> -> vector<2528x128xf32>
    %get3A_13 = arith.constant 0 : index
    %get3A_14 = vector.load %arg3[%get3A_13] : memref<128xf32, #tpu.memory_space<vmem>>, vector<128xf32>
    %broadcast_in_dim3A = vector.shape_cast %get3A_14 : vector<128xf32> to vector<1x128xf32>
    %add3A_15 = vector.broadcast %broadcast_in_dim3A : vector<1x128xf32> to vector<2528x128xf32>
    %add3A_16 = arith.addf %dot_general3A_12, %add3A_15 : vector<2528x128xf32>
    %max3A = arith.constant 0.000000e+00 : f32
    %max3A_17 = vector.broadcast %max3A : f32 to vector<2528x128xf32>
    %max3A_18 = arith.maximumf %add3A_16, %max3A_17 : vector<2528x128xf32>
    %get3A_19 = arith.constant 0 : index
    %get3A_20 = arith.constant 0 : index
    %get3A_21 = vector.load %arg4[%get3A_19, %get3A_20] : memref<128x128xf32, #tpu.memory_space<vmem>>, vector<128x128xf32>
    %dot_general3A_22 = arith.constant dense<0.000000e+00> : vector<2528x128xf32>
    %dot_general3A_23 = tpu.matmul %max3A_18, %get3A_21, %dot_general3A_22 {dimension_numbers = #tpu.dot_dimension_numbers<[1], [0], [0], [1], [0, 0, 1, 1], [], []>, transpose_lhs_hint = false} : vector<2528x128xf32>, vector<128x128xf32>, vector<2528x128xf32> -> vector<2528x128xf32>
    %get3A_24 = arith.constant 0 : index
    %get3A_25 = vector.load %arg5[%get3A_24] : memref<128xf32, #tpu.memory_space<vmem>>, vector<128xf32>
    %broadcast_in_dim3A_26 = vector.shape_cast %get3A_25 : vector<128xf32> to vector<1x128xf32>
    %add3A_27 = vector.broadcast %broadcast_in_dim3A_26 : vector<1x128xf32> to vector<2528x128xf32>
    %add3A_28 = arith.addf %dot_general3A_23, %add3A_27 : vector<2528x128xf32>
    %get3A_29 = arith.constant 0 : index
    %get3A_30 = vector.load %arg6[%get3A_29] : memref<128xf32, #tpu.memory_space<vmem>>, vector<128xf32>
    %mul3A = arith.constant 0.999994993 : f32
    %mul3A_31 = vector.broadcast %mul3A : f32 to vector<128xf32>
    %mul3A_32 = arith.mulf %get3A_30, %mul3A_31 : vector<128xf32>
    %broadcast_in_dim3A_33 = vector.shape_cast %mul3A_32 : vector<128xf32> to vector<1x128xf32>
    %mul3A_34 = vector.broadcast %broadcast_in_dim3A_33 : vector<1x128xf32> to vector<2528x128xf32>
    %mul3A_35 = arith.mulf %add3A_28, %mul3A_34 : vector<2528x128xf32>
    %get3A_36 = arith.constant 0 : index
    %get3A_37 = vector.load %arg7[%get3A_36] : memref<128xf32, #tpu.memory_space<vmem>>, vector<128xf32>
    %broadcast_in_dim3A_38 = vector.shape_cast %get3A_37 : vector<128xf32> to vector<1x128xf32>
    %add3A_39 = vector.broadcast %broadcast_in_dim3A_38 : vector<1x128xf32> to vector<2528x128xf32>
    %add3A_40 = arith.addf %mul3A_35, %add3A_39 : vector<2528x128xf32>
    %max3A_41 = arith.constant 0.000000e+00 : f32
    %max3A_42 = vector.broadcast %max3A_41 : f32 to vector<2528x128xf32>
    %max3A_43 = arith.maximumf %add3A_40, %max3A_42 : vector<2528x128xf32>
    %swap3A = arith.constant 0 : index
    %swap3A_44 = arith.constant 0 : index
    %swap3A_45 = vector.load %arg8[%swap3A, %swap3A_44] : memref<2528x128xf32, #tpu.memory_space<vmem>>, vector<2528x128xf32>
    tpu.vector_store %arg8[%swap3A, %swap3A_44], %max3A_43 {strides = array<i32>} : memref<2528x128xf32, #tpu.memory_space<vmem>>, vector<2528x128xf32>,
    return
  }
  func.func @transform_0(%arg0: i32) -> (i32, i32, i32) {
    %c0_i32 = arith.constant 0 : i32
    %c0_i32_0 = arith.constant 0 : i32
    %c0_i32_1 = arith.constant 0 : i32
    return %c0_i32, %arg0, %c0_i32_0 : i32, i32, i32
  }
  func.func @transform_1(%arg0: i32) -> (i32, i32) {
    %c0_i32 = arith.constant 0 : i32
    %c0_i32_0 = arith.constant 0 : i32
    %c0_i32_1 = arith.constant 0 : i32
    return %c0_i32, %c0_i32_0 : i32, i32
  }
  func.func @transform_2(%arg0: i32) -> i32 {
    %c0_i32 = arith.constant 0 : i32
    %c0_i32_0 = arith.constant 0 : i32
    return %c0_i32 : i32
  }
  func.func @transform_3(%arg0: i32) -> (i32, i32) {
    %c0_i32 = arith.constant 0 : i32
    %c0_i32_0 = arith.constant 0 : i32
    %c0_i32_1 = arith.constant 0 : i32
    return %c0_i32, %c0_i32_0 : i32, i32
  }
  func.func @transform_4(%arg0: i32) -> i32 {
    %c0_i32 = arith.constant 0 : i32
    %c0_i32_0 = arith.constant 0 : i32
    return %c0_i32 : i32
  }
  func.func @transform_5(%arg0: i32) -> i32 {
    %c0_i32 = arith.constant 0 : i32
    %c0_i32_0 = arith.constant 0 : i32
    return %c0_i32 : i32
  }
  func.func @transform_6(%arg0: i32) -> i32 {
    %c0_i32 = arith.constant 0 : i32
    %c0_i32_0 = arith.constant 0 : i32
    return %c0_i32 : i32
  }
  func.func @transform_7(%arg0: i32) -> (i32, i32) {
    %c0_i32 = arith.constant 0 : i32
    %c0_i32_0 = arith.constant 0 : i32
    return %arg0, %c0_i32 : i32, i32
  }
}

</mosaic_0001>

<sc_bundles>
// kernel: kernel.11.cloned.1.call-start
scs
__scs_entry_jumppad:
0x0: {  	(pc) =	sbr.rel $0x88, $3  }
0x1: {  	(tag) =	ssettag $0x0;
	lr =	simm.s32 $0x1  }
0x2: {  	[smem:$0x3F8D] =	sst lr;
	_ =	strace $0xD0000000  }
0x3: {  	_ = 	snop  }
0x4: {  	_ = 	snop  }
0x5: {  	_ = 	snop  }
0x6: {  	_ = 	snop  }
0x7: {  	_ = 	snop  }
__scs_overlays_trampoline_lowered:
0x8: {  	[smem:$0x3F9C] =	sst s0  }
0x9: {  	[smem:$0x3F9D] =	sst s1  }
0xa: {  	[smem:$0x3F9E] =	sst s2  }
0xb: {  	[smem:$0x3F9F] =	sst s3  }
0xc: {  	[smem:$0x3FA0] =	sst s4  }
0xd: {  	[smem:$0x3FA1] =	sst s5  }
0xe: {  	[smem:$0x3FA2] =	sst s6  }
0xf: {  	[smem:$0x3FA3] =	sst s7  }
0x10: {  	[smem:$0x3FA4] =	sst s8  }
0x11: {  	[smem:$0x3FA5] =	sst s9;
	s0 =	simm.s32 @!p0 $0x0  }
0x12: {  	s1 =	sld [smem:$0x3F8B];
	s0 =	simm.s32 @p0 $0x1  }
0x13: {  	[smem:$0x3FA6] =	sst s0;
	s0 =	simm.s32 @!p1 $0x0  }
0x14: {  	s2 =	sld [smem:$0x3F8A];
	s0 =	simm.s32 @p1 $0x1  }
0x15: {  	[smem:$0x3FA7] =	sst s0;
	s0 =	simm.s32 @!p2 $0x0  }
0x16: {  	s3 =	sld [smem:$0x3FDB];
	s0 =	simm.s32 @p2 $0x1  }
0x17: {  	s4 =	simm.s32 $0x1BF5;
	[smem:$0x3FA9] =	sst s0  }
0x18: {  	s0 =	sld [smem:$0x3F8C];
	_ =	swait.ge [sflag:s4], $0x0  }
0x19: {  	s7 =	sld [smem:$0x3F8D]  }
0x1a: {  	s8 =	sadd.s32 $0xFFFFE003, lr  }
0x1b: {  	s9 =	sadd.s32 $0xFFFFFEF7, lr;
	s5 =	simm.s32 $0xFFFFFFFF;
	p2 =	slt.u32 s8, $0xFFFFF086  }
0x1c: {  	p1 =	slt.u32 s9, $0xF7A;
	s5 =	simm.s32 @!p2 $0x0  }
0x1d: {  	s5 =	simm.s32 @p1 $0x1;
	p0 =	seq.s32 s7, s2  }
0x1e: {  	s7 =	smul.u32 @!p0 $0xF7A, s2;
	p2 =	seq.s32 @!p0 s5, $0x0  }
0x1f: {  	s9 =	smul.u32 $0xF7A, s1;
	s8 =	simm.s32 @!p0 $0x1BF5;
	p2 =	por !p2, p0  }
0x20: {  	[sflag:s8] =	ssyncset.s32 @!p0 $0xFFFFF086;
	s6 =	sadd.s32 @!p0 s3, s7;
	s7 =	simm.s32 @!p0 $0x108  }
0x21: {  	s3 =	sadd.s32 s3, s9;
	s6 =	sadd.s32 @!p0 $0x88, s6;
	s7 =	simm.s32 @p2 $0x1082  }
0x22: {  	[simem:s7], [sflag:s8] =	dma.local @!p0 [hbm:s6], $0xF7A  }
0x23: {  	s9 =	sor.u32 $0xD0000000, s2;
	s6 =	simm.s32 $0x108;
	_ =	swait.ge @!p0 [sflag:s8], $0x0  }
0x24: {  	s3 =	sadd.s32 $0x88, s3;
	s6 =	simm.s32 @!p1 $0x1082;
	[sflag:s4] =	ssyncset.s32 $0xFFFFF086  }
0x25: {  	[simem:s6], [sflag:s4] =	dma.local [hbm:s3], $0xF7A  }
0x26: {  	[smem:$0x3F8D] =	sst s1;
	(tag) =	ssettag s2;
	_ =	strace s9  }
0x27: {  	s1 =	sld [smem:$0x3F9D]  }
0x28: {  	s2 =	sld [smem:$0x3F9E]  }
0x29: {  	s4 =	sld [smem:$0x3FA0]  }
0x2a: {  	p0 =	seq.s32 s5, $0x0;
	s5 =	sld [smem:$0x3FA1]  }
0x2b: {  	s6 =	sld [smem:$0x3FA2]  }
0x2c: {  	s7 =	sld [smem:$0x3FA3]  }
0x2d: {  	s3 =	simm.s32 $0x108;
	s8 =	sld [smem:$0x3FA4]  }
0x2e: {  	s3 =	simm.s32 @!p0 $0x1082;
	s9 =	sld [smem:$0x3FA5]  }
0x2f: {  	lr =	sadd.s32 s0, s3;
	s0 =	sld [smem:$0x3F9C]  }
0x30: {  	s3 =	sld [smem:$0x3F9F]  }
0x31: {  	[smem:$0x3FA8] =	sst s10  }
0x32: {  	s10 =	sld [smem:$0x3FA6];
	_ =	sdelay $0x3  }
0x33: {  	p0 =	seq.s32 s10, $0x1;
	s10 =	sld [smem:$0x3FA8];
	_ =	sdelay $0x3  }
0x34: {  	[smem:$0x3FA8] =	sst s10  }
0x35: {  	s10 =	sld [smem:$0x3FA7];
	_ =	sdelay $0x3  }
0x36: {  	p1 =	seq.s32 s10, $0x1;
	s10 =	sld [smem:$0x3FA8];
	_ =	sdelay $0x3  }
0x37: {  	[smem:$0x3FA8] =	sst s10  }
0x38: {  	s10 =	sld [smem:$0x3FA9]  }
0x39: {  	_ = 	snop;
	(pc) =	sbr.ind lr, $3  }
0x3a: {  	_ = 	snop  }
0x3b: {  	_ = 	snop  }
0x3c: {  	p2 =	seq.s32 s10, $0x1;
	s10 =	sld [smem:$0x3FA8]  }
0x3d: {  	_ =	shalt  }
0x3e: {  	_ =	shalt  }
0x3f: {  	_ =	shalt  }
0x40: {  	_ =	shalt  }
0x41: {  	_ =	shalt  }
0x42: {  	_ =	shalt  }
0x43: {  	_ =	shalt  }
0x44: {  	_ =	shalt  }
0x45: {  	_ =	shalt  }
0x46: {  	_ =	shalt  }
0x47: {  	_ =	shalt  }
0x48: {  	_ =	shalt  }
0x49: {  	_ =	shalt  }
0x4a: {  	_ =	shalt  }
0x4b: {  	_ =	shalt  }
0x4c: {  	_ =	shalt  }
0x4d: {  	_ =	shalt  }
0x4e: {  	_ =	shalt  }
0x4f: {  	_ =	shalt  }
0x50: {  	_ =	shalt  }
0x51: {  	_ =	shalt  }
0x52: {  	_ =	shalt  }
0x53: {  	_ =	shalt  }
0x54: {  	_ =	shalt  }
0x55: {  	_ =	shalt  }
0x56: {  	_ =	shalt  }
0x57: {  	_ =	shalt  }
0x58: {  	_ =	shalt  }
0x59: {  	_ =	shalt  }
0x5a: {  	_ =	shalt  }
0x5b: {  	_ =	shalt  }
0x5c: {  	_ =	shalt  }
0x5d: {  	_ =	shalt  }
0x5e: {  	_ =	shalt  }
0x5f: {  	_ =	shalt  }
0x60: {  	_ =	shalt  }
0x61: {  	_ =	shalt  }
0x62: {  	_ =	shalt  }
0x63: {  	_ =	shalt  }
0x64: {  	_ =	shalt  }
0x65: {  	_ =	shalt  }
0x66: {  	_ =	shalt  }
0x67: {  	_ =	shalt  }
0x68: {  	_ =	shalt  }
0x69: {  	_ =	shalt  }
0x6a: {  	_ =	shalt  }
0x6b: {  	_ =	shalt  }
0x6c: {  	_ =	shalt  }
0x6d: {  	_ =	shalt  }
0x6e: {  	_ =	shalt  }
0x6f: {  	_ =	shalt  }
0x70: {  	_ =	shalt  }
0x71: {  	_ =	shalt  }
0x72: {  	_ =	shalt  }
0x73: {  	_ =	shalt  }
0x74: {  	_ =	shalt  }
0x75: {  	_ =	shalt  }
0x76: {  	_ =	shalt  }
0x77: {  	_ =	shalt  }
0x78: {  	_ =	shalt  }
0x79: {  	_ =	shalt  }
0x7a: {  	_ =	shalt  }
0x7b: {  	_ =	shalt  }
0x7c: {  	_ =	shalt  }
0x7d: {  	_ =	shalt  }
0x7e: {  	_ =	shalt  }
0x7f: {  	_ =	shalt  }
0x80: {  	_ =	shalt  }
0x81: {  	_ =	shalt  }
0x82: {  	_ =	shalt  }
0x83: {  	_ =	shalt  }
0x84: {  	_ =	shalt  }
0x85: {  	_ =	shalt  }
0x86: {  	_ =	shalt  }
0x87: {  	_ =	shalt  }
.Lfunc_end0:
.L_simem_size_0:
called_computation.1_lowered:
.L_overlay_start_0:
0x88: {  	s2 =	sld [smem:$0x3FD9]  }
0x89: {  	s3 =	sld [smem:$0x3FFE];
	_ =	sdelay $0x1  }
0x8a: {  	s1 =	srdreg.scid  }
0x8b: {  	s0 =	sand.u32 $0x1, s1  }
0x8c: {  	s17 =	sshll.u32 s0, $0xA;
	s2 =	sadd.s32 s3, s2  }
0x8d: {  	s2 =	sadd.s32 s2, s17  }
0x8e: {  	[smem:$0x3FB4] =	sst s2  }
0x8f: {  	_ = 	snop  }
0x90: {  	s2 =	sld [smem:$0x3FD0];
	(tm) =	ssettm $0x1  }
0x91: {  	s18 =	sld [smem:$0x3FFB];
	_ =	sdelay $0x3  }
0x92: {  	_ =	strace s18  }
0x93: {  	s3 =	sld [smem:$0x3FFC];
	_ =	sdelay $0x3  }
0x94: {  	_ =	strace s3  }
0x95: {  	s3 =	sld [smem:$0x3FFD];
	_ =	sdelay $0x3  }
0x96: {  	_ =	strace s3  }
0x97: {  	_ =	strace $0x8FFFFFFF  }
0x98: {  	s19 =	sld [smem:$0x3FDB];
	_ =	sdelay $0x1  }
0x99: {  	s4 =	simm.s32 $_scs_section_size  }
0x9a: {  	s5 =	simm.s32 $_size__tile_overlayer_lowered;
	s6 =	simm.s32 $_tile_overlayer_lowered  }
0x9b: {  	s22 =	simm.s32 $0x1BFF;
	s21 =	sshll.u32 s6, $0x1;
	s3 =	sadd.s32 s4, s19  }
0x9c: {  	s7 =	simm.s32 $0x0;
	s20 =	sshll.u32 s5, $0x1;
	s5 =	sadd.s32 s21, s3  }
0x9d: {  	[timem:s7], [sflag:s22] =	dma.local [hbm:s5], s20  }
0x9e: {  	_ =	swait.ge [sflag:s22], s20  }
0x9f: {  	s4 =	ssub.s32 $0x0, s20;
	[sflag:s22] =	ssyncset.done $0x0  }
0xa0: {  	[sflag:s22] =	ssyncadd.s32 s4;
	_ =	sdelay $0x1  }
0xa1: {  	s23 =	simm.s32 $0x1B8B  }
0xa2: {  	_ =	swait.ge [sflag:s23], $0x1  }
0xa3: {  	[sflag:s23] =	ssyncset.done $0x0  }
0xa4: {  	s25 =	simm.s32 $0x1B8E;
	s24 =	sld [smem:$0x3FFE];
	[sflag:s23] =	ssyncadd.s32 $0xFFFFFFFF  }
0xa5: {  	s26 =	simm.s32 $execute0_lowered;
	[smem:$0x3FD2] =	sst s25  }
0xa6: {  	s5 =	sshll.u32 s26, $0x1;
	_ =	strace $0x80000049;
	[dreg:$0x1] =	wrdreg $0xFFFFFFFF  }
0xa7: {  	s28 =	simm.s32 $_size_execute0_lowered;
	s3 =	sadd.s32 s3, s5;
	[dreg:$0x0] =	wrdreg $0x0  }
0xa8: {  	s5 =	sshll.u32 s28, $0x1;
	[dreg:$0x2] =	wrdreg s3  }
0xa9: {  	[dreg:$0x3] =	wrdreg s5  }
0xaa: {  	[dreg:$0x4] =	wrdreg $0xC0  }
0xab: {  	_ =	task [dreg:s7], $0x5FFFF  }
0xac: {  	[dreg:$0x1] =	wrdreg $0xFFFFFFFF  }
0xad: {  	[dreg:$0x0] =	wrdreg $0x60  }
0xae: {  	[dreg:$0x2] =	wrdreg s24  }
0xaf: {  	[dreg:$0x3] =	wrdreg s2  }
0xb0: {  	[dreg:$0x4] =	wrdreg $0xA8000  }
0xb1: {  	[dreg:$0x5] =	wrdreg $0x9  }
0xb2: {  	_ =	task.clear_ibuf [dreg:s7], $0x6FFFF;
	_ =	strace $0x90000049  }
0xb3: {  	s29 =	simm.s32 $0x9;
	_ =	strace $0x8000004B  }
0xb4: {  	_ =	swait.ge [sflag:s29], $0x1  }
0xb5: {  	[sflag:s29] =	ssyncadd.s32 $0xFFFFFFFF  }
0xb6: {  	_ =	strace $0x9000004B  }
0xb7: {  	_ =	sfence  }
0xb8: {  	s30 =	sld [smem:$0x0];
	_ =	sdelay $0x2  }
0xb9: {  	s31 =	sshll.u32 s1, $0xD;
	s1 =	sshrl.u32 s1, $0x2  }
0xba: {  	s3 =	sand.u32 $0x4000, s31;
	s1 =	sadd.s32 s1, s30  }
0xbb: {  	s0 =	sor.u32 s3, s0;
	s1 =	sshll.u32 s1, $0x11  }
0xbc: {  	s0 =	sor.u32 s1, s0  }
0xbd: {  	s0 =	sadd.s32 $0x8F2B, s0  }
0xbe: {  	[sflag:s0] =	ssyncadd.remote.s32 $0x1  }
0xbf: {  	_ =	sfence.sel $0xFFFF  }
0xc0: {  	[dreg:$0x0] =	wrdreg $0xFFFFFFFF;
	(pc) =	sbr.abs _section_cstart, $3  }
0xc1: {  	[dreg:$0x1] =	wrdreg $0xFFFFFFFF  }
0xc2: {  	_ =	task.clear_ibuf [dreg:s7], $0x2FFFF;
	_ =	strace $0x9FFFFFFF  }
0xc3: {  	(tm) =	ssettm $0x7FFFFFFF  }
tec
execute0_lowered:
.L_overlay_start_1:
0x0: {  	(tag) =	ssettag $0x1  }
0x1: {  	s5 =	rddreg [dreg:$0x0]  }
0x2: {  	s6 =	rddreg [dreg:$0x1]  }
0x3: {  	s1 =	rddreg [dreg:$0x2]  }
0x4: {  	s0 =	rddreg [dreg:$0x3]  }
0x5: {  	s2 =	simm.s32 $0x0;
	s3 =	srdreg.scid;
	s14 =	simm.s32 $0x2800  }
0x6: {  	s15 =	simm.s32 $0x6800;
	s16 =	simm.s32 $0x1;
	s17 =	simm.s32 $0x2  }
0x7: {  	s18 =	simm.s32 $0x1380;
	s19 =	simm.s32 $0x2700;
	s20 =	simm.s32 $0x2780  }
0x8: {  	[smem:$0x7FF] =	sst s2;
	s4 =	sadd.s32 $0x4200, s5;
	s7 =	sand.u32 $0x1, s3  }
0x9: {  	s8 =	sadd.s32 $0x2BA00, s5;
	s3 =	stileid.u32;
	s13 =	sadd.s32 $0xA000, s6  }
0xa: {  	_ =	strace $0x8000004A;
	s9 =	smul.u32 $0x27800, s7;
	s10 =	ssub.s32 $0x2, s7  }
0xb: {  	s11 =	sshll.u32 s7, $0x4;
	s12 =	smul.u32 $0x4F000, s3;
	p0 =	seq.s32 s7, $0x0  }
0xc: {  	s23 =	smul.u32 $0x2780, s3;
	s31 =	sshll.u32 s3, $0x6;
	s29 =	sshrl.u32 s10, $0x1  }
0xd: {  	s11 =	sor.u32 s3, s11;
	s8 =	smov.u32 @p0 s4;
	s9 =	sadd.s32 s9, s5  }
0xe: {  	s10 =	ssub.s32 s10, s29;
	s30 =	sshrl.u32 s12, $0x2;
	s11 =	smul.u32 $0x500, s11  }
0xf: {  	s7 =	sadd.s32 s8, s23;
	s8 =	sor.u32 $0x1C03, s31;
	s12 =	sadd.s32 s30, s1  }
0x10: {  	s24 =	sadd.s32 $0x53200, s9;
	s5 =	sadd.s32 s6, s11;
	s6 =	smax.u32 s10, $0x1  }
0x11: {  	s9 =	sshrl.u32 s12, $0x3;
	s10 =	simm.s32 $0x3;
	s11 =	sadd.s32 s11, s13  }
0x12: {  	s12 =	simm.s32 $0x1400;
	s13 =	simm.s32 $0x80;
	s23 =	sadd.s32 s23, s24  }
0x13: {  	s24 =	simm.s32 $0x0;
	s21 =	sadd.s32 $0x280, s5;
	s22 =	sadd.s32 $0x280, s11  }
.LBB2_1:
0x14: {  	[spmem:s9], [sflag:s8] =	dma.local [hbm:s7], $0x2780  }
0x15: {  	_ =	swait.ge [sflag:s10], $0x2780  }
0x16: {  	[sflag:s10] =	ssyncset.done $0x0  }
0x17: {  	[sflag:s10] =	ssyncadd.s32 $0xFFFFD880  }
0x18: {  	[bflag:$0x0] =	sbarrier.arrive $0xFFFF  }
0x19: {  	[tilespmem:s2], [sflag:$0x3] =	stream.linear.gather [hbm4b:s5+s2], $0x1400, $0x38;
	[tilespmem:$0x1E400] =	vst v63  }
0x1a: {  	_ =	swait.ge [sflag:s10], $0x1400  }
0x1b: {  	[sflag:s10] =	ssyncset.done $0x0  }
0x1c: {  	[sflag:s10] =	ssyncadd.s32 $0xFFFFEC00  }
0x1d: {  	[tilespmem:s12], [sflag:$0x3] =	stream.linear.gather [hbm4b:s11+s2], $0x1400, $0x38;
	[tilespmem:$0x1E400] =	vst v63  }
0x1e: {  	_ =	swait.ge [sflag:s10], $0x1400  }
0x1f: {  	[sflag:s10] =	ssyncset.done $0x0  }
0x20: {  	[sflag:s10] =	ssyncadd.s32 $0xFFFFEC00  }
0x21: {  	[tilespmem:s14], [sflag:$0x1] =	stream.indirect.gather [hbm4b:s4+s13], $0x80, s2, s13, $0xb8;
	[tilespmem:$0x1E400] =	vst v63  }
0x22: {  	s25 =	simm.s32 $0x80  }
0x23: {  	[tilespmem:s15], [sflag:$0x2] =	stream.indirect.gather [hbm4b:s4+s13], $0x80, s25, s13, $0xb8;
	[tilespmem:$0x1E400] =	vst v63  }
0x24: {  	_ =	swait.ge [sflag:s16], $0x4000  }
0x25: {  	[sflag:s16] =	ssyncset.done $0x0  }
0x26: {  	s29 =	simm.s32 $0x1400;
	[sflag:s16] =	ssyncadd.s32 $0xFFFFC000  }
0x27: {  	[spmem:s1] =	stream.indirect.scatter.add.f32 [tilespmem:s14], [sflag:$0x3], $0x80, s29, s13, $0xb8;
	[tilespmem:$0x1E400] =	vst v63  }
0x28: {  	_ =	swait.ge [sflag:s10], $0x4000  }
0x29: {  	[sflag:s10] =	ssyncset.done $0x0  }
0x2a: {  	s30 =	simm.s32 $0x100;
	[sflag:s10] =	ssyncadd.s32 $0xFFFFC000  }
0x2b: {  	[tilespmem:s14], [sflag:$0x1] =	stream.indirect.gather [hbm4b:s4+s13], $0x80, s30, s13, $0xb8;
	[tilespmem:$0x1E400] =	vst v63  }
0x2c: {  	_ =	swait.ge [sflag:s17], $0x4000  }
0x2d: {  	[sflag:s17] =	ssyncset.done $0x0  }
0x2e: {  	s31 =	simm.s32 $0x1480;
	[sflag:s17] =	ssyncadd.s32 $0xFFFFC000  }
0x2f: {  	[spmem:s1] =	stream.indirect.scatter.add.f32 [tilespmem:s15], [sflag:$0x3], $0x80, s31, s13, $0xb8;
	[tilespmem:$0x1E400] =	vst v63  }
0x30: {  	_ =	swait.ge [sflag:s10], $0x4000  }
0x31: {  	s26 =	simm.s32 $0x800;
	s25 =	simm.s32 $0x100;
	[sflag:s10] =	ssyncset.done $0x0  }
.LBB2_2:
0x32: {  	s28 =	sadd.s32 $0x80, s25  }
0x33: {  	[sflag:s10] =	ssyncadd.s32 $0xFFFFC000;
	s29 =	smov.u32 s26;
	s30 =	sadd.s32 $0x400, s26  }
0x34: {  	[tilespmem:s15], [sflag:$0x2] =	stream.indirect.gather [hbm4b:s4+s13], $0x80, s28, s13, $0xb8;
	[tilespmem:$0x1E400] =	vst v63  }
0x35: {  	p0 =	sne.s32 s26, $0x4800;
	_ =	swait.ge [sflag:s16], $0x4000  }
0x36: {  	[sflag:s16] =	ssyncset.done $0x0  }
0x37: {  	s26 =	sadd.s32 $0x1400, s25;
	[sflag:s16] =	ssyncadd.s32 $0xFFFFC000  }
0x38: {  	[spmem:s1] =	stream.indirect.scatter.add.f32 [tilespmem:s14], [sflag:$0x3], $0x80, s26, s13, $0xb8;
	[tilespmem:$0x1E400] =	vst v63  }
0x39: {  	_ =	swait.ge [sflag:s10], $0x4000  }
0x3a: {  	[sflag:s10] =	ssyncset.done $0x0  }
0x3b: {  	s26 =	sadd.s32 $0x100, s25;
	[sflag:s10] =	ssyncadd.s32 $0xFFFFC000  }
0x3c: {  	[tilespmem:s14], [sflag:$0x1] =	stream.indirect.gather [hbm4b:s4+s13], $0x80, s26, s13, $0xb8;
	[tilespmem:$0x1E400] =	vst v63  }
0x3d: {  	_ =	swait.ge [sflag:s17], $0x4000  }
.Ltmp0:
0x3e: {  	[sflag:s17] =	ssyncset.done $0x0;
	(pc) =	sbr.rel @p0 .LBB2_2-.Ltmp0, $4  }
0x3f: {  	s25 =	sadd.s32 $0x1480, s25;
	[sflag:s17] =	ssyncadd.s32 $0xFFFFC000  }
0x40: {  	[spmem:s1] =	stream.indirect.scatter.add.f32 [tilespmem:s15], [sflag:$0x3], $0x80, s25, s13, $0xb8;
	[tilespmem:$0x1E400] =	vst v63  }
0x41: {  	_ =	swait.ge [sflag:s10], $0x4000  }
0x42: {  	s26 =	smov.u32 s30;
	s25 =	sshra.s32 s29, $0x2;
	[sflag:s10] =	ssyncset.done $0x0  }
0x43: {  	s26 =	sadd.s32 $0x80, s25;
	[sflag:s10] =	ssyncadd.s32 $0xFFFFC000  }
0x44: {  	[tilespmem:s15], [sflag:$0x2] =	stream.indirect.gather [hbm4b:s4+s13], $0x80, s26, s13, $0xb8;
	[tilespmem:$0x1E400] =	vst v63  }
0x45: {  	_ =	swait.ge [sflag:s16], $0x4000  }
0x46: {  	[sflag:s16] =	ssyncset.done $0x0  }
0x47: {  	s29 =	sadd.s32 $0x1400, s25;
	[sflag:s16] =	ssyncadd.s32 $0xFFFFC000  }
0x48: {  	[spmem:s1] =	stream.indirect.scatter.add.f32 [tilespmem:s14], [sflag:$0x3], $0x80, s29, s13, $0xb8;
	[tilespmem:$0x1E400] =	vst v63  }
0x49: {  	_ =	swait.ge [sflag:s10], $0x4000  }
0x4a: {  	[sflag:s10] =	ssyncset.done $0x0  }
0x4b: {  	s30 =	sadd.s32 $0x100, s25;
	[sflag:s10] =	ssyncadd.s32 $0xFFFFC000  }
0x4c: {  	[tilespmem:s14], [sflag:$0x1] =	stream.indirect.gather [hbm4b:s4+s13], $0x80, s30, s13, $0xb8;
	[tilespmem:$0x1E400] =	vst v63  }
0x4d: {  	_ =	swait.ge [sflag:s17], $0x4000  }
0x4e: {  	[sflag:s17] =	ssyncset.done $0x0  }
0x4f: {  	s31 =	sadd.s32 $0x1480, s25;
	[sflag:s17] =	ssyncadd.s32 $0xFFFFC000  }
0x50: {  	[spmem:s1] =	stream.indirect.scatter.add.f32 [tilespmem:s15], [sflag:$0x3], $0x80, s31, s13, $0xb8;
	[tilespmem:$0x1E400] =	vst v63  }
0x51: {  	_ =	swait.ge [sflag:s10], $0x4000  }
0x52: {  	[sflag:s10] =	ssyncset.done $0x0  }
0x53: {  	[sflag:s10] =	ssyncadd.s32 $0xFFFFC000  }
0x54: {  	[tilespmem:s15], [sflag:$0x2] =	stream.indirect.gather [hbm4b:s4+s13], $0x80, s18, s13, $0xb8;
	[tilespmem:$0x1E400] =	vst v63  }
0x55: {  	_ =	swait.ge [sflag:s16], $0x4000  }
0x56: {  	[sflag:s16] =	ssyncset.done $0x0  }
0x57: {  	[sflag:s16] =	ssyncadd.s32 $0xFFFFC000  }
0x58: {  	[spmem:s1] =	stream.indirect.scatter.add.f32 [tilespmem:s14], [sflag:$0x3], $0x80, s19, s13, $0xb8;
	[tilespmem:$0x1E400] =	vst v63  }
0x59: {  	_ =	swait.ge [sflag:s10], $0x4000  }
0x5a: {  	[sflag:s10] =	ssyncset.done $0x0  }
0x5b: {  	[sflag:s10] =	ssyncadd.s32 $0xFFFFC000  }
0x5c: {  	_ =	swait.ge [sflag:s17], $0x4000  }
0x5d: {  	[sflag:s17] =	ssyncset.done $0x0  }
0x5e: {  	[sflag:s17] =	ssyncadd.s32 $0xFFFFC000  }
0x5f: {  	[spmem:s1] =	stream.indirect.scatter.add.f32 [tilespmem:s15], [sflag:$0x3], $0x80, s20, s13, $0xb8;
	[tilespmem:$0x1E400] =	vst v63  }
0x60: {  	_ =	swait.ge [sflag:s10], $0x4000  }
0x61: {  	[sflag:s10] =	ssyncset.done $0x0  }
0x62: {  	s26 =	simm.s32 $0x0;
	[sflag:s10] =	ssyncadd.s32 $0xFFFFC000  }
0x63: {  	[tilespmem:s26], [sflag:$0x3] =	stream.linear.gather [hbm4b:s21+s26], $0x1400, $0x38;
	[tilespmem:$0x1E400] =	vst v63  }
0x64: {  	_ =	swait.ge [sflag:s10], $0x1400  }
0x65: {  	[sflag:s10] =	ssyncset.done $0x0  }
0x66: {  	[sflag:s10] =	ssyncadd.s32 $0xFFFFEC00  }
0x67: {  	[tilespmem:s12], [sflag:$0x3] =	stream.linear.gather [hbm4b:s22+s26], $0x1400, $0x38;
	[tilespmem:$0x1E400] =	vst v63  }
0x68: {  	_ =	swait.ge [sflag:s10], $0x1400  }
0x69: {  	[sflag:s10] =	ssyncset.done $0x0  }
0x6a: {  	[sflag:s10] =	ssyncadd.s32 $0xFFFFEC00  }
0x6b: {  	[tilespmem:s14], [sflag:$0x1] =	stream.indirect.gather [hbm4b:s4+s13], $0x80, s26, s13, $0xb8;
	[tilespmem:$0x1E400] =	vst v63  }
0x6c: {  	s28 =	simm.s32 $0x80  }
0x6d: {  	[tilespmem:s15], [sflag:$0x2] =	stream.indirect.gather [hbm4b:s4+s13], $0x80, s28, s13, $0xb8;
	[tilespmem:$0x1E400] =	vst v63  }
0x6e: {  	_ =	swait.ge [sflag:s16], $0x4000  }
0x6f: {  	[sflag:s16] =	ssyncset.done $0x0  }
0x70: {  	s29 =	simm.s32 $0x1400;
	[sflag:s16] =	ssyncadd.s32 $0xFFFFC000  }
0x71: {  	[spmem:s1] =	stream.indirect.scatter.add.f32 [tilespmem:s14], [sflag:$0x3], $0x80, s29, s13, $0xb8;
	[tilespmem:$0x1E400] =	vst v63  }
0x72: {  	_ =	swait.ge [sflag:s10], $0x4000  }
0x73: {  	[sflag:s10] =	ssyncset.done $0x0  }
0x74: {  	s30 =	simm.s32 $0x100;
	[sflag:s10] =	ssyncadd.s32 $0xFFFFC000  }
0x75: {  	[tilespmem:s14], [sflag:$0x1] =	stream.indirect.gather [hbm4b:s4+s13], $0x80, s30, s13, $0xb8;
	[tilespmem:$0x1E400] =	vst v63  }
0x76: {  	_ =	swait.ge [sflag:s17], $0x4000  }
0x77: {  	[sflag:s17] =	ssyncset.done $0x0  }
0x78: {  	s31 =	simm.s32 $0x1480;
	[sflag:s17] =	ssyncadd.s32 $0xFFFFC000  }
0x79: {  	[spmem:s1] =	stream.indirect.scatter.add.f32 [tilespmem:s15], [sflag:$0x3], $0x80, s31, s13, $0xb8;
	[tilespmem:$0x1E400] =	vst v63  }
0x7a: {  	_ =	swait.ge [sflag:s10], $0x4000  }
0x7b: {  	s25 =	simm.s32 $0x100;
	s26 =	simm.s32 $0x800;
	[sflag:s10] =	ssyncset.done $0x0  }
.LBB2_4:
0x7c: {  	s28 =	sadd.s32 $0x80, s25  }
0x7d: {  	[sflag:s10] =	ssyncadd.s32 $0xFFFFC000;
	s29 =	smov.u32 s26;
	s30 =	sadd.s32 $0x400, s26  }
0x7e: {  	[tilespmem:s15], [sflag:$0x2] =	stream.indirect.gather [hbm4b:s4+s13], $0x80, s28, s13, $0xb8;
	[tilespmem:$0x1E400] =	vst v63  }
0x7f: {  	p0 =	sne.s32 s26, $0x4800;
	_ =	swait.ge [sflag:s16], $0x4000  }
0x80: {  	[sflag:s16] =	ssyncset.done $0x0  }
0x81: {  	s26 =	sadd.s32 $0x1400, s25;
	[sflag:s16] =	ssyncadd.s32 $0xFFFFC000  }
0x82: {  	[spmem:s1] =	stream.indirect.scatter.add.f32 [tilespmem:s14], [sflag:$0x3], $0x80, s26, s13, $0xb8;
	[tilespmem:$0x1E400] =	vst v63  }
0x83: {  	_ =	swait.ge [sflag:s10], $0x4000  }
0x84: {  	[sflag:s10] =	ssyncset.done $0x0  }
0x85: {  	s26 =	sadd.s32 $0x100, s25;
	[sflag:s10] =	ssyncadd.s32 $0xFFFFC000  }
0x86: {  	[tilespmem:s14], [sflag:$0x1] =	stream.indirect.gather [hbm4b:s4+s13], $0x80, s26, s13, $0xb8;
	[tilespmem:$0x1E400] =	vst v63  }
0x87: {  	_ =	swait.ge [sflag:s17], $0x4000  }
.Ltmp1:
0x88: {  	[sflag:s17] =	ssyncset.done $0x0;
	(pc) =	sbr.rel @p0 .LBB2_4-.Ltmp1, $4  }
0x89: {  	s25 =	sadd.s32 $0x1480, s25;
	[sflag:s17] =	ssyncadd.s32 $0xFFFFC000  }
0x8a: {  	[spmem:s1] =	stream.indirect.scatter.add.f32 [tilespmem:s15], [sflag:$0x3], $0x80, s25, s13, $0xb8;
	[tilespmem:$0x1E400] =	vst v63  }
0x8b: {  	_ =	swait.ge [sflag:s10], $0x4000  }
0x8c: {  	s26 =	smov.u32 s30;
	s25 =	sshra.s32 s29, $0x2;
	[sflag:s10] =	ssyncset.done $0x0  }
0x8d: {  	s26 =	sadd.s32 $0x80, s25;
	[sflag:s10] =	ssyncadd.s32 $0xFFFFC000  }
0x8e: {  	[tilespmem:s15], [sflag:$0x2] =	stream.indirect.gather [hbm4b:s4+s13], $0x80, s26, s13, $0xb8;
	[tilespmem:$0x1E400] =	vst v63  }
0x8f: {  	_ =	swait.ge [sflag:s16], $0x4000  }
0x90: {  	[sflag:s16] =	ssyncset.done $0x0  }
0x91: {  	s29 =	sadd.s32 $0x1400, s25;
	[sflag:s16] =	ssyncadd.s32 $0xFFFFC000  }
0x92: {  	[spmem:s1] =	stream.indirect.scatter.add.f32 [tilespmem:s14], [sflag:$0x3], $0x80, s29, s13, $0xb8;
	[tilespmem:$0x1E400] =	vst v63  }
0x93: {  	_ =	swait.ge [sflag:s10], $0x4000  }
0x94: {  	[sflag:s10] =	ssyncset.done $0x0  }
0x95: {  	s30 =	sadd.s32 $0x100, s25;
	[sflag:s10] =	ssyncadd.s32 $0xFFFFC000  }
0x96: {  	[tilespmem:s14], [sflag:$0x1] =	stream.indirect.gather [hbm4b:s4+s13], $0x80, s30, s13, $0xb8;
	[tilespmem:$0x1E400] =	vst v63  }
0x97: {  	_ =	swait.ge [sflag:s17], $0x4000  }
0x98: {  	[sflag:s17] =	ssyncset.done $0x0  }
0x99: {  	s31 =	sadd.s32 $0x1480, s25;
	[sflag:s17] =	ssyncadd.s32 $0xFFFFC000  }
0x9a: {  	[spmem:s1] =	stream.indirect.scatter.add.f32 [tilespmem:s15], [sflag:$0x3], $0x80, s31, s13, $0xb8;
	[tilespmem:$0x1E400] =	vst v63  }
0x9b: {  	_ =	swait.ge [sflag:s10], $0x4000  }
0x9c: {  	[sflag:s10] =	ssyncset.done $0x0  }
0x9d: {  	[sflag:s10] =	ssyncadd.s32 $0xFFFFC000  }
0x9e: {  	[tilespmem:s15], [sflag:$0x2] =	stream.indirect.gather [hbm4b:s4+s13], $0x80, s18, s13, $0xb8;
	[tilespmem:$0x1E400] =	vst v63  }
0x9f: {  	_ =	swait.ge [sflag:s16], $0x4000  }
0xa0: {  	[sflag:s16] =	ssyncset.done $0x0  }
0xa1: {  	[sflag:s16] =	ssyncadd.s32 $0xFFFFC000  }
0xa2: {  	[spmem:s1] =	stream.indirect.scatter.add.f32 [tilespmem:s14], [sflag:$0x3], $0x80, s19, s13, $0xb8;
	[tilespmem:$0x1E400] =	vst v63  }
0xa3: {  	_ =	swait.ge [sflag:s10], $0x4000  }
0xa4: {  	[sflag:s10] =	ssyncset.done $0x0  }
0xa5: {  	[sflag:s10] =	ssyncadd.s32 $0xFFFFC000  }
0xa6: {  	_ =	swait.ge [sflag:s17], $0x4000  }
0xa7: {  	[sflag:s17] =	ssyncset.done $0x0  }
0xa8: {  	[sflag:s17] =	ssyncadd.s32 $0xFFFFC000  }
0xa9: {  	[spmem:s1] =	stream.indirect.scatter.add.f32 [tilespmem:s15], [sflag:$0x3], $0x80, s20, s13, $0xb8;
	[tilespmem:$0x1E400] =	vst v63  }
0xaa: {  	_ =	swait.ge [sflag:s10], $0x4000  }
0xab: {  	s24 =	sadd.s32 $0x1, s24;
	[sflag:s10] =	ssyncset.done $0x0  }
0xac: {  	p0 =	sne.s32 s24, s6;
	[sflag:s10] =	ssyncadd.s32 $0xFFFFC000  }
.Ltmp2:
0xad: {  	[bflag:$0x0] =	sbarrier.arrive $0xFFFF;
	(pc) =	sbr.rel @p0 .LBB2_1-.Ltmp2, $4  }
0xae: {  	[hbm:s23], [sflag:s8] =	dma.local [spmem:s9], $0x2780  }
0xaf: {  	_ =	swait.ge [sflag:s10], $0x2780  }
0xb0: {  	[sflag:s10] =	ssyncset.done $0x0  }
0xb1: {  	[sflag:s10] =	ssyncadd.s32 $0xFFFFD880  }
0xb2: {  	_ =	sfence.sel $0x180000  }
0xb3: {  	[bflag:$0x0] =	sbarrier.arrive $0xFFFF  }
0xb4: {  	p0 =	sne.s32 s3, $0x0;
	_ =	strace $0x9000004A  }
0xb5: {  	s0 =	sadd.s32 @!p0 $0x100000, s0;
	[bflag:$0x2] =	sbarrier.arrive $0xFFFF  }
0xb6: {  	[sflag:s0] =	ssyncadd.tile.s32 @!p0 $0x1;
	_ =	shalt  }
.Lfunc_end2:
_tile_overlayer_lowered:
.L_overlay_start_2:
0xb7: {  	(tag) =	ssettag $0x2  }
0xb8: {  	s0 =	rddreg [dreg:$0x0];
	s2 =	stileid.u32  }
0xb9: {  	s1 =	rddreg [dreg:$0x1];
	p0 =	sne.s32 s2, $0x0  }
0xba: {  	s3 =	rddreg [dreg:$0x2];
	[bflag:$0x3] =	sbarrier.arrive $0xFFFF;
	s2 =	simm.s32 @!p0 $0x1C03  }
0xbb: {  	[timem:s3], [sflag:s2] =	dma.local @!p0 [hbm:s0], s1  }
0xbc: {  	s0 =	simm.s32 @!p0 $0x3  }
0xbd: {  	_ =	swait.ge @!p0 [sflag:s0], s1  }
0xbe: {  	s1 =	ssub.s32 @!p0 $0x0, s1;
	[sflag:s0] =	ssyncset.done @!p0 $0x0  }
0xbf: {  	[sflag:s0] =	ssyncadd.s32 @!p0 s1  }
0xc0: {  	[bflag:$0x3] =	sbarrier.arrive $0xFFFF  }
0xc1: {  	_ =	shalt  }

// kernel: kernel.14.cloned.1.call-start
scs
__scs_entry_jumppad:
0x0: {  	(pc) =	sbr.rel $0x88, $3  }
0x1: {  	(tag) =	ssettag $0x0;
	lr =	simm.s32 $0x1  }
0x2: {  	[smem:$0x3F8D] =	sst lr;
	_ =	strace $0xD0000000  }
0x3: {  	_ = 	snop  }
0x4: {  	_ = 	snop  }
0x5: {  	_ = 	snop  }
0x6: {  	_ = 	snop  }
0x7: {  	_ = 	snop  }
__scs_overlays_trampoline_lowered:
0x8: {  	[smem:$0x3F9C] =	sst s0  }
0x9: {  	[smem:$0x3F9D] =	sst s1  }
0xa: {  	[smem:$0x3F9E] =	sst s2  }
0xb: {  	[smem:$0x3F9F] =	sst s3  }
0xc: {  	[smem:$0x3FA0] =	sst s4  }
0xd: {  	[smem:$0x3FA1] =	sst s5  }
0xe: {  	[smem:$0x3FA2] =	sst s6  }
0xf: {  	[smem:$0x3FA3] =	sst s7  }
0x10: {  	[smem:$0x3FA4] =	sst s8  }
0x11: {  	[smem:$0x3FA5] =	sst s9;
	s0 =	simm.s32 @!p0 $0x0  }
0x12: {  	s1 =	sld [smem:$0x3F8B];
	s0 =	simm.s32 @p0 $0x1  }
0x13: {  	[smem:$0x3FA6] =	sst s0;
	s0 =	simm.s32 @!p1 $0x0  }
0x14: {  	s2 =	sld [smem:$0x3F8A];
	s0 =	simm.s32 @p1 $0x1  }
0x15: {  	[smem:$0x3FA7] =	sst s0;
	s0 =	simm.s32 @!p2 $0x0  }
0x16: {  	s3 =	sld [smem:$0x3FDB];
	s0 =	simm.s32 @p2 $0x1  }
0x17: {  	s4 =	simm.s32 $0x1BF5;
	[smem:$0x3FA9] =	sst s0  }
0x18: {  	s0 =	sld [smem:$0x3F8C];
	_ =	swait.ge [sflag:s4], $0x0  }
0x19: {  	s7 =	sld [smem:$0x3F8D]  }
0x1a: {  	s8 =	sadd.s32 $0xFFFFE003, lr  }
0x1b: {  	s9 =	sadd.s32 $0xFFFFFEF7, lr;
	s5 =	simm.s32 $0xFFFFFFFF;
	p2 =	slt.u32 s8, $0xFFFFF086  }
0x1c: {  	p1 =	slt.u32 s9, $0xF7A;
	s5 =	simm.s32 @!p2 $0x0  }
0x1d: {  	s5 =	simm.s32 @p1 $0x1;
	p0 =	seq.s32 s7, s2  }
0x1e: {  	s7 =	smul.u32 @!p0 $0xF7A, s2;
	p2 =	seq.s32 @!p0 s5, $0x0  }
0x1f: {  	s9 =	smul.u32 $0xF7A, s1;
	s8 =	simm.s32 @!p0 $0x1BF5;
	p2 =	por !p2, p0  }
0x20: {  	[sflag:s8] =	ssyncset.s32 @!p0 $0xFFFFF086;
	s6 =	sadd.s32 @!p0 s3, s7;
	s7 =	simm.s32 @!p0 $0x108  }
0x21: {  	s3 =	sadd.s32 s3, s9;
	s6 =	sadd.s32 @!p0 $0x88, s6;
	s7 =	simm.s32 @p2 $0x1082  }
0x22: {  	[simem:s7], [sflag:s8] =	dma.local @!p0 [hbm:s6], $0xF7A  }
0x23: {  	s9 =	sor.u32 $0xD0000000, s2;
	s6 =	simm.s32 $0x108;
	_ =	swait.ge @!p0 [sflag:s8], $0x0  }
0x24: {  	s3 =	sadd.s32 $0x88, s3;
	s6 =	simm.s32 @!p1 $0x1082;
	[sflag:s4] =	ssyncset.s32 $0xFFFFF086  }
0x25: {  	[simem:s6], [sflag:s4] =	dma.local [hbm:s3], $0xF7A  }
0x26: {  	[smem:$0x3F8D] =	sst s1;
	(tag) =	ssettag s2;
	_ =	strace s9  }
0x27: {  	s1 =	sld [smem:$0x3F9D]  }
0x28: {  	s2 =	sld [smem:$0x3F9E]  }
0x29: {  	s4 =	sld [smem:$0x3FA0]  }
0x2a: {  	p0 =	seq.s32 s5, $0x0;
	s5 =	sld [smem:$0x3FA1]  }
0x2b: {  	s6 =	sld [smem:$0x3FA2]  }
0x2c: {  	s7 =	sld [smem:$0x3FA3]  }
0x2d: {  	s3 =	simm.s32 $0x108;
	s8 =	sld [smem:$0x3FA4]  }
0x2e: {  	s3 =	simm.s32 @!p0 $0x1082;
	s9 =	sld [smem:$0x3FA5]  }
0x2f: {  	lr =	sadd.s32 s0, s3;
	s0 =	sld [smem:$0x3F9C]  }
0x30: {  	s3 =	sld [smem:$0x3F9F]  }
0x31: {  	[smem:$0x3FA8] =	sst s10  }
0x32: {  	s10 =	sld [smem:$0x3FA6];
	_ =	sdelay $0x3  }
0x33: {  	p0 =	seq.s32 s10, $0x1;
	s10 =	sld [smem:$0x3FA8];
	_ =	sdelay $0x3  }
0x34: {  	[smem:$0x3FA8] =	sst s10  }
0x35: {  	s10 =	sld [smem:$0x3FA7];
	_ =	sdelay $0x3  }
0x36: {  	p1 =	seq.s32 s10, $0x1;
	s10 =	sld [smem:$0x3FA8];
	_ =	sdelay $0x3  }
0x37: {  	[smem:$0x3FA8] =	sst s10  }
0x38: {  	s10 =	sld [smem:$0x3FA9]  }
0x39: {  	_ = 	snop;
	(pc) =	sbr.ind lr, $3  }
0x3a: {  	_ = 	snop  }
0x3b: {  	_ = 	snop  }
0x3c: {  	p2 =	seq.s32 s10, $0x1;
	s10 =	sld [smem:$0x3FA8]  }
0x3d: {  	_ =	shalt  }
0x3e: {  	_ =	shalt  }
0x3f: {  	_ =	shalt  }
0x40: {  	_ =	shalt  }
0x41: {  	_ =	shalt  }
0x42: {  	_ =	shalt  }
0x43: {  	_ =	shalt  }
0x44: {  	_ =	shalt  }
0x45: {  	_ =	shalt  }
0x46: {  	_ =	shalt  }
0x47: {  	_ =	shalt  }
0x48: {  	_ =	shalt  }
0x49: {  	_ =	shalt  }
0x4a: {  	_ =	shalt  }
0x4b: {  	_ =	shalt  }
0x4c: {  	_ =	shalt  }
0x4d: {  	_ =	shalt  }
0x4e: {  	_ =	shalt  }
0x4f: {  	_ =	shalt  }
0x50: {  	_ =	shalt  }
0x51: {  	_ =	shalt  }
0x52: {  	_ =	shalt  }
0x53: {  	_ =	shalt  }
0x54: {  	_ =	shalt  }
0x55: {  	_ =	shalt  }
0x56: {  	_ =	shalt  }
0x57: {  	_ =	shalt  }
0x58: {  	_ =	shalt  }
0x59: {  	_ =	shalt  }
0x5a: {  	_ =	shalt  }
0x5b: {  	_ =	shalt  }
0x5c: {  	_ =	shalt  }
0x5d: {  	_ =	shalt  }
0x5e: {  	_ =	shalt  }
0x5f: {  	_ =	shalt  }
0x60: {  	_ =	shalt  }
0x61: {  	_ =	shalt  }
0x62: {  	_ =	shalt  }
0x63: {  	_ =	shalt  }
0x64: {  	_ =	shalt  }
0x65: {  	_ =	shalt  }
0x66: {  	_ =	shalt  }
0x67: {  	_ =	shalt  }
0x68: {  	_ =	shalt  }
0x69: {  	_ =	shalt  }
0x6a: {  	_ =	shalt  }
0x6b: {  	_ =	shalt  }
0x6c: {  	_ =	shalt  }
0x6d: {  	_ =	shalt  }
0x6e: {  	_ =	shalt  }
0x6f: {  	_ =	shalt  }
0x70: {  	_ =	shalt  }
0x71: {  	_ =	shalt  }
0x72: {  	_ =	shalt  }
0x73: {  	_ =	shalt  }
0x74: {  	_ =	shalt  }
0x75: {  	_ =	shalt  }
0x76: {  	_ =	shalt  }
0x77: {  	_ =	shalt  }
0x78: {  	_ =	shalt  }
0x79: {  	_ =	shalt  }
0x7a: {  	_ =	shalt  }
0x7b: {  	_ =	shalt  }
0x7c: {  	_ =	shalt  }
0x7d: {  	_ =	shalt  }
0x7e: {  	_ =	shalt  }
0x7f: {  	_ =	shalt  }
0x80: {  	_ =	shalt  }
0x81: {  	_ =	shalt  }
0x82: {  	_ =	shalt  }
0x83: {  	_ =	shalt  }
0x84: {  	_ =	shalt  }
0x85: {  	_ =	shalt  }
0x86: {  	_ =	shalt  }
0x87: {  	_ =	shalt  }
.Lfunc_end0:
.L_simem_size_0:
called_computation.2_lowered:
.L_overlay_start_0:
0x88: {  	s2 =	sld [smem:$0x3FD9]  }
0x89: {  	s3 =	sld [smem:$0x3FFE];
	_ =	sdelay $0x1  }
0x8a: {  	s1 =	srdreg.scid  }
0x8b: {  	s0 =	sand.u32 $0x1, s1  }
0x8c: {  	s17 =	sshll.u32 s0, $0xA;
	s2 =	sadd.s32 s3, s2  }
0x8d: {  	s2 =	sadd.s32 s2, s17  }
0x8e: {  	[smem:$0x3FB4] =	sst s2  }
0x8f: {  	_ = 	snop  }
0x90: {  	s2 =	sld [smem:$0x3FD0];
	(tm) =	ssettm $0x1  }
0x91: {  	s18 =	sld [smem:$0x3FFB];
	_ =	sdelay $0x3  }
0x92: {  	_ =	strace s18  }
0x93: {  	s3 =	sld [smem:$0x3FFC];
	_ =	sdelay $0x3  }
0x94: {  	_ =	strace s3  }
0x95: {  	s3 =	sld [smem:$0x3FFD];
	_ =	sdelay $0x3  }
0x96: {  	_ =	strace s3  }
0x97: {  	_ =	strace $0x8FFFFFFF  }
0x98: {  	s19 =	sld [smem:$0x3FDB];
	_ =	sdelay $0x1  }
0x99: {  	s4 =	simm.s32 $_scs_section_size  }
0x9a: {  	s5 =	simm.s32 $_size__tile_overlayer_lowered;
	s6 =	simm.s32 $_tile_overlayer_lowered  }
0x9b: {  	s22 =	simm.s32 $0x1BFF;
	s21 =	sshll.u32 s6, $0x1;
	s3 =	sadd.s32 s4, s19  }
0x9c: {  	s7 =	simm.s32 $0x0;
	s20 =	sshll.u32 s5, $0x1;
	s5 =	sadd.s32 s21, s3  }
0x9d: {  	[timem:s7], [sflag:s22] =	dma.local [hbm:s5], s20  }
0x9e: {  	_ =	swait.ge [sflag:s22], s20  }
0x9f: {  	s4 =	ssub.s32 $0x0, s20;
	[sflag:s22] =	ssyncset.done $0x0  }
0xa0: {  	[sflag:s22] =	ssyncadd.s32 s4;
	_ =	sdelay $0x1  }
0xa1: {  	s23 =	simm.s32 $0x1B8B  }
0xa2: {  	_ =	swait.ge [sflag:s23], $0x1  }
0xa3: {  	[sflag:s23] =	ssyncset.done $0x0  }
0xa4: {  	s25 =	simm.s32 $0x1B8E;
	s24 =	sld [smem:$0x3FFE];
	[sflag:s23] =	ssyncadd.s32 $0xFFFFFFFF  }
0xa5: {  	s26 =	simm.s32 $execute0_lowered;
	[smem:$0x3FD2] =	sst s25  }
0xa6: {  	s5 =	sshll.u32 s26, $0x1;
	_ =	strace $0x8000004C;
	[dreg:$0x1] =	wrdreg $0xFFFFFFFF  }
0xa7: {  	s28 =	simm.s32 $_size_execute0_lowered;
	s3 =	sadd.s32 s3, s5;
	[dreg:$0x0] =	wrdreg $0x0  }
0xa8: {  	s5 =	sshll.u32 s28, $0x1;
	[dreg:$0x2] =	wrdreg s3  }
0xa9: {  	[dreg:$0x3] =	wrdreg s5  }
0xaa: {  	[dreg:$0x4] =	wrdreg $0xC0  }
0xab: {  	_ =	task [dreg:s7], $0x5FFFF  }
0xac: {  	[dreg:$0x1] =	wrdreg $0xFFFFFFFF  }
0xad: {  	[dreg:$0x0] =	wrdreg $0x60  }
0xae: {  	[dreg:$0x2] =	wrdreg s24  }
0xaf: {  	[dreg:$0x3] =	wrdreg s2  }
0xb0: {  	[dreg:$0x4] =	wrdreg $0xA8000  }
0xb1: {  	[dreg:$0x5] =	wrdreg $0x9  }
0xb2: {  	_ =	task.clear_ibuf [dreg:s7], $0x6FFFF;
	_ =	strace $0x9000004C  }
0xb3: {  	s29 =	simm.s32 $0x9;
	_ =	strace $0x8000004E  }
0xb4: {  	_ =	swait.ge [sflag:s29], $0x1  }
0xb5: {  	[sflag:s29] =	ssyncadd.s32 $0xFFFFFFFF  }
0xb6: {  	_ =	strace $0x9000004E  }
0xb7: {  	_ =	sfence  }
0xb8: {  	s30 =	sld [smem:$0x0];
	_ =	sdelay $0x2  }
0xb9: {  	s31 =	sshll.u32 s1, $0xD;
	s1 =	sshrl.u32 s1, $0x2  }
0xba: {  	s3 =	sand.u32 $0x4000, s31;
	s1 =	sadd.s32 s1, s30  }
0xbb: {  	s0 =	sor.u32 s3, s0;
	s1 =	sshll.u32 s1, $0x11  }
0xbc: {  	s0 =	sor.u32 s1, s0  }
0xbd: {  	s0 =	sadd.s32 $0x8F2B, s0  }
0xbe: {  	[sflag:s0] =	ssyncadd.remote.s32 $0x1  }
0xbf: {  	_ =	sfence.sel $0xFFFF  }
0xc0: {  	[dreg:$0x0] =	wrdreg $0xFFFFFFFF;
	(pc) =	sbr.abs _section_cstart, $3  }
0xc1: {  	[dreg:$0x1] =	wrdreg $0xFFFFFFFF  }
0xc2: {  	_ =	task.clear_ibuf [dreg:s7], $0x2FFFF;
	_ =	strace $0x9FFFFFFF  }
0xc3: {  	(tm) =	ssettm $0x7FFFFFFF  }
tec
execute0_lowered:
.L_overlay_start_1:
0x0: {  	(tag) =	ssettag $0x1  }
0x1: {  	s5 =	rddreg [dreg:$0x0]  }
0x2: {  	s6 =	rddreg [dreg:$0x1]  }
0x3: {  	s1 =	rddreg [dreg:$0x2]  }
0x4: {  	s0 =	rddreg [dreg:$0x3]  }
0x5: {  	s2 =	simm.s32 $0x0;
	s3 =	srdreg.scid;
	s14 =	simm.s32 $0x2800  }
0x6: {  	s15 =	simm.s32 $0x6800;
	s16 =	simm.s32 $0x1;
	s17 =	simm.s32 $0x2  }
0x7: {  	s18 =	simm.s32 $0x1380;
	s19 =	simm.s32 $0x2700;
	s20 =	simm.s32 $0x2780  }
0x8: {  	[smem:$0x7FF] =	sst s2;
	s4 =	sadd.s32 $0x4200, s5;
	s7 =	sand.u32 $0x1, s3  }
0x9: {  	s8 =	sadd.s32 $0x2BA00, s5;
	s3 =	stileid.u32;
	s13 =	sadd.s32 $0xA000, s6  }
0xa: {  	_ =	strace $0x8000004D;
	s9 =	smul.u32 $0x27800, s7;
	s10 =	ssub.s32 $0x2, s7  }
0xb: {  	s11 =	sshll.u32 s7, $0x4;
	s12 =	smul.u32 $0x4F000, s3;
	p0 =	seq.s32 s7, $0x0  }
0xc: {  	s23 =	smul.u32 $0x2780, s3;
	s31 =	sshll.u32 s3, $0x6;
	s29 =	sshrl.u32 s10, $0x1  }
0xd: {  	s11 =	sor.u32 s3, s11;
	s8 =	smov.u32 @p0 s4;
	s9 =	sadd.s32 s9, s5  }
0xe: {  	s10 =	ssub.s32 s10, s29;
	s30 =	sshrl.u32 s12, $0x2;
	s11 =	smul.u32 $0x500, s11  }
0xf: {  	s7 =	sadd.s32 s8, s23;
	s8 =	sor.u32 $0x1C03, s31;
	s12 =	sadd.s32 s30, s1  }
0x10: {  	s24 =	sadd.s32 $0x53200, s9;
	s5 =	sadd.s32 s6, s11;
	s6 =	smax.u32 s10, $0x1  }
0x11: {  	s9 =	sshrl.u32 s12, $0x3;
	s10 =	simm.s32 $0x3;
	s11 =	sadd.s32 s11, s13  }
0x12: {  	s12 =	simm.s32 $0x1400;
	s13 =	simm.s32 $0x80;
	s23 =	sadd.s32 s23, s24  }
0x13: {  	s24 =	simm.s32 $0x0;
	s21 =	sadd.s32 $0x280, s5;
	s22 =	sadd.s32 $0x280, s11  }
.LBB2_1:
0x14: {  	[spmem:s9], [sflag:s8] =	dma.local [hbm:s7], $0x2780  }
0x15: {  	_ =	swait.ge [sflag:s10], $0x2780  }
0x16: {  	[sflag:s10] =	ssyncset.done $0x0  }
0x17: {  	[sflag:s10] =	ssyncadd.s32 $0xFFFFD880  }
0x18: {  	[bflag:$0x0] =	sbarrier.arrive $0xFFFF  }
0x19: {  	[tilespmem:s2], [sflag:$0x3] =	stream.linear.gather [hbm4b:s5+s2], $0x1400, $0x38;
	[tilespmem:$0x1E400] =	vst v63  }
0x1a: {  	_ =	swait.ge [sflag:s10], $0x1400  }
0x1b: {  	[sflag:s10] =	ssyncset.done $0x0  }
0x1c: {  	[sflag:s10] =	ssyncadd.s32 $0xFFFFEC00  }
0x1d: {  	[tilespmem:s12], [sflag:$0x3] =	stream.linear.gather [hbm4b:s11+s2], $0x1400, $0x38;
	[tilespmem:$0x1E400] =	vst v63  }
0x1e: {  	_ =	swait.ge [sflag:s10], $0x1400  }
0x1f: {  	[sflag:s10] =	ssyncset.done $0x0  }
0x20: {  	[sflag:s10] =	ssyncadd.s32 $0xFFFFEC00  }
0x21: {  	[tilespmem:s14], [sflag:$0x1] =	stream.indirect.gather [hbm4b:s4+s13], $0x80, s2, s13, $0xb8;
	[tilespmem:$0x1E400] =	vst v63  }
0x22: {  	s25 =	simm.s32 $0x80  }
0x23: {  	[tilespmem:s15], [sflag:$0x2] =	stream.indirect.gather [hbm4b:s4+s13], $0x80, s25, s13, $0xb8;
	[tilespmem:$0x1E400] =	vst v63  }
0x24: {  	_ =	swait.ge [sflag:s16], $0x4000  }
0x25: {  	[sflag:s16] =	ssyncset.done $0x0  }
0x26: {  	s29 =	simm.s32 $0x1400;
	[sflag:s16] =	ssyncadd.s32 $0xFFFFC000  }
0x27: {  	[spmem:s1] =	stream.indirect.scatter.add.f32 [tilespmem:s14], [sflag:$0x3], $0x80, s29, s13, $0xb8;
	[tilespmem:$0x1E400] =	vst v63  }
0x28: {  	_ =	swait.ge [sflag:s10], $0x4000  }
0x29: {  	[sflag:s10] =	ssyncset.done $0x0  }
0x2a: {  	s30 =	simm.s32 $0x100;
	[sflag:s10] =	ssyncadd.s32 $0xFFFFC000  }
0x2b: {  	[tilespmem:s14], [sflag:$0x1] =	stream.indirect.gather [hbm4b:s4+s13], $0x80, s30, s13, $0xb8;
	[tilespmem:$0x1E400] =	vst v63  }
0x2c: {  	_ =	swait.ge [sflag:s17], $0x4000  }
0x2d: {  	[sflag:s17] =	ssyncset.done $0x0  }
0x2e: {  	s31 =	simm.s32 $0x1480;
	[sflag:s17] =	ssyncadd.s32 $0xFFFFC000  }
0x2f: {  	[spmem:s1] =	stream.indirect.scatter.add.f32 [tilespmem:s15], [sflag:$0x3], $0x80, s31, s13, $0xb8;
	[tilespmem:$0x1E400] =	vst v63  }
0x30: {  	_ =	swait.ge [sflag:s10], $0x4000  }
0x31: {  	s26 =	simm.s32 $0x800;
	s25 =	simm.s32 $0x100;
	[sflag:s10] =	ssyncset.done $0x0  }
.LBB2_2:
0x32: {  	s28 =	sadd.s32 $0x80, s25  }
0x33: {  	[sflag:s10] =	ssyncadd.s32 $0xFFFFC000;
	s29 =	smov.u32 s26;
	s30 =	sadd.s32 $0x400, s26  }
0x34: {  	[tilespmem:s15], [sflag:$0x2] =	stream.indirect.gather [hbm4b:s4+s13], $0x80, s28, s13, $0xb8;
	[tilespmem:$0x1E400] =	vst v63  }
0x35: {  	p0 =	sne.s32 s26, $0x4800;
	_ =	swait.ge [sflag:s16], $0x4000  }
0x36: {  	[sflag:s16] =	ssyncset.done $0x0  }
0x37: {  	s26 =	sadd.s32 $0x1400, s25;
	[sflag:s16] =	ssyncadd.s32 $0xFFFFC000  }
0x38: {  	[spmem:s1] =	stream.indirect.scatter.add.f32 [tilespmem:s14], [sflag:$0x3], $0x80, s26, s13, $0xb8;
	[tilespmem:$0x1E400] =	vst v63  }
0x39: {  	_ =	swait.ge [sflag:s10], $0x4000  }
0x3a: {  	[sflag:s10] =	ssyncset.done $0x0  }
0x3b: {  	s26 =	sadd.s32 $0x100, s25;
	[sflag:s10] =	ssyncadd.s32 $0xFFFFC000  }
0x3c: {  	[tilespmem:s14], [sflag:$0x1] =	stream.indirect.gather [hbm4b:s4+s13], $0x80, s26, s13, $0xb8;
	[tilespmem:$0x1E400] =	vst v63  }
0x3d: {  	_ =	swait.ge [sflag:s17], $0x4000  }
.Ltmp0:
0x3e: {  	[sflag:s17] =	ssyncset.done $0x0;
	(pc) =	sbr.rel @p0 .LBB2_2-.Ltmp0, $4  }
0x3f: {  	s25 =	sadd.s32 $0x1480, s25;
	[sflag:s17] =	ssyncadd.s32 $0xFFFFC000  }
0x40: {  	[spmem:s1] =	stream.indirect.scatter.add.f32 [tilespmem:s15], [sflag:$0x3], $0x80, s25, s13, $0xb8;
	[tilespmem:$0x1E400] =	vst v63  }
0x41: {  	_ =	swait.ge [sflag:s10], $0x4000  }
0x42: {  	s26 =	smov.u32 s30;
	s25 =	sshra.s32 s29, $0x2;
	[sflag:s10] =	ssyncset.done $0x0  }
0x43: {  	s26 =	sadd.s32 $0x80, s25;
	[sflag:s10] =	ssyncadd.s32 $0xFFFFC000  }
0x44: {  	[tilespmem:s15], [sflag:$0x2] =	stream.indirect.gather [hbm4b:s4+s13], $0x80, s26, s13, $0xb8;
	[tilespmem:$0x1E400] =	vst v63  }
0x45: {  	_ =	swait.ge [sflag:s16], $0x4000  }
0x46: {  	[sflag:s16] =	ssyncset.done $0x0  }
0x47: {  	s29 =	sadd.s32 $0x1400, s25;
	[sflag:s16] =	ssyncadd.s32 $0xFFFFC000  }
0x48: {  	[spmem:s1] =	stream.indirect.scatter.add.f32 [tilespmem:s14], [sflag:$0x3], $0x80, s29, s13, $0xb8;
	[tilespmem:$0x1E400] =	vst v63  }
0x49: {  	_ =	swait.ge [sflag:s10], $0x4000  }
0x4a: {  	[sflag:s10] =	ssyncset.done $0x0  }
0x4b: {  	s30 =	sadd.s32 $0x100, s25;
	[sflag:s10] =	ssyncadd.s32 $0xFFFFC000  }
0x4c: {  	[tilespmem:s14], [sflag:$0x1] =	stream.indirect.gather [hbm4b:s4+s13], $0x80, s30, s13, $0xb8;
	[tilespmem:$0x1E400] =	vst v63  }
0x4d: {  	_ =	swait.ge [sflag:s17], $0x4000  }
0x4e: {  	[sflag:s17] =	ssyncset.done $0x0  }
0x4f: {  	s31 =	sadd.s32 $0x1480, s25;
	[sflag:s17] =	ssyncadd.s32 $0xFFFFC000  }
0x50: {  	[spmem:s1] =	stream.indirect.scatter.add.f32 [tilespmem:s15], [sflag:$0x3], $0x80, s31, s13, $0xb8;
	[tilespmem:$0x1E400] =	vst v63  }
0x51: {  	_ =	swait.ge [sflag:s10], $0x4000  }
0x52: {  	[sflag:s10] =	ssyncset.done $0x0  }
0x53: {  	[sflag:s10] =	ssyncadd.s32 $0xFFFFC000  }
0x54: {  	[tilespmem:s15], [sflag:$0x2] =	stream.indirect.gather [hbm4b:s4+s13], $0x80, s18, s13, $0xb8;
	[tilespmem:$0x1E400] =	vst v63  }
0x55: {  	_ =	swait.ge [sflag:s16], $0x4000  }
0x56: {  	[sflag:s16] =	ssyncset.done $0x0  }
0x57: {  	[sflag:s16] =	ssyncadd.s32 $0xFFFFC000  }
0x58: {  	[spmem:s1] =	stream.indirect.scatter.add.f32 [tilespmem:s14], [sflag:$0x3], $0x80, s19, s13, $0xb8;
	[tilespmem:$0x1E400] =	vst v63  }
0x59: {  	_ =	swait.ge [sflag:s10], $0x4000  }
0x5a: {  	[sflag:s10] =	ssyncset.done $0x0  }
0x5b: {  	[sflag:s10] =	ssyncadd.s32 $0xFFFFC000  }
0x5c: {  	_ =	swait.ge [sflag:s17], $0x4000  }
0x5d: {  	[sflag:s17] =	ssyncset.done $0x0  }
0x5e: {  	[sflag:s17] =	ssyncadd.s32 $0xFFFFC000  }
0x5f: {  	[spmem:s1] =	stream.indirect.scatter.add.f32 [tilespmem:s15], [sflag:$0x3], $0x80, s20, s13, $0xb8;
	[tilespmem:$0x1E400] =	vst v63  }
0x60: {  	_ =	swait.ge [sflag:s10], $0x4000  }
0x61: {  	[sflag:s10] =	ssyncset.done $0x0  }
0x62: {  	s26 =	simm.s32 $0x0;
	[sflag:s10] =	ssyncadd.s32 $0xFFFFC000  }
0x63: {  	[tilespmem:s26], [sflag:$0x3] =	stream.linear.gather [hbm4b:s21+s26], $0x1400, $0x38;
	[tilespmem:$0x1E400] =	vst v63  }
0x64: {  	_ =	swait.ge [sflag:s10], $0x1400  }
0x65: {  	[sflag:s10] =	ssyncset.done $0x0  }
0x66: {  	[sflag:s10] =	ssyncadd.s32 $0xFFFFEC00  }
0x67: {  	[tilespmem:s12], [sflag:$0x3] =	stream.linear.gather [hbm4b:s22+s26], $0x1400, $0x38;
	[tilespmem:$0x1E400] =	vst v63  }
0x68: {  	_ =	swait.ge [sflag:s10], $0x1400  }
0x69: {  	[sflag:s10] =	ssyncset.done $0x0  }
0x6a: {  	[sflag:s10] =	ssyncadd.s32 $0xFFFFEC00  }
0x6b: {  	[tilespmem:s14], [sflag:$0x1] =	stream.indirect.gather [hbm4b:s4+s13], $0x80, s26, s13, $0xb8;
	[tilespmem:$0x1E400] =	vst v63  }
0x6c: {  	s28 =	simm.s32 $0x80  }
0x6d: {  	[tilespmem:s15], [sflag:$0x2] =	stream.indirect.gather [hbm4b:s4+s13], $0x80, s28, s13, $0xb8;
	[tilespmem:$0x1E400] =	vst v63  }
0x6e: {  	_ =	swait.ge [sflag:s16], $0x4000  }
0x6f: {  	[sflag:s16] =	ssyncset.done $0x0  }
0x70: {  	s29 =	simm.s32 $0x1400;
	[sflag:s16] =	ssyncadd.s32 $0xFFFFC000  }
0x71: {  	[spmem:s1] =	stream.indirect.scatter.add.f32 [tilespmem:s14], [sflag:$0x3], $0x80, s29, s13, $0xb8;
	[tilespmem:$0x1E400] =	vst v63  }
0x72: {  	_ =	swait.ge [sflag:s10], $0x4000  }
0x73: {  	[sflag:s10] =	ssyncset.done $0x0  }
0x74: {  	s30 =	simm.s32 $0x100;
	[sflag:s10] =	ssyncadd.s32 $0xFFFFC000  }
0x75: {  	[tilespmem:s14], [sflag:$0x1] =	stream.indirect.gather [hbm4b:s4+s13], $0x80, s30, s13, $0xb8;
	[tilespmem:$0x1E400] =	vst v63  }
0x76: {  	_ =	swait.ge [sflag:s17], $0x4000  }
0x77: {  	[sflag:s17] =	ssyncset.done $0x0  }
0x78: {  	s31 =	simm.s32 $0x1480;
	[sflag:s17] =	ssyncadd.s32 $0xFFFFC000  }
0x79: {  	[spmem:s1] =	stream.indirect.scatter.add.f32 [tilespmem:s15], [sflag:$0x3], $0x80, s31, s13, $0xb8;
	[tilespmem:$0x1E400] =	vst v63  }
0x7a: {  	_ =	swait.ge [sflag:s10], $0x4000  }
0x7b: {  	s25 =	simm.s32 $0x100;
	s26 =	simm.s32 $0x800;
	[sflag:s10] =	ssyncset.done $0x0  }
.LBB2_4:
0x7c: {  	s28 =	sadd.s32 $0x80, s25  }
0x7d: {  	[sflag:s10] =	ssyncadd.s32 $0xFFFFC000;
	s29 =	smov.u32 s26;
	s30 =	sadd.s32 $0x400, s26  }
0x7e: {  	[tilespmem:s15], [sflag:$0x2] =	stream.indirect.gather [hbm4b:s4+s13], $0x80, s28, s13, $0xb8;
	[tilespmem:$0x1E400] =	vst v63  }
0x7f: {  	p0 =	sne.s32 s26, $0x4800;
	_ =	swait.ge [sflag:s16], $0x4000  }
0x80: {  	[sflag:s16] =	ssyncset.done $0x0  }
0x81: {  	s26 =	sadd.s32 $0x1400, s25;
	[sflag:s16] =	ssyncadd.s32 $0xFFFFC000  }
0x82: {  	[spmem:s1] =	stream.indirect.scatter.add.f32 [tilespmem:s14], [sflag:$0x3], $0x80, s26, s13, $0xb8;
	[tilespmem:$0x1E400] =	vst v63  }
0x83: {  	_ =	swait.ge [sflag:s10], $0x4000  }
0x84: {  	[sflag:s10] =	ssyncset.done $0x0  }
0x85: {  	s26 =	sadd.s32 $0x100, s25;
	[sflag:s10] =	ssyncadd.s32 $0xFFFFC000  }
0x86: {  	[tilespmem:s14], [sflag:$0x1] =	stream.indirect.gather [hbm4b:s4+s13], $0x80, s26, s13, $0xb8;
	[tilespmem:$0x1E400] =	vst v63  }
0x87: {  	_ =	swait.ge [sflag:s17], $0x4000  }
.Ltmp1:
0x88: {  	[sflag:s17] =	ssyncset.done $0x0;
	(pc) =	sbr.rel @p0 .LBB2_4-.Ltmp1, $4  }
0x89: {  	s25 =	sadd.s32 $0x1480, s25;
	[sflag:s17] =	ssyncadd.s32 $0xFFFFC000  }
0x8a: {  	[spmem:s1] =	stream.indirect.scatter.add.f32 [tilespmem:s15], [sflag:$0x3], $0x80, s25, s13, $0xb8;
	[tilespmem:$0x1E400] =	vst v63  }
0x8b: {  	_ =	swait.ge [sflag:s10], $0x4000  }
0x8c: {  	s26 =	smov.u32 s30;
	s25 =	sshra.s32 s29, $0x2;
	[sflag:s10] =	ssyncset.done $0x0  }
0x8d: {  	s26 =	sadd.s32 $0x80, s25;
	[sflag:s10] =	ssyncadd.s32 $0xFFFFC000  }
0x8e: {  	[tilespmem:s15], [sflag:$0x2] =	stream.indirect.gather [hbm4b:s4+s13], $0x80, s26, s13, $0xb8;
	[tilespmem:$0x1E400] =	vst v63  }
0x8f: {  	_ =	swait.ge [sflag:s16], $0x4000  }
0x90: {  	[sflag:s16] =	ssyncset.done $0x0  }
0x91: {  	s29 =	sadd.s32 $0x1400, s25;
	[sflag:s16] =	ssyncadd.s32 $0xFFFFC000  }
0x92: {  	[spmem:s1] =	stream.indirect.scatter.add.f32 [tilespmem:s14], [sflag:$0x3], $0x80, s29, s13, $0xb8;
	[tilespmem:$0x1E400] =	vst v63  }
0x93: {  	_ =	swait.ge [sflag:s10], $0x4000  }
0x94: {  	[sflag:s10] =	ssyncset.done $0x0  }
0x95: {  	s30 =	sadd.s32 $0x100, s25;
	[sflag:s10] =	ssyncadd.s32 $0xFFFFC000  }
0x96: {  	[tilespmem:s14], [sflag:$0x1] =	stream.indirect.gather [hbm4b:s4+s13], $0x80, s30, s13, $0xb8;
	[tilespmem:$0x1E400] =	vst v63  }
0x97: {  	_ =	swait.ge [sflag:s17], $0x4000  }
0x98: {  	[sflag:s17] =	ssyncset.done $0x0  }
0x99: {  	s31 =	sadd.s32 $0x1480, s25;
	[sflag:s17] =	ssyncadd.s32 $0xFFFFC000  }
0x9a: {  	[spmem:s1] =	stream.indirect.scatter.add.f32 [tilespmem:s15], [sflag:$0x3], $0x80, s31, s13, $0xb8;
	[tilespmem:$0x1E400] =	vst v63  }
0x9b: {  	_ =	swait.ge [sflag:s10], $0x4000  }
0x9c: {  	[sflag:s10] =	ssyncset.done $0x0  }
0x9d: {  	[sflag:s10] =	ssyncadd.s32 $0xFFFFC000  }
0x9e: {  	[tilespmem:s15], [sflag:$0x2] =	stream.indirect.gather [hbm4b:s4+s13], $0x80, s18, s13, $0xb8;
	[tilespmem:$0x1E400] =	vst v63  }
0x9f: {  	_ =	swait.ge [sflag:s16], $0x4000  }
0xa0: {  	[sflag:s16] =	ssyncset.done $0x0  }
0xa1: {  	[sflag:s16] =	ssyncadd.s32 $0xFFFFC000  }
0xa2: {  	[spmem:s1] =	stream.indirect.scatter.add.f32 [tilespmem:s14], [sflag:$0x3], $0x80, s19, s13, $0xb8;
	[tilespmem:$0x1E400] =	vst v63  }
0xa3: {  	_ =	swait.ge [sflag:s10], $0x4000  }
0xa4: {  	[sflag:s10] =	ssyncset.done $0x0  }
0xa5: {  	[sflag:s10] =	ssyncadd.s32 $0xFFFFC000  }
0xa6: {  	_ =	swait.ge [sflag:s17], $0x4000  }
0xa7: {  	[sflag:s17] =	ssyncset.done $0x0  }
0xa8: {  	[sflag:s17] =	ssyncadd.s32 $0xFFFFC000  }
0xa9: {  	[spmem:s1] =	stream.indirect.scatter.add.f32 [tilespmem:s15], [sflag:$0x3], $0x80, s20, s13, $0xb8;
	[tilespmem:$0x1E400] =	vst v63  }
0xaa: {  	_ =	swait.ge [sflag:s10], $0x4000  }
0xab: {  	s24 =	sadd.s32 $0x1, s24;
	[sflag:s10] =	ssyncset.done $0x0  }
0xac: {  	p0 =	sne.s32 s24, s6;
	[sflag:s10] =	ssyncadd.s32 $0xFFFFC000  }
.Ltmp2:
0xad: {  	[bflag:$0x0] =	sbarrier.arrive $0xFFFF;
	(pc) =	sbr.rel @p0 .LBB2_1-.Ltmp2, $4  }
0xae: {  	[hbm:s23], [sflag:s8] =	dma.local [spmem:s9], $0x2780  }
0xaf: {  	_ =	swait.ge [sflag:s10], $0x2780  }
0xb0: {  	[sflag:s10] =	ssyncset.done $0x0  }
0xb1: {  	[sflag:s10] =	ssyncadd.s32 $0xFFFFD880  }
0xb2: {  	_ =	sfence.sel $0x180000  }
0xb3: {  	[bflag:$0x0] =	sbarrier.arrive $0xFFFF  }
0xb4: {  	p0 =	sne.s32 s3, $0x0;
	_ =	strace $0x9000004D  }
0xb5: {  	s0 =	sadd.s32 @!p0 $0x100000, s0;
	[bflag:$0x2] =	sbarrier.arrive $0xFFFF  }
0xb6: {  	[sflag:s0] =	ssyncadd.tile.s32 @!p0 $0x1;
	_ =	shalt  }
.Lfunc_end2:
_tile_overlayer_lowered:
.L_overlay_start_2:
0xb7: {  	(tag) =	ssettag $0x2  }
0xb8: {  	s0 =	rddreg [dreg:$0x0];
	s2 =	stileid.u32  }
0xb9: {  	s1 =	rddreg [dreg:$0x1];
	p0 =	sne.s32 s2, $0x0  }
0xba: {  	s3 =	rddreg [dreg:$0x2];
	[bflag:$0x3] =	sbarrier.arrive $0xFFFF;
	s2 =	simm.s32 @!p0 $0x1C03  }
0xbb: {  	[timem:s3], [sflag:s2] =	dma.local @!p0 [hbm:s0], s1  }
0xbc: {  	s0 =	simm.s32 @!p0 $0x3  }
0xbd: {  	_ =	swait.ge @!p0 [sflag:s0], s1  }
0xbe: {  	s1 =	ssub.s32 @!p0 $0x0, s1;
	[sflag:s0] =	ssyncset.done @!p0 $0x0  }
0xbf: {  	[sflag:s0] =	ssyncadd.s32 @!p0 s1  }
0xc0: {  	[bflag:$0x3] =	sbarrier.arrive $0xFFFF  }
0xc1: {  	_ =	shalt  }

// kernel: kernel.8.cloned.1.call-start
scs
__scs_entry_jumppad:
0x0: {  	(pc) =	sbr.rel $0x88, $3  }
0x1: {  	(tag) =	ssettag $0x0;
	lr =	simm.s32 $0x1  }
0x2: {  	[smem:$0x3F8D] =	sst lr;
	_ =	strace $0xD0000000  }
0x3: {  	_ = 	snop  }
0x4: {  	_ = 	snop  }
0x5: {  	_ = 	snop  }
0x6: {  	_ = 	snop  }
0x7: {  	_ = 	snop  }
__scs_overlays_trampoline_lowered:
0x8: {  	[smem:$0x3F9C] =	sst s0  }
0x9: {  	[smem:$0x3F9D] =	sst s1  }
0xa: {  	[smem:$0x3F9E] =	sst s2  }
0xb: {  	[smem:$0x3F9F] =	sst s3  }
0xc: {  	[smem:$0x3FA0] =	sst s4  }
0xd: {  	[smem:$0x3FA1] =	sst s5  }
0xe: {  	[smem:$0x3FA2] =	sst s6  }
0xf: {  	[smem:$0x3FA3] =	sst s7  }
0x10: {  	[smem:$0x3FA4] =	sst s8  }
0x11: {  	[smem:$0x3FA5] =	sst s9;
	s0 =	simm.s32 @!p0 $0x0  }
0x12: {  	s1 =	sld [smem:$0x3F8B];
	s0 =	simm.s32 @p0 $0x1  }
0x13: {  	[smem:$0x3FA6] =	sst s0;
	s0 =	simm.s32 @!p1 $0x0  }
0x14: {  	s2 =	sld [smem:$0x3F8A];
	s0 =	simm.s32 @p1 $0x1  }
0x15: {  	[smem:$0x3FA7] =	sst s0;
	s0 =	simm.s32 @!p2 $0x0  }
0x16: {  	s3 =	sld [smem:$0x3FDB];
	s0 =	simm.s32 @p2 $0x1  }
0x17: {  	s4 =	simm.s32 $0x1BF5;
	[smem:$0x3FA9] =	sst s0  }
0x18: {  	s0 =	sld [smem:$0x3F8C];
	_ =	swait.ge [sflag:s4], $0x0  }
0x19: {  	s7 =	sld [smem:$0x3F8D]  }
0x1a: {  	s8 =	sadd.s32 $0xFFFFE003, lr  }
0x1b: {  	s9 =	sadd.s32 $0xFFFFFEF7, lr;
	s5 =	simm.s32 $0xFFFFFFFF;
	p2 =	slt.u32 s8, $0xFFFFF086  }
0x1c: {  	p1 =	slt.u32 s9, $0xF7A;
	s5 =	simm.s32 @!p2 $0x0  }
0x1d: {  	s5 =	simm.s32 @p1 $0x1;
	p0 =	seq.s32 s7, s2  }
0x1e: {  	s7 =	smul.u32 @!p0 $0xF7A, s2;
	p2 =	seq.s32 @!p0 s5, $0x0  }
0x1f: {  	s9 =	smul.u32 $0xF7A, s1;
	s8 =	simm.s32 @!p0 $0x1BF5;
	p2 =	por !p2, p0  }
0x20: {  	[sflag:s8] =	ssyncset.s32 @!p0 $0xFFFFF086;
	s6 =	sadd.s32 @!p0 s3, s7;
	s7 =	simm.s32 @!p0 $0x108  }
0x21: {  	s3 =	sadd.s32 s3, s9;
	s6 =	sadd.s32 @!p0 $0x88, s6;
	s7 =	simm.s32 @p2 $0x1082  }
0x22: {  	[simem:s7], [sflag:s8] =	dma.local @!p0 [hbm:s6], $0xF7A  }
0x23: {  	s9 =	sor.u32 $0xD0000000, s2;
	s6 =	simm.s32 $0x108;
	_ =	swait.ge @!p0 [sflag:s8], $0x0  }
0x24: {  	s3 =	sadd.s32 $0x88, s3;
	s6 =	simm.s32 @!p1 $0x1082;
	[sflag:s4] =	ssyncset.s32 $0xFFFFF086  }
0x25: {  	[simem:s6], [sflag:s4] =	dma.local [hbm:s3], $0xF7A  }
0x26: {  	[smem:$0x3F8D] =	sst s1;
	(tag) =	ssettag s2;
	_ =	strace s9  }
0x27: {  	s1 =	sld [smem:$0x3F9D]  }
0x28: {  	s2 =	sld [smem:$0x3F9E]  }
0x29: {  	s4 =	sld [smem:$0x3FA0]  }
0x2a: {  	p0 =	seq.s32 s5, $0x0;
	s5 =	sld [smem:$0x3FA1]  }
0x2b: {  	s6 =	sld [smem:$0x3FA2]  }
0x2c: {  	s7 =	sld [smem:$0x3FA3]  }
0x2d: {  	s3 =	simm.s32 $0x108;
	s8 =	sld [smem:$0x3FA4]  }
0x2e: {  	s3 =	simm.s32 @!p0 $0x1082;
	s9 =	sld [smem:$0x3FA5]  }
0x2f: {  	lr =	sadd.s32 s0, s3;
	s0 =	sld [smem:$0x3F9C]  }
0x30: {  	s3 =	sld [smem:$0x3F9F]  }
0x31: {  	[smem:$0x3FA8] =	sst s10  }
0x32: {  	s10 =	sld [smem:$0x3FA6];
	_ =	sdelay $0x3  }
0x33: {  	p0 =	seq.s32 s10, $0x1;
	s10 =	sld [smem:$0x3FA8];
	_ =	sdelay $0x3  }
0x34: {  	[smem:$0x3FA8] =	sst s10  }
0x35: {  	s10 =	sld [smem:$0x3FA7];
	_ =	sdelay $0x3  }
0x36: {  	p1 =	seq.s32 s10, $0x1;
	s10 =	sld [smem:$0x3FA8];
	_ =	sdelay $0x3  }
0x37: {  	[smem:$0x3FA8] =	sst s10  }
0x38: {  	s10 =	sld [smem:$0x3FA9]  }
0x39: {  	_ = 	snop;
	(pc) =	sbr.ind lr, $3  }
0x3a: {  	_ = 	snop  }
0x3b: {  	_ = 	snop  }
0x3c: {  	p2 =	seq.s32 s10, $0x1;
	s10 =	sld [smem:$0x3FA8]  }
0x3d: {  	_ =	shalt  }
0x3e: {  	_ =	shalt  }
0x3f: {  	_ =	shalt  }
0x40: {  	_ =	shalt  }
0x41: {  	_ =	shalt  }
0x42: {  	_ =	shalt  }
0x43: {  	_ =	shalt  }
0x44: {  	_ =	shalt  }
0x45: {  	_ =	shalt  }
0x46: {  	_ =	shalt  }
0x47: {  	_ =	shalt  }
0x48: {  	_ =	shalt  }
0x49: {  	_ =	shalt  }
0x4a: {  	_ =	shalt  }
0x4b: {  	_ =	shalt  }
0x4c: {  	_ =	shalt  }
0x4d: {  	_ =	shalt  }
0x4e: {  	_ =	shalt  }
0x4f: {  	_ =	shalt  }
0x50: {  	_ =	shalt  }
0x51: {  	_ =	shalt  }
0x52: {  	_ =	shalt  }
0x53: {  	_ =	shalt  }
0x54: {  	_ =	shalt  }
0x55: {  	_ =	shalt  }
0x56: {  	_ =	shalt  }
0x57: {  	_ =	shalt  }
0x58: {  	_ =	shalt  }
0x59: {  	_ =	shalt  }
0x5a: {  	_ =	shalt  }
0x5b: {  	_ =	shalt  }
0x5c: {  	_ =	shalt  }
0x5d: {  	_ =	shalt  }
0x5e: {  	_ =	shalt  }
0x5f: {  	_ =	shalt  }
0x60: {  	_ =	shalt  }
0x61: {  	_ =	shalt  }
0x62: {  	_ =	shalt  }
0x63: {  	_ =	shalt  }
0x64: {  	_ =	shalt  }
0x65: {  	_ =	shalt  }
0x66: {  	_ =	shalt  }
0x67: {  	_ =	shalt  }
0x68: {  	_ =	shalt  }
0x69: {  	_ =	shalt  }
0x6a: {  	_ =	shalt  }
0x6b: {  	_ =	shalt  }
0x6c: {  	_ =	shalt  }
0x6d: {  	_ =	shalt  }
0x6e: {  	_ =	shalt  }
0x6f: {  	_ =	shalt  }
0x70: {  	_ =	shalt  }
0x71: {  	_ =	shalt  }
0x72: {  	_ =	shalt  }
0x73: {  	_ =	shalt  }
0x74: {  	_ =	shalt  }
0x75: {  	_ =	shalt  }
0x76: {  	_ =	shalt  }
0x77: {  	_ =	shalt  }
0x78: {  	_ =	shalt  }
0x79: {  	_ =	shalt  }
0x7a: {  	_ =	shalt  }
0x7b: {  	_ =	shalt  }
0x7c: {  	_ =	shalt  }
0x7d: {  	_ =	shalt  }
0x7e: {  	_ =	shalt  }
0x7f: {  	_ =	shalt  }
0x80: {  	_ =	shalt  }
0x81: {  	_ =	shalt  }
0x82: {  	_ =	shalt  }
0x83: {  	_ =	shalt  }
0x84: {  	_ =	shalt  }
0x85: {  	_ =	shalt  }
0x86: {  	_ =	shalt  }
0x87: {  	_ =	shalt  }
.Lfunc_end0:
.L_simem_size_0:
called_computation_lowered:
.L_overlay_start_0:
0x88: {  	s2 =	sld [smem:$0x3FD9]  }
0x89: {  	s3 =	sld [smem:$0x3FFE];
	_ =	sdelay $0x1  }
0x8a: {  	s1 =	srdreg.scid  }
0x8b: {  	s0 =	sand.u32 $0x1, s1  }
0x8c: {  	s17 =	sshll.u32 s0, $0xA;
	s2 =	sadd.s32 s3, s2  }
0x8d: {  	s2 =	sadd.s32 s2, s17  }
0x8e: {  	[smem:$0x3FB4] =	sst s2  }
0x8f: {  	_ = 	snop  }
0x90: {  	s2 =	sld [smem:$0x3FD0];
	(tm) =	ssettm $0x1  }
0x91: {  	s18 =	sld [smem:$0x3FFB];
	_ =	sdelay $0x3  }
0x92: {  	_ =	strace s18  }
0x93: {  	s3 =	sld [smem:$0x3FFC];
	_ =	sdelay $0x3  }
0x94: {  	_ =	strace s3  }
0x95: {  	s3 =	sld [smem:$0x3FFD];
	_ =	sdelay $0x3  }
0x96: {  	_ =	strace s3  }
0x97: {  	_ =	strace $0x8FFFFFFF  }
0x98: {  	s19 =	sld [smem:$0x3FDB];
	_ =	sdelay $0x1  }
0x99: {  	s4 =	simm.s32 $_scs_section_size  }
0x9a: {  	s5 =	simm.s32 $_size__tile_overlayer_lowered;
	s6 =	simm.s32 $_tile_overlayer_lowered  }
0x9b: {  	s22 =	simm.s32 $0x1BFF;
	s21 =	sshll.u32 s6, $0x1;
	s3 =	sadd.s32 s4, s19  }
0x9c: {  	s7 =	simm.s32 $0x0;
	s20 =	sshll.u32 s5, $0x1;
	s5 =	sadd.s32 s21, s3  }
0x9d: {  	[timem:s7], [sflag:s22] =	dma.local [hbm:s5], s20  }
0x9e: {  	_ =	swait.ge [sflag:s22], s20  }
0x9f: {  	s4 =	ssub.s32 $0x0, s20;
	[sflag:s22] =	ssyncset.done $0x0  }
0xa0: {  	[sflag:s22] =	ssyncadd.s32 s4;
	_ =	sdelay $0x1  }
0xa1: {  	s23 =	simm.s32 $0x1B8B  }
0xa2: {  	_ =	swait.ge [sflag:s23], $0x1  }
0xa3: {  	[sflag:s23] =	ssyncset.done $0x0  }
0xa4: {  	s25 =	simm.s32 $0x1B8E;
	s24 =	sld [smem:$0x3FFE];
	[sflag:s23] =	ssyncadd.s32 $0xFFFFFFFF  }
0xa5: {  	s26 =	simm.s32 $execute0_lowered;
	[smem:$0x3FD2] =	sst s25  }
0xa6: {  	s5 =	sshll.u32 s26, $0x1;
	_ =	strace $0x80000046;
	[dreg:$0x1] =	wrdreg $0xFFFFFFFF  }
0xa7: {  	s28 =	simm.s32 $_size_execute0_lowered;
	s3 =	sadd.s32 s3, s5;
	[dreg:$0x0] =	wrdreg $0x0  }
0xa8: {  	s5 =	sshll.u32 s28, $0x1;
	[dreg:$0x2] =	wrdreg s3  }
0xa9: {  	[dreg:$0x3] =	wrdreg s5  }
0xaa: {  	[dreg:$0x4] =	wrdreg $0xC0  }
0xab: {  	_ =	task [dreg:s7], $0x5FFFF  }
0xac: {  	[dreg:$0x1] =	wrdreg $0xFFFFFFFF  }
0xad: {  	[dreg:$0x0] =	wrdreg $0x60  }
0xae: {  	[dreg:$0x2] =	wrdreg s24  }
0xaf: {  	[dreg:$0x3] =	wrdreg s2  }
0xb0: {  	[dreg:$0x4] =	wrdreg $0xA8000  }
0xb1: {  	[dreg:$0x5] =	wrdreg $0x9  }
0xb2: {  	_ =	task.clear_ibuf [dreg:s7], $0x6FFFF;
	_ =	strace $0x90000046  }
0xb3: {  	s29 =	simm.s32 $0x9;
	_ =	strace $0x80000048  }
0xb4: {  	_ =	swait.ge [sflag:s29], $0x1  }
0xb5: {  	[sflag:s29] =	ssyncadd.s32 $0xFFFFFFFF  }
0xb6: {  	_ =	strace $0x90000048  }
0xb7: {  	_ =	sfence  }
0xb8: {  	s30 =	sld [smem:$0x0];
	_ =	sdelay $0x2  }
0xb9: {  	s31 =	sshll.u32 s1, $0xD;
	s1 =	sshrl.u32 s1, $0x2  }
0xba: {  	s3 =	sand.u32 $0x4000, s31;
	s1 =	sadd.s32 s1, s30  }
0xbb: {  	s0 =	sor.u32 s3, s0;
	s1 =	sshll.u32 s1, $0x11  }
0xbc: {  	s0 =	sor.u32 s1, s0  }
0xbd: {  	s0 =	sadd.s32 $0x8F2B, s0  }
0xbe: {  	[sflag:s0] =	ssyncadd.remote.s32 $0x1  }
0xbf: {  	_ =	sfence.sel $0xFFFF  }
0xc0: {  	[dreg:$0x0] =	wrdreg $0xFFFFFFFF;
	(pc) =	sbr.abs _section_cstart, $3  }
0xc1: {  	[dreg:$0x1] =	wrdreg $0xFFFFFFFF  }
0xc2: {  	_ =	task.clear_ibuf [dreg:s7], $0x2FFFF;
	_ =	strace $0x9FFFFFFF  }
0xc3: {  	(tm) =	ssettm $0x7FFFFFFF  }
tec
execute0_lowered:
.L_overlay_start_1:
0x0: {  	(tag) =	ssettag $0x1  }
0x1: {  	s5 =	rddreg [dreg:$0x0]  }
0x2: {  	s6 =	rddreg [dreg:$0x1]  }
0x3: {  	s1 =	rddreg [dreg:$0x2]  }
0x4: {  	s0 =	rddreg [dreg:$0x3]  }
0x5: {  	s2 =	simm.s32 $0x0;
	s3 =	srdreg.scid;
	s14 =	simm.s32 $0x2800  }
0x6: {  	s15 =	simm.s32 $0x6800;
	s16 =	simm.s32 $0x1;
	s17 =	simm.s32 $0x2  }
0x7: {  	s18 =	simm.s32 $0x1380;
	s19 =	simm.s32 $0x2700;
	s20 =	simm.s32 $0x2780  }
0x8: {  	[smem:$0x7FF] =	sst s2;
	s4 =	sadd.s32 $0x4200, s5;
	s7 =	sand.u32 $0x1, s3  }
0x9: {  	s8 =	sadd.s32 $0x2BA00, s5;
	s3 =	stileid.u32;
	s13 =	sadd.s32 $0xA000, s6  }
0xa: {  	_ =	strace $0x80000047;
	s9 =	smul.u32 $0x27800, s7;
	s10 =	ssub.s32 $0x2, s7  }
0xb: {  	s11 =	sshll.u32 s7, $0x4;
	s12 =	smul.u32 $0x4F000, s3;
	p0 =	seq.s32 s7, $0x0  }
0xc: {  	s23 =	smul.u32 $0x2780, s3;
	s31 =	sshll.u32 s3, $0x6;
	s29 =	sshrl.u32 s10, $0x1  }
0xd: {  	s11 =	sor.u32 s3, s11;
	s8 =	smov.u32 @p0 s4;
	s9 =	sadd.s32 s9, s5  }
0xe: {  	s10 =	ssub.s32 s10, s29;
	s30 =	sshrl.u32 s12, $0x2;
	s11 =	smul.u32 $0x500, s11  }
0xf: {  	s7 =	sadd.s32 s8, s23;
	s8 =	sor.u32 $0x1C03, s31;
	s12 =	sadd.s32 s30, s1  }
0x10: {  	s24 =	sadd.s32 $0x53200, s9;
	s5 =	sadd.s32 s6, s11;
	s6 =	smax.u32 s10, $0x1  }
0x11: {  	s9 =	sshrl.u32 s12, $0x3;
	s10 =	simm.s32 $0x3;
	s11 =	sadd.s32 s11, s13  }
0x12: {  	s12 =	simm.s32 $0x1400;
	s13 =	simm.s32 $0x80;
	s23 =	sadd.s32 s23, s24  }
0x13: {  	s24 =	simm.s32 $0x0;
	s21 =	sadd.s32 $0x280, s5;
	s22 =	sadd.s32 $0x280, s11  }
.LBB2_1:
0x14: {  	[spmem:s9], [sflag:s8] =	dma.local [hbm:s7], $0x2780  }
0x15: {  	_ =	swait.ge [sflag:s10], $0x2780  }
0x16: {  	[sflag:s10] =	ssyncset.done $0x0  }
0x17: {  	[sflag:s10] =	ssyncadd.s32 $0xFFFFD880  }
0x18: {  	[bflag:$0x0] =	sbarrier.arrive $0xFFFF  }
0x19: {  	[tilespmem:s2], [sflag:$0x3] =	stream.linear.gather [hbm4b:s5+s2], $0x1400, $0x38;
	[tilespmem:$0x1E400] =	vst v63  }
0x1a: {  	_ =	swait.ge [sflag:s10], $0x1400  }
0x1b: {  	[sflag:s10] =	ssyncset.done $0x0  }
0x1c: {  	[sflag:s10] =	ssyncadd.s32 $0xFFFFEC00  }
0x1d: {  	[tilespmem:s12], [sflag:$0x3] =	stream.linear.gather [hbm4b:s11+s2], $0x1400, $0x38;
	[tilespmem:$0x1E400] =	vst v63  }
0x1e: {  	_ =	swait.ge [sflag:s10], $0x1400  }
0x1f: {  	[sflag:s10] =	ssyncset.done $0x0  }
0x20: {  	[sflag:s10] =	ssyncadd.s32 $0xFFFFEC00  }
0x21: {  	[tilespmem:s14], [sflag:$0x1] =	stream.indirect.gather [hbm4b:s4+s13], $0x80, s2, s13, $0xb8;
	[tilespmem:$0x1E400] =	vst v63  }
0x22: {  	s25 =	simm.s32 $0x80  }
0x23: {  	[tilespmem:s15], [sflag:$0x2] =	stream.indirect.gather [hbm4b:s4+s13], $0x80, s25, s13, $0xb8;
	[tilespmem:$0x1E400] =	vst v63  }
0x24: {  	_ =	swait.ge [sflag:s16], $0x4000  }
0x25: {  	[sflag:s16] =	ssyncset.done $0x0  }
0x26: {  	s29 =	simm.s32 $0x1400;
	[sflag:s16] =	ssyncadd.s32 $0xFFFFC000  }
0x27: {  	[spmem:s1] =	stream.indirect.scatter.add.f32 [tilespmem:s14], [sflag:$0x3], $0x80, s29, s13, $0xb8;
	[tilespmem:$0x1E400] =	vst v63  }
0x28: {  	_ =	swait.ge [sflag:s10], $0x4000  }
0x29: {  	[sflag:s10] =	ssyncset.done $0x0  }
0x2a: {  	s30 =	simm.s32 $0x100;
	[sflag:s10] =	ssyncadd.s32 $0xFFFFC000  }
0x2b: {  	[tilespmem:s14], [sflag:$0x1] =	stream.indirect.gather [hbm4b:s4+s13], $0x80, s30, s13, $0xb8;
	[tilespmem:$0x1E400] =	vst v63  }
0x2c: {  	_ =	swait.ge [sflag:s17], $0x4000  }
0x2d: {  	[sflag:s17] =	ssyncset.done $0x0  }
0x2e: {  	s31 =	simm.s32 $0x1480;
	[sflag:s17] =	ssyncadd.s32 $0xFFFFC000  }
0x2f: {  	[spmem:s1] =	stream.indirect.scatter.add.f32 [tilespmem:s15], [sflag:$0x3], $0x80, s31, s13, $0xb8;
	[tilespmem:$0x1E400] =	vst v63  }
0x30: {  	_ =	swait.ge [sflag:s10], $0x4000  }
0x31: {  	s26 =	simm.s32 $0x800;
	s25 =	simm.s32 $0x100;
	[sflag:s10] =	ssyncset.done $0x0  }
.LBB2_2:
0x32: {  	s28 =	sadd.s32 $0x80, s25  }
0x33: {  	[sflag:s10] =	ssyncadd.s32 $0xFFFFC000;
	s29 =	smov.u32 s26;
	s30 =	sadd.s32 $0x400, s26  }
0x34: {  	[tilespmem:s15], [sflag:$0x2] =	stream.indirect.gather [hbm4b:s4+s13], $0x80, s28, s13, $0xb8;
	[tilespmem:$0x1E400] =	vst v63  }
0x35: {  	p0 =	sne.s32 s26, $0x4800;
	_ =	swait.ge [sflag:s16], $0x4000  }
0x36: {  	[sflag:s16] =	ssyncset.done $0x0  }
0x37: {  	s26 =	sadd.s32 $0x1400, s25;
	[sflag:s16] =	ssyncadd.s32 $0xFFFFC000  }
0x38: {  	[spmem:s1] =	stream.indirect.scatter.add.f32 [tilespmem:s14], [sflag:$0x3], $0x80, s26, s13, $0xb8;
	[tilespmem:$0x1E400] =	vst v63  }
0x39: {  	_ =	swait.ge [sflag:s10], $0x4000  }
0x3a: {  	[sflag:s10] =	ssyncset.done $0x0  }
0x3b: {  	s26 =	sadd.s32 $0x100, s25;
	[sflag:s10] =	ssyncadd.s32 $0xFFFFC000  }
0x3c: {  	[tilespmem:s14], [sflag:$0x1] =	stream.indirect.gather [hbm4b:s4+s13], $0x80, s26, s13, $0xb8;
	[tilespmem:$0x1E400] =	vst v63  }
0x3d: {  	_ =	swait.ge [sflag:s17], $0x4000  }
.Ltmp0:
0x3e: {  	[sflag:s17] =	ssyncset.done $0x0;
	(pc) =	sbr.rel @p0 .LBB2_2-.Ltmp0, $4  }
0x3f: {  	s25 =	sadd.s32 $0x1480, s25;
	[sflag:s17] =	ssyncadd.s32 $0xFFFFC000  }
0x40: {  	[spmem:s1] =	stream.indirect.scatter.add.f32 [tilespmem:s15], [sflag:$0x3], $0x80, s25, s13, $0xb8;
	[tilespmem:$0x1E400] =	vst v63  }
0x41: {  	_ =	swait.ge [sflag:s10], $0x4000  }
0x42: {  	s26 =	smov.u32 s30;
	s25 =	sshra.s32 s29, $0x2;
	[sflag:s10] =	ssyncset.done $0x0  }
0x43: {  	s26 =	sadd.s32 $0x80, s25;
	[sflag:s10] =	ssyncadd.s32 $0xFFFFC000  }
0x44: {  	[tilespmem:s15], [sflag:$0x2] =	stream.indirect.gather [hbm4b:s4+s13], $0x80, s26, s13, $0xb8;
	[tilespmem:$0x1E400] =	vst v63  }
0x45: {  	_ =	swait.ge [sflag:s16], $0x4000  }
0x46: {  	[sflag:s16] =	ssyncset.done $0x0  }
0x47: {  	s29 =	sadd.s32 $0x1400, s25;
	[sflag:s16] =	ssyncadd.s32 $0xFFFFC000  }
0x48: {  	[spmem:s1] =	stream.indirect.scatter.add.f32 [tilespmem:s14], [sflag:$0x3], $0x80, s29, s13, $0xb8;
	[tilespmem:$0x1E400] =	vst v63  }
0x49: {  	_ =	swait.ge [sflag:s10], $0x4000  }
0x4a: {  	[sflag:s10] =	ssyncset.done $0x0  }
0x4b: {  	s30 =	sadd.s32 $0x100, s25;
	[sflag:s10] =	ssyncadd.s32 $0xFFFFC000  }
0x4c: {  	[tilespmem:s14], [sflag:$0x1] =	stream.indirect.gather [hbm4b:s4+s13], $0x80, s30, s13, $0xb8;
	[tilespmem:$0x1E400] =	vst v63  }
0x4d: {  	_ =	swait.ge [sflag:s17], $0x4000  }
0x4e: {  	[sflag:s17] =	ssyncset.done $0x0  }
0x4f: {  	s31 =	sadd.s32 $0x1480, s25;
	[sflag:s17] =	ssyncadd.s32 $0xFFFFC000  }
0x50: {  	[spmem:s1] =	stream.indirect.scatter.add.f32 [tilespmem:s15], [sflag:$0x3], $0x80, s31, s13, $0xb8;
	[tilespmem:$0x1E400] =	vst v63  }
0x51: {  	_ =	swait.ge [sflag:s10], $0x4000  }
0x52: {  	[sflag:s10] =	ssyncset.done $0x0  }
0x53: {  	[sflag:s10] =	ssyncadd.s32 $0xFFFFC000  }
0x54: {  	[tilespmem:s15], [sflag:$0x2] =	stream.indirect.gather [hbm4b:s4+s13], $0x80, s18, s13, $0xb8;
	[tilespmem:$0x1E400] =	vst v63  }
0x55: {  	_ =	swait.ge [sflag:s16], $0x4000  }
0x56: {  	[sflag:s16] =	ssyncset.done $0x0  }
0x57: {  	[sflag:s16] =	ssyncadd.s32 $0xFFFFC000  }
0x58: {  	[spmem:s1] =	stream.indirect.scatter.add.f32 [tilespmem:s14], [sflag:$0x3], $0x80, s19, s13, $0xb8;
	[tilespmem:$0x1E400] =	vst v63  }
0x59: {  	_ =	swait.ge [sflag:s10], $0x4000  }
0x5a: {  	[sflag:s10] =	ssyncset.done $0x0  }
0x5b: {  	[sflag:s10] =	ssyncadd.s32 $0xFFFFC000  }
0x5c: {  	_ =	swait.ge [sflag:s17], $0x4000  }
0x5d: {  	[sflag:s17] =	ssyncset.done $0x0  }
0x5e: {  	[sflag:s17] =	ssyncadd.s32 $0xFFFFC000  }
0x5f: {  	[spmem:s1] =	stream.indirect.scatter.add.f32 [tilespmem:s15], [sflag:$0x3], $0x80, s20, s13, $0xb8;
	[tilespmem:$0x1E400] =	vst v63  }
0x60: {  	_ =	swait.ge [sflag:s10], $0x4000  }
0x61: {  	[sflag:s10] =	ssyncset.done $0x0  }
0x62: {  	s26 =	simm.s32 $0x0;
	[sflag:s10] =	ssyncadd.s32 $0xFFFFC000  }
0x63: {  	[tilespmem:s26], [sflag:$0x3] =	stream.linear.gather [hbm4b:s21+s26], $0x1400, $0x38;
	[tilespmem:$0x1E400] =	vst v63  }
0x64: {  	_ =	swait.ge [sflag:s10], $0x1400  }
0x65: {  	[sflag:s10] =	ssyncset.done $0x0  }
0x66: {  	[sflag:s10] =	ssyncadd.s32 $0xFFFFEC00  }
0x67: {  	[tilespmem:s12], [sflag:$0x3] =	stream.linear.gather [hbm4b:s22+s26], $0x1400, $0x38;
	[tilespmem:$0x1E400] =	vst v63  }
0x68: {  	_ =	swait.ge [sflag:s10], $0x1400  }
0x69: {  	[sflag:s10] =	ssyncset.done $0x0  }
0x6a: {  	[sflag:s10] =	ssyncadd.s32 $0xFFFFEC00  }
0x6b: {  	[tilespmem:s14], [sflag:$0x1] =	stream.indirect.gather [hbm4b:s4+s13], $0x80, s26, s13, $0xb8;
	[tilespmem:$0x1E400] =	vst v63  }
0x6c: {  	s28 =	simm.s32 $0x80  }
0x6d: {  	[tilespmem:s15], [sflag:$0x2] =	stream.indirect.gather [hbm4b:s4+s13], $0x80, s28, s13, $0xb8;
	[tilespmem:$0x1E400] =	vst v63  }
0x6e: {  	_ =	swait.ge [sflag:s16], $0x4000  }
0x6f: {  	[sflag:s16] =	ssyncset.done $0x0  }
0x70: {  	s29 =	simm.s32 $0x1400;
	[sflag:s16] =	ssyncadd.s32 $0xFFFFC000  }
0x71: {  	[spmem:s1] =	stream.indirect.scatter.add.f32 [tilespmem:s14], [sflag:$0x3], $0x80, s29, s13, $0xb8;
	[tilespmem:$0x1E400] =	vst v63  }
0x72: {  	_ =	swait.ge [sflag:s10], $0x4000  }
0x73: {  	[sflag:s10] =	ssyncset.done $0x0  }
0x74: {  	s30 =	simm.s32 $0x100;
	[sflag:s10] =	ssyncadd.s32 $0xFFFFC000  }
0x75: {  	[tilespmem:s14], [sflag:$0x1] =	stream.indirect.gather [hbm4b:s4+s13], $0x80, s30, s13, $0xb8;
	[tilespmem:$0x1E400] =	vst v63  }
0x76: {  	_ =	swait.ge [sflag:s17], $0x4000  }
0x77: {  	[sflag:s17] =	ssyncset.done $0x0  }
0x78: {  	s31 =	simm.s32 $0x1480;
	[sflag:s17] =	ssyncadd.s32 $0xFFFFC000  }
0x79: {  	[spmem:s1] =	stream.indirect.scatter.add.f32 [tilespmem:s15], [sflag:$0x3], $0x80, s31, s13, $0xb8;
	[tilespmem:$0x1E400] =	vst v63  }
0x7a: {  	_ =	swait.ge [sflag:s10], $0x4000  }
0x7b: {  	s25 =	simm.s32 $0x100;
	s26 =	simm.s32 $0x800;
	[sflag:s10] =	ssyncset.done $0x0  }
.LBB2_4:
0x7c: {  	s28 =	sadd.s32 $0x80, s25  }
0x7d: {  	[sflag:s10] =	ssyncadd.s32 $0xFFFFC000;
	s29 =	smov.u32 s26;
	s30 =	sadd.s32 $0x400, s26  }
0x7e: {  	[tilespmem:s15], [sflag:$0x2] =	stream.indirect.gather [hbm4b:s4+s13], $0x80, s28, s13, $0xb8;
	[tilespmem:$0x1E400] =	vst v63  }
0x7f: {  	p0 =	sne.s32 s26, $0x4800;
	_ =	swait.ge [sflag:s16], $0x4000  }
0x80: {  	[sflag:s16] =	ssyncset.done $0x0  }
0x81: {  	s26 =	sadd.s32 $0x1400, s25;
	[sflag:s16] =	ssyncadd.s32 $0xFFFFC000  }
0x82: {  	[spmem:s1] =	stream.indirect.scatter.add.f32 [tilespmem:s14], [sflag:$0x3], $0x80, s26, s13, $0xb8;
	[tilespmem:$0x1E400] =	vst v63  }
0x83: {  	_ =	swait.ge [sflag:s10], $0x4000  }
0x84: {  	[sflag:s10] =	ssyncset.done $0x0  }
0x85: {  	s26 =	sadd.s32 $0x100, s25;
	[sflag:s10] =	ssyncadd.s32 $0xFFFFC000  }
0x86: {  	[tilespmem:s14], [sflag:$0x1] =	stream.indirect.gather [hbm4b:s4+s13], $0x80, s26, s13, $0xb8;
	[tilespmem:$0x1E400] =	vst v63  }
0x87: {  	_ =	swait.ge [sflag:s17], $0x4000  }
.Ltmp1:
0x88: {  	[sflag:s17] =	ssyncset.done $0x0;
	(pc) =	sbr.rel @p0 .LBB2_4-.Ltmp1, $4  }
0x89: {  	s25 =	sadd.s32 $0x1480, s25;
	[sflag:s17] =	ssyncadd.s32 $0xFFFFC000  }
0x8a: {  	[spmem:s1] =	stream.indirect.scatter.add.f32 [tilespmem:s15], [sflag:$0x3], $0x80, s25, s13, $0xb8;
	[tilespmem:$0x1E400] =	vst v63  }
0x8b: {  	_ =	swait.ge [sflag:s10], $0x4000  }
0x8c: {  	s26 =	smov.u32 s30;
	s25 =	sshra.s32 s29, $0x2;
	[sflag:s10] =	ssyncset.done $0x0  }
0x8d: {  	s26 =	sadd.s32 $0x80, s25;
	[sflag:s10] =	ssyncadd.s32 $0xFFFFC000  }
0x8e: {  	[tilespmem:s15], [sflag:$0x2] =	stream.indirect.gather [hbm4b:s4+s13], $0x80, s26, s13, $0xb8;
	[tilespmem:$0x1E400] =	vst v63  }
0x8f: {  	_ =	swait.ge [sflag:s16], $0x4000  }
0x90: {  	[sflag:s16] =	ssyncset.done $0x0  }
0x91: {  	s29 =	sadd.s32 $0x1400, s25;
	[sflag:s16] =	ssyncadd.s32 $0xFFFFC000  }
0x92: {  	[spmem:s1] =	stream.indirect.scatter.add.f32 [tilespmem:s14], [sflag:$0x3], $0x80, s29, s13, $0xb8;
	[tilespmem:$0x1E400] =	vst v63  }
0x93: {  	_ =	swait.ge [sflag:s10], $0x4000  }
0x94: {  	[sflag:s10] =	ssyncset.done $0x0  }
0x95: {  	s30 =	sadd.s32 $0x100, s25;
	[sflag:s10] =	ssyncadd.s32 $0xFFFFC000  }
0x96: {  	[tilespmem:s14], [sflag:$0x1] =	stream.indirect.gather [hbm4b:s4+s13], $0x80, s30, s13, $0xb8;
	[tilespmem:$0x1E400] =	vst v63  }
0x97: {  	_ =	swait.ge [sflag:s17], $0x4000  }
0x98: {  	[sflag:s17] =	ssyncset.done $0x0  }
0x99: {  	s31 =	sadd.s32 $0x1480, s25;
	[sflag:s17] =	ssyncadd.s32 $0xFFFFC000  }
0x9a: {  	[spmem:s1] =	stream.indirect.scatter.add.f32 [tilespmem:s15], [sflag:$0x3], $0x80, s31, s13, $0xb8;
	[tilespmem:$0x1E400] =	vst v63  }
0x9b: {  	_ =	swait.ge [sflag:s10], $0x4000  }
0x9c: {  	[sflag:s10] =	ssyncset.done $0x0  }
0x9d: {  	[sflag:s10] =	ssyncadd.s32 $0xFFFFC000  }
0x9e: {  	[tilespmem:s15], [sflag:$0x2] =	stream.indirect.gather [hbm4b:s4+s13], $0x80, s18, s13, $0xb8;
	[tilespmem:$0x1E400] =	vst v63  }
0x9f: {  	_ =	swait.ge [sflag:s16], $0x4000  }
0xa0: {  	[sflag:s16] =	ssyncset.done $0x0  }
0xa1: {  	[sflag:s16] =	ssyncadd.s32 $0xFFFFC000  }
0xa2: {  	[spmem:s1] =	stream.indirect.scatter.add.f32 [tilespmem:s14], [sflag:$0x3], $0x80, s19, s13, $0xb8;
	[tilespmem:$0x1E400] =	vst v63  }
0xa3: {  	_ =	swait.ge [sflag:s10], $0x4000  }
0xa4: {  	[sflag:s10] =	ssyncset.done $0x0  }
0xa5: {  	[sflag:s10] =	ssyncadd.s32 $0xFFFFC000  }
0xa6: {  	_ =	swait.ge [sflag:s17], $0x4000  }
0xa7: {  	[sflag:s17] =	ssyncset.done $0x0  }
0xa8: {  	[sflag:s17] =	ssyncadd.s32 $0xFFFFC000  }
0xa9: {  	[spmem:s1] =	stream.indirect.scatter.add.f32 [tilespmem:s15], [sflag:$0x3], $0x80, s20, s13, $0xb8;
	[tilespmem:$0x1E400] =	vst v63  }
0xaa: {  	_ =	swait.ge [sflag:s10], $0x4000  }
0xab: {  	s24 =	sadd.s32 $0x1, s24;
	[sflag:s10] =	ssyncset.done $0x0  }
0xac: {  	p0 =	sne.s32 s24, s6;
	[sflag:s10] =	ssyncadd.s32 $0xFFFFC000  }
.Ltmp2:
0xad: {  	[bflag:$0x0] =	sbarrier.arrive $0xFFFF;
	(pc) =	sbr.rel @p0 .LBB2_1-.Ltmp2, $4  }
0xae: {  	[hbm:s23], [sflag:s8] =	dma.local [spmem:s9], $0x2780  }
0xaf: {  	_ =	swait.ge [sflag:s10], $0x2780  }
0xb0: {  	[sflag:s10] =	ssyncset.done $0x0  }
0xb1: {  	[sflag:s10] =	ssyncadd.s32 $0xFFFFD880  }
0xb2: {  	_ =	sfence.sel $0x180000  }
0xb3: {  	[bflag:$0x0] =	sbarrier.arrive $0xFFFF  }
0xb4: {  	p0 =	sne.s32 s3, $0x0;
	_ =	strace $0x90000047  }
0xb5: {  	s0 =	sadd.s32 @!p0 $0x100000, s0;
	[bflag:$0x2] =	sbarrier.arrive $0xFFFF  }
0xb6: {  	[sflag:s0] =	ssyncadd.tile.s32 @!p0 $0x1;
	_ =	shalt  }
.Lfunc_end2:
_tile_overlayer_lowered:
.L_overlay_start_2:
0xb7: {  	(tag) =	ssettag $0x2  }
0xb8: {  	s0 =	rddreg [dreg:$0x0];
	s2 =	stileid.u32  }
0xb9: {  	s1 =	rddreg [dreg:$0x1];
	p0 =	sne.s32 s2, $0x0  }
0xba: {  	s3 =	rddreg [dreg:$0x2];
	[bflag:$0x3] =	sbarrier.arrive $0xFFFF;
	s2 =	simm.s32 @!p0 $0x1C03  }
0xbb: {  	[timem:s3], [sflag:s2] =	dma.local @!p0 [hbm:s0], s1  }
0xbc: {  	s0 =	simm.s32 @!p0 $0x3  }
0xbd: {  	_ =	swait.ge @!p0 [sflag:s0], s1  }
0xbe: {  	s1 =	ssub.s32 @!p0 $0x0, s1;
	[sflag:s0] =	ssyncset.done @!p0 $0x0  }
0xbf: {  	[sflag:s0] =	ssyncadd.s32 @!p0 s1  }
0xc0: {  	[bflag:$0x3] =	sbarrier.arrive $0xFFFF  }
0xc1: {  	_ =	shalt  }

</sc_bundles>
